<compile_context>
chip_gen: v7x
topology: tpu7x:2x2x1
jax: 0.10.2.dev20260603
libtpu: 0.0.44.dev20260713+nightly
codegen_flags: <defaults>
</compile_context>

<pallas_src>
import functools

import jax
import jax.numpy as jnp
from jax import lax
from jax.experimental import pallas as pl
from jax.experimental.pallas import tpu as pltpu
from jax.experimental.pallas import tpu_sc as plsc


def _make_sc_add(S, D, B, R, KREG):
    info = plsc.get_sparse_core_info()
    NC, NS = info.num_cores, info.num_subcores
    NW = NC * NS
    rspan = S // NW
    T = rspan // R
    NK = R * D // (16 * KREG)
    assert S % NW == 0 and rspan % R == 0 and T % 2 == 0
    assert R * D % (16 * KREG) == 0 and D % (16 * KREG) == 0
    mesh = plsc.VectorSubcoreMesh(core_axis_name="c", subcore_axis_name="s")

    @functools.partial(
        pl.kernel,
        mesh=mesh,
        out_type=jax.ShapeDtypeStruct((B * S, D), jnp.float32),
        scratch_types=(
            [pltpu.VMEM((R, D), jnp.float32) for _ in range(2 * B)]
            + [pltpu.VMEM((R, D), jnp.float32) for _ in range(B)]
            + [pltpu.VMEM((R, D), jnp.float32) for _ in range(2)]
            + [
                pltpu.SemaphoreType.DMA,
                pltpu.SemaphoreType.DMA,
                pltpu.SemaphoreType.DMA,
                pltpu.SemaphoreType.DMA,
                pltpu.SemaphoreType.DMA,
            ]
        ),
    )
    def k(x_hbm, e_hbm, o_hbm, *refs):
        xin = tuple(tuple(refs[b * 2 + p] for p in range(2)) for b in range(B))
        xout = tuple(refs[2 * B + b] for b in range(B))
        eb = (refs[3 * B], refs[3 * B + 1])
        sxl = (refs[3 * B + 2], refs[3 * B + 3])
        se = (refs[3 * B + 4], refs[3 * B + 5])
        sso = refs[3 * B + 6]
        wid = lax.axis_index("s") * NC + lax.axis_index("c")
        wrbase = wid * rspan

        def xrow(t, b):
            return b * S + wrbase + t * R

        def erow(t):
            return wrbase + t * R

        def xload(t, b, p):
            pltpu.make_async_copy(
                x_hbm.at[pl.ds(xrow(t, b), R)], xin[b][p], sxl[p]).start()

        def eload(t, p):
            pltpu.make_async_copy(
                e_hbm.at[pl.ds(erow(t), R)], eb[p], se[p]).start()

        for p in range(2):
            eload(p, p)
            for b in range(B):
                xload(p, b, p)

        def body(it, carry):
            t0 = it * 2
            for tt in range(2):
                t = t0 + tt
                pltpu.make_async_copy(
                    e_hbm.at[pl.ds(erow(t), R)], eb[tt], se[tt]).wait()
                for b in range(B):
                    pltpu.make_async_copy(
                        x_hbm.at[pl.ds(xrow(t, b), R)], xin[b][tt],
                        sxl[tt]).wait()

                def drain():
                    for b in range(B):
                        pltpu.make_async_copy(
                            xout[b], o_hbm.at[pl.ds(0, R)], sso).wait()

                if tt == 0:
                    pl.when(t0 > 0)(drain)
                else:
                    drain()

                @plsc.parallel_loop(0, NK, unroll=1)
                def addk(kk):
                    r = kk // (D // (16 * KREG))
                    c0 = (kk % (D // (16 * KREG))) * (16 * KREG)
                    evals = [
                        eb[tt][r, pl.ds(c0 + j * 16, 16)] for j in range(KREG)
                    ]
                    for b in range(B):
                        for j in range(KREG):
                            sl = pl.ds(c0 + j * 16, 16)
                            xout[b][r, sl] = xin[b][tt][r, sl] + evals[j]

                for b in range(B):
                    pltpu.make_async_copy(
                        xout[b], o_hbm.at[pl.ds(xrow(t, b), R)], sso).start()

                def prefetch():
                    eload(t + 2, tt)
                    for b in range(B):
                        xload(t + 2, b, tt)

                pl.when(t + 2 < T)(prefetch)
            return carry

        lax.fori_loop(0, T // 2, body, 0)

        for b in range(B):
            pltpu.make_async_copy(xout[b], o_hbm.at[pl.ds(0, R)], sso).wait()

    return k


def kernel(x, emb):
    B, S, D = x.shape
    k = _make_sc_add(S, D, B, 8, 8)
    out = k(x.reshape(B * S, D), emb[:S])
    return out.reshape(B, S, D)

# --- scband reference (transcript-rebuilt; emitter-appended) ---
"""Pipeline reference for scband-learned-positional-embedding-103079215697 (READ-ONLY COPY).

The authoritative reference and input builder live on the scoring server;
editing this copy changes nothing except your own understanding.
"""

import jax, jax.numpy as jnp
import numpy as np

D_MODEL = 1024
MAX_LEN = 8192
BATCH = 4
SEQ_LEN = 8192

def setup_inputs(seed: int = 0) -> dict:
    key = jax.random.key(seed)
    k1, k2 = jax.random.split(key)
    x = jax.random.normal(k1, (BATCH, SEQ_LEN, D_MODEL), dtype=jnp.float32)
    # learned positional embedding table, nn.Embedding default init ~ N(0,1)
    emb = jax.random.normal(k2, (MAX_LEN, D_MODEL), dtype=jnp.float32)
    return {"x": x, "emb": emb}

def reference(x, emb):
    seq_len = x.shape[1]
    positions = jnp.arange(seq_len)  # (seq_len,)
    pos_emb = jnp.take(emb, positions, axis=0)  # (seq_len, d_model)
    out = x + pos_emb[None, :, :]
    # dropout is identity in eval mode
    return out

if __name__ == "__main__":
    import jax
    _d = setup_inputs()
    print(jax.jit(kernel)(*tuple(_d.values())))

</pallas_src>

<mosaic_0001>
#map = affine_map<(d0, d1) -> (0, 0)>
module attributes {stable_mosaic.version = 14 : i64} {
  func.func @k(%arg0: i32, %arg1: i32, %arg2: memref<32768x1024xf32, #tpu.memory_space<hbm>>, %arg3: memref<8192x1024xf32, #tpu.memory_space<hbm>>, %arg4: memref<32768x1024xf32, #tpu.memory_space<hbm>>, %arg5: memref<8x1024xf32, #tpu.memory_space<vmem>>, %arg6: memref<8x1024xf32, #tpu.memory_space<vmem>>, %arg7: memref<8x1024xf32, #tpu.memory_space<vmem>>, %arg8: memref<8x1024xf32, #tpu.memory_space<vmem>>, %arg9: memref<8x1024xf32, #tpu.memory_space<vmem>>, %arg10: memref<8x1024xf32, #tpu.memory_space<vmem>>, %arg11: memref<8x1024xf32, #tpu.memory_space<vmem>>, %arg12: memref<8x1024xf32, #tpu.memory_space<vmem>>, %arg13: memref<8x1024xf32, #tpu.memory_space<vmem>>, %arg14: memref<8x1024xf32, #tpu.memory_space<vmem>>, %arg15: memref<8x1024xf32, #tpu.memory_space<vmem>>, %arg16: memref<8x1024xf32, #tpu.memory_space<vmem>>, %arg17: memref<8x1024xf32, #tpu.memory_space<vmem>>, %arg18: memref<8x1024xf32, #tpu.memory_space<vmem>>, %arg19: memref<!tpu.dma_semaphore, #tpu.memory_space<semaphore_mem>>, %arg20: memref<!tpu.dma_semaphore, #tpu.memory_space<semaphore_mem>>, %arg21: memref<!tpu.dma_semaphore, #tpu.memory_space<semaphore_mem>>, %arg22: memref<!tpu.dma_semaphore, #tpu.memory_space<semaphore_mem>>, %arg23: memref<!tpu.dma_semaphore, #tpu.memory_space<semaphore_mem>>) attributes {dimension_semantics = [#tpu.dimension_semantics<core_parallel>, #tpu.dimension_semantics<subcore_parallel>], iteration_bounds = array<i64: 2, 16>, scalar_prefetch = 0 : i64, scratch_operands = 19 : i64, tpu.core_type = #tpu.core_type<sc_vector_subcore>, window_params = [{transform_indices = #map}, {transform_indices = #map}, {transform_indices = #map}]} {
    %mul3A = arith.constant 2 : i32
    %mul3A_0 = arith.muli %arg1, %mul3A : i32
    %add3A = arith.addi %mul3A_0, %arg0 : i32
    %mul3A_1 = arith.constant 256 : i32
    %mul3A_2 = arith.muli %add3A, %mul3A_1 : i32
    %add3A_3 = arith.constant 0 : i32
    %add3A_4 = arith.addi %mul3A_2, %add3A_3 : i32
    %dma_start3A = arith.constant 0 : i32
    %dma_start3A_5 = tpu.memref_slice %arg3[%add3A_4, %dma_start3A] : memref<8192x1024xf32, #tpu.memory_space<hbm>> -> memref<8x1024xf32, #tpu.memory_space<hbm>>
    %dma_start3A_6 = arith.constant 0 : i32
    %dma_start3A_7 = tpu.memref_slice %arg3[%add3A_4, %dma_start3A_6] : memref<8192x1024xf32, #tpu.memory_space<hbm>> -> memref<8x1024xf32, #tpu.memory_space<hbm>>
    tpu.enqueue_dma source(%dma_start3A_7 : memref<8x1024xf32, #tpu.memory_space<hbm>>) target(%arg17 : memref<8x1024xf32, #tpu.memory_space<vmem>>) target_semaphore(%arg21 : memref<!tpu.dma_semaphore, #tpu.memory_space<semaphore_mem>>)
    %add3A_8 = arith.constant 0 : i32
    %add3A_9 = arith.addi %add3A_8, %mul3A_2 : i32
    %add3A_10 = arith.constant 0 : i32
    %add3A_11 = arith.addi %add3A_9, %add3A_10 : i32
    %dma_start3A_12 = arith.constant 0 : i32
    %dma_start3A_13 = tpu.memref_slice %arg2[%add3A_11, %dma_start3A_12] : memref<32768x1024xf32, #tpu.memory_space<hbm>> -> memref<8x1024xf32, #tpu.memory_space<hbm>>
    %dma_start3A_14 = arith.constant 0 : i32
    %dma_start3A_15 = tpu.memref_slice %arg2[%add3A_11, %dma_start3A_14] : memref<32768x1024xf32, #tpu.memory_space<hbm>> -> memref<8x1024xf32, #tpu.memory_space<hbm>>
    tpu.enqueue_dma source(%dma_start3A_15 : memref<8x1024xf32, #tpu.memory_space<hbm>>) target(%arg5 : memref<8x1024xf32, #tpu.memory_space<vmem>>) target_semaphore(%arg19 : memref<!tpu.dma_semaphore, #tpu.memory_space<semaphore_mem>>)
    %add3A_16 = arith.constant 8192 : i32
    %add3A_17 = arith.addi %add3A_16, %mul3A_2 : i32
    %add3A_18 = arith.constant 0 : i32
    %add3A_19 = arith.addi %add3A_17, %add3A_18 : i32
    %dma_start3A_20 = arith.constant 0 : i32
    %dma_start3A_21 = tpu.memref_slice %arg2[%add3A_19, %dma_start3A_20] : memref<32768x1024xf32, #tpu.memory_space<hbm>> -> memref<8x1024xf32, #tpu.memory_space<hbm>>
    %dma_start3A_22 = arith.constant 0 : i32
    %dma_start3A_23 = tpu.memref_slice %arg2[%add3A_19, %dma_start3A_22] : memref<32768x1024xf32, #tpu.memory_space<hbm>> -> memref<8x1024xf32, #tpu.memory_space<hbm>>
    tpu.enqueue_dma source(%dma_start3A_23 : memref<8x1024xf32, #tpu.memory_space<hbm>>) target(%arg7 : memref<8x1024xf32, #tpu.memory_space<vmem>>) target_semaphore(%arg19 : memref<!tpu.dma_semaphore, #tpu.memory_space<semaphore_mem>>)
    %add3A_24 = arith.constant 16384 : i32
    %add3A_25 = arith.addi %add3A_24, %mul3A_2 : i32
    %add3A_26 = arith.constant 0 : i32
    %add3A_27 = arith.addi %add3A_25, %add3A_26 : i32
    %dma_start3A_28 = arith.constant 0 : i32
    %dma_start3A_29 = tpu.memref_slice %arg2[%add3A_27, %dma_start3A_28] : memref<32768x1024xf32, #tpu.memory_space<hbm>> -> memref<8x1024xf32, #tpu.memory_space<hbm>>
    %dma_start3A_30 = arith.constant 0 : i32
    %dma_start3A_31 = tpu.memref_slice %arg2[%add3A_27, %dma_start3A_30] : memref<32768x1024xf32, #tpu.memory_space<hbm>> -> memref<8x1024xf32, #tpu.memory_space<hbm>>
    tpu.enqueue_dma source(%dma_start3A_31 : memref<8x1024xf32, #tpu.memory_space<hbm>>) target(%arg9 : memref<8x1024xf32, #tpu.memory_space<vmem>>) target_semaphore(%arg19 : memref<!tpu.dma_semaphore, #tpu.memory_space<semaphore_mem>>)
    %add3A_32 = arith.constant 24576 : i32
    %add3A_33 = arith.addi %add3A_32, %mul3A_2 : i32
    %add3A_34 = arith.constant 0 : i32
    %add3A_35 = arith.addi %add3A_33, %add3A_34 : i32
    %dma_start3A_36 = arith.constant 0 : i32
    %dma_start3A_37 = tpu.memref_slice %arg2[%add3A_35, %dma_start3A_36] : memref<32768x1024xf32, #tpu.memory_space<hbm>> -> memref<8x1024xf32, #tpu.memory_space<hbm>>
    %dma_start3A_38 = arith.constant 0 : i32
    %dma_start3A_39 = tpu.memref_slice %arg2[%add3A_35, %dma_start3A_38] : memref<32768x1024xf32, #tpu.memory_space<hbm>> -> memref<8x1024xf32, #tpu.memory_space<hbm>>
    tpu.enqueue_dma source(%dma_start3A_39 : memref<8x1024xf32, #tpu.memory_space<hbm>>) target(%arg11 : memref<8x1024xf32, #tpu.memory_space<vmem>>) target_semaphore(%arg19 : memref<!tpu.dma_semaphore, #tpu.memory_space<semaphore_mem>>)
    %add3A_40 = arith.constant 8 : i32
    %add3A_41 = arith.addi %mul3A_2, %add3A_40 : i32
    %dma_start3A_42 = arith.constant 0 : i32
    %dma_start3A_43 = tpu.memref_slice %arg3[%add3A_41, %dma_start3A_42] : memref<8192x1024xf32, #tpu.memory_space<hbm>> -> memref<8x1024xf32, #tpu.memory_space<hbm>>
    %dma_start3A_44 = arith.constant 0 : i32
    %dma_start3A_45 = tpu.memref_slice %arg3[%add3A_41, %dma_start3A_44] : memref<8192x1024xf32, #tpu.memory_space<hbm>> -> memref<8x1024xf32, #tpu.memory_space<hbm>>
    tpu.enqueue_dma source(%dma_start3A_45 : memref<8x1024xf32, #tpu.memory_space<hbm>>) target(%arg18 : memref<8x1024xf32, #tpu.memory_space<vmem>>) target_semaphore(%arg22 : memref<!tpu.dma_semaphore, #tpu.memory_space<semaphore_mem>>)
    %add3A_46 = arith.constant 0 : i32
    %add3A_47 = arith.addi %add3A_46, %mul3A_2 : i32
    %add3A_48 = arith.constant 8 : i32
    %add3A_49 = arith.addi %add3A_47, %add3A_48 : i32
    %dma_start3A_50 = arith.constant 0 : i32
    %dma_start3A_51 = tpu.memref_slice %arg2[%add3A_49, %dma_start3A_50] : memref<32768x1024xf32, #tpu.memory_space<hbm>> -> memref<8x1024xf32, #tpu.memory_space<hbm>>
    %dma_start3A_52 = arith.constant 0 : i32
    %dma_start3A_53 = tpu.memref_slice %arg2[%add3A_49, %dma_start3A_52] : memref<32768x1024xf32, #tpu.memory_space<hbm>> -> memref<8x1024xf32, #tpu.memory_space<hbm>>
    tpu.enqueue_dma source(%dma_start3A_53 : memref<8x1024xf32, #tpu.memory_space<hbm>>) target(%arg6 : memref<8x1024xf32, #tpu.memory_space<vmem>>) target_semaphore(%arg20 : memref<!tpu.dma_semaphore, #tpu.memory_space<semaphore_mem>>)
    %add3A_54 = arith.constant 8192 : i32
    %add3A_55 = arith.addi %add3A_54, %mul3A_2 : i32
    %add3A_56 = arith.constant 8 : i32
    %add3A_57 = arith.addi %add3A_55, %add3A_56 : i32
    %dma_start3A_58 = arith.constant 0 : i32
    %dma_start3A_59 = tpu.memref_slice %arg2[%add3A_57, %dma_start3A_58] : memref<32768x1024xf32, #tpu.memory_space<hbm>> -> memref<8x1024xf32, #tpu.memory_space<hbm>>
    %dma_start3A_60 = arith.constant 0 : i32
    %dma_start3A_61 = tpu.memref_slice %arg2[%add3A_57, %dma_start3A_60] : memref<32768x1024xf32, #tpu.memory_space<hbm>> -> memref<8x1024xf32, #tpu.memory_space<hbm>>
    tpu.enqueue_dma source(%dma_start3A_61 : memref<8x1024xf32, #tpu.memory_space<hbm>>) target(%arg8 : memref<8x1024xf32, #tpu.memory_space<vmem>>) target_semaphore(%arg20 : memref<!tpu.dma_semaphore, #tpu.memory_space<semaphore_mem>>)
    %add3A_62 = arith.constant 16384 : i32
    %add3A_63 = arith.addi %add3A_62, %mul3A_2 : i32
    %add3A_64 = arith.constant 8 : i32
    %add3A_65 = arith.addi %add3A_63, %add3A_64 : i32
    %dma_start3A_66 = arith.constant 0 : i32
    %dma_start3A_67 = tpu.memref_slice %arg2[%add3A_65, %dma_start3A_66] : memref<32768x1024xf32, #tpu.memory_space<hbm>> -> memref<8x1024xf32, #tpu.memory_space<hbm>>
    %dma_start3A_68 = arith.constant 0 : i32
    %dma_start3A_69 = tpu.memref_slice %arg2[%add3A_65, %dma_start3A_68] : memref<32768x1024xf32, #tpu.memory_space<hbm>> -> memref<8x1024xf32, #tpu.memory_space<hbm>>
    tpu.enqueue_dma source(%dma_start3A_69 : memref<8x1024xf32, #tpu.memory_space<hbm>>) target(%arg10 : memref<8x1024xf32, #tpu.memory_space<vmem>>) target_semaphore(%arg20 : memref<!tpu.dma_semaphore, #tpu.memory_space<semaphore_mem>>)
    %add3A_70 = arith.constant 24576 : i32
    %add3A_71 = arith.addi %add3A_70, %mul3A_2 : i32
    %add3A_72 = arith.constant 8 : i32
    %add3A_73 = arith.addi %add3A_71, %add3A_72 : i32
    %dma_start3A_74 = arith.constant 0 : i32
    %dma_start3A_75 = tpu.memref_slice %arg2[%add3A_73, %dma_start3A_74] : memref<32768x1024xf32, #tpu.memory_space<hbm>> -> memref<8x1024xf32, #tpu.memory_space<hbm>>
    %dma_start3A_76 = arith.constant 0 : i32
    %dma_start3A_77 = tpu.memref_slice %arg2[%add3A_73, %dma_start3A_76] : memref<32768x1024xf32, #tpu.memory_space<hbm>> -> memref<8x1024xf32, #tpu.memory_space<hbm>>
    tpu.enqueue_dma source(%dma_start3A_77 : memref<8x1024xf32, #tpu.memory_space<hbm>>) target(%arg12 : memref<8x1024xf32, #tpu.memory_space<vmem>>) target_semaphore(%arg20 : memref<!tpu.dma_semaphore, #tpu.memory_space<semaphore_mem>>)
    %scan3A = arith.constant 0 : i32
    %scan3A_78 = arith.constant 0 : i32
    %scan3A_79 = arith.constant 16 : i32
    %scan3A_80 = arith.addi %scan3A_78, %scan3A_79 : i32
    %scan3A_81 = arith.constant 1 : i32
    scf.for %scan3A_106 = %scan3A_78 to %scan3A_80 step %scan3A_81  : i32 {
      %mul3A_107 = arith.constant 2 : i32
      %mul3A_108 = arith.muli %scan3A_106, %mul3A_107 : i32
      %add3A_109 = arith.constant 0 : i32
      %add3A_110 = arith.addi %mul3A_108, %add3A_109 : i32
      %mul3A_111 = arith.constant 8 : i32
      %mul3A_112 = arith.muli %add3A_110, %mul3A_111 : i32
      %add3A_113 = arith.addi %mul3A_2, %mul3A_112 : i32
      %dma_wait3A_114 = arith.constant 0 : i32
      %dma_wait3A_115 = tpu.memref_slice %arg3[%add3A_113, %dma_wait3A_114] : memref<8192x1024xf32, #tpu.memory_space<hbm>> -> memref<8x1024xf32, #tpu.memory_space<hbm>>
      %dma_wait3A_116 = arith.constant 0 : i32
      %dma_wait3A_117 = tpu.memref_slice %arg3[%add3A_113, %dma_wait3A_116] : memref<8192x1024xf32, #tpu.memory_space<hbm>> -> memref<8x1024xf32, #tpu.memory_space<hbm>>
      tpu.wait_dma2 semaphore(%arg21 : memref<!tpu.dma_semaphore, #tpu.memory_space<semaphore_mem>>) src(%dma_wait3A_117 : memref<8x1024xf32, #tpu.memory_space<hbm>>) dst(%arg17 : memref<8x1024xf32, #tpu.memory_space<vmem>>)
      %add3A_118 = arith.constant 0 : i32
      %add3A_119 = arith.addi %add3A_118, %mul3A_2 : i32
      %mul3A_120 = arith.constant 8 : i32
      %mul3A_121 = arith.muli %add3A_110, %mul3A_120 : i32
      %add3A_122 = arith.addi %add3A_119, %mul3A_121 : i32
      %dma_wait3A_123 = arith.constant 0 : i32
      %dma_wait3A_124 = tpu.memref_slice %arg2[%add3A_122, %dma_wait3A_123] : memref<32768x1024xf32, #tpu.memory_space<hbm>> -> memref<8x1024xf32, #tpu.memory_space<hbm>>
      %dma_wait3A_125 = arith.constant 0 : i32
      %dma_wait3A_126 = tpu.memref_slice %arg2[%add3A_122, %dma_wait3A_125] : memref<32768x1024xf32, #tpu.memory_space<hbm>> -> memref<8x1024xf32, #tpu.memory_space<hbm>>
      tpu.wait_dma2 semaphore(%arg19 : memref<!tpu.dma_semaphore, #tpu.memory_space<semaphore_mem>>) src(%dma_wait3A_126 : memref<8x1024xf32, #tpu.memory_space<hbm>>) dst(%arg5 : memref<8x1024xf32, #tpu.memory_space<vmem>>)
      %add3A_127 = arith.constant 8192 : i32
      %add3A_128 = arith.addi %add3A_127, %mul3A_2 : i32
      %mul3A_129 = arith.constant 8 : i32
      %mul3A_130 = arith.muli %add3A_110, %mul3A_129 : i32
      %add3A_131 = arith.addi %add3A_128, %mul3A_130 : i32
      %dma_wait3A_132 = arith.constant 0 : i32
      %dma_wait3A_133 = tpu.memref_slice %arg2[%add3A_131, %dma_wait3A_132] : memref<32768x1024xf32, #tpu.memory_space<hbm>> -> memref<8x1024xf32, #tpu.memory_space<hbm>>
      %dma_wait3A_134 = arith.constant 0 : i32
      %dma_wait3A_135 = tpu.memref_slice %arg2[%add3A_131, %dma_wait3A_134] : memref<32768x1024xf32, #tpu.memory_space<hbm>> -> memref<8x1024xf32, #tpu.memory_space<hbm>>
      tpu.wait_dma2 semaphore(%arg19 : memref<!tpu.dma_semaphore, #tpu.memory_space<semaphore_mem>>) src(%dma_wait3A_135 : memref<8x1024xf32, #tpu.memory_space<hbm>>) dst(%arg7 : memref<8x1024xf32, #tpu.memory_space<vmem>>)
      %add3A_136 = arith.constant 16384 : i32
      %add3A_137 = arith.addi %add3A_136, %mul3A_2 : i32
      %mul3A_138 = arith.constant 8 : i32
      %mul3A_139 = arith.muli %add3A_110, %mul3A_138 : i32
      %add3A_140 = arith.addi %add3A_137, %mul3A_139 : i32
      %dma_wait3A_141 = arith.constant 0 : i32
      %dma_wait3A_142 = tpu.memref_slice %arg2[%add3A_140, %dma_wait3A_141] : memref<32768x1024xf32, #tpu.memory_space<hbm>> -> memref<8x1024xf32, #tpu.memory_space<hbm>>
      %dma_wait3A_143 = arith.constant 0 : i32
      %dma_wait3A_144 = tpu.memref_slice %arg2[%add3A_140, %dma_wait3A_143] : memref<32768x1024xf32, #tpu.memory_space<hbm>> -> memref<8x1024xf32, #tpu.memory_space<hbm>>
      tpu.wait_dma2 semaphore(%arg19 : memref<!tpu.dma_semaphore, #tpu.memory_space<semaphore_mem>>) src(%dma_wait3A_144 : memref<8x1024xf32, #tpu.memory_space<hbm>>) dst(%arg9 : memref<8x1024xf32, #tpu.memory_space<vmem>>)
      %add3A_145 = arith.constant 24576 : i32
      %add3A_146 = arith.addi %add3A_145, %mul3A_2 : i32
      %mul3A_147 = arith.constant 8 : i32
      %mul3A_148 = arith.muli %add3A_110, %mul3A_147 : i32
      %add3A_149 = arith.addi %add3A_146, %mul3A_148 : i32
      %dma_wait3A_150 = arith.constant 0 : i32
      %dma_wait3A_151 = tpu.memref_slice %arg2[%add3A_149, %dma_wait3A_150] : memref<32768x1024xf32, #tpu.memory_space<hbm>> -> memref<8x1024xf32, #tpu.memory_space<hbm>>
      %dma_wait3A_152 = arith.constant 0 : i32
      %dma_wait3A_153 = tpu.memref_slice %arg2[%add3A_149, %dma_wait3A_152] : memref<32768x1024xf32, #tpu.memory_space<hbm>> -> memref<8x1024xf32, #tpu.memory_space<hbm>>
      tpu.wait_dma2 semaphore(%arg19 : memref<!tpu.dma_semaphore, #tpu.memory_space<semaphore_mem>>) src(%dma_wait3A_153 : memref<8x1024xf32, #tpu.memory_space<hbm>>) dst(%arg11 : memref<8x1024xf32, #tpu.memory_space<vmem>>)
      %gt3A = arith.constant 0 : i32
      %gt3A_154 = arith.cmpi sgt, %mul3A_108, %gt3A : i32
      %convert_element_type3A = arith.extui %gt3A_154 : i1 to i32
      %cond3A = arith.constant 0 : i32
      %cond3A_155 = arith.cmpi ne, %convert_element_type3A, %cond3A : i32
      scf.if %cond3A_155 {
        %dma_wait3A_315 = arith.constant 0 : i32
        %dma_wait3A_316 = arith.constant 0 : i32
        %dma_wait3A_317 = tpu.memref_slice %arg4[%dma_wait3A_315, %dma_wait3A_316] : memref<32768x1024xf32, #tpu.memory_space<hbm>> -> memref<8x1024xf32, #tpu.memory_space<hbm>>
        %dma_wait3A_318 = arith.constant 0 : i32
        %dma_wait3A_319 = arith.constant 0 : i32
        %dma_wait3A_320 = tpu.memref_slice %arg4[%dma_wait3A_318, %dma_wait3A_319] : memref<32768x1024xf32, #tpu.memory_space<hbm>> -> memref<8x1024xf32, #tpu.memory_space<hbm>>
        tpu.wait_dma2 semaphore(%arg23 : memref<!tpu.dma_semaphore, #tpu.memory_space<semaphore_mem>>) src(%arg13 : memref<8x1024xf32, #tpu.memory_space<vmem>>) dst(%dma_wait3A_320 : memref<8x1024xf32, #tpu.memory_space<hbm>>)
        %dma_wait3A_321 = arith.constant 0 : i32
        %dma_wait3A_322 = arith.constant 0 : i32
        %dma_wait3A_323 = tpu.memref_slice %arg4[%dma_wait3A_321, %dma_wait3A_322] : memref<32768x1024xf32, #tpu.memory_space<hbm>> -> memref<8x1024xf32, #tpu.memory_space<hbm>>
        %dma_wait3A_324 = arith.constant 0 : i32
        %dma_wait3A_325 = arith.constant 0 : i32
        %dma_wait3A_326 = tpu.memref_slice %arg4[%dma_wait3A_324, %dma_wait3A_325] : memref<32768x1024xf32, #tpu.memory_space<hbm>> -> memref<8x1024xf32, #tpu.memory_space<hbm>>
        tpu.wait_dma2 semaphore(%arg23 : memref<!tpu.dma_semaphore, #tpu.memory_space<semaphore_mem>>) src(%arg14 : memref<8x1024xf32, #tpu.memory_space<vmem>>) dst(%dma_wait3A_326 : memref<8x1024xf32, #tpu.memory_space<hbm>>)
        %dma_wait3A_327 = arith.constant 0 : i32
        %dma_wait3A_328 = arith.constant 0 : i32
        %dma_wait3A_329 = tpu.memref_slice %arg4[%dma_wait3A_327, %dma_wait3A_328] : memref<32768x1024xf32, #tpu.memory_space<hbm>> -> memref<8x1024xf32, #tpu.memory_space<hbm>>
        %dma_wait3A_330 = arith.constant 0 : i32
        %dma_wait3A_331 = arith.constant 0 : i32
        %dma_wait3A_332 = tpu.memref_slice %arg4[%dma_wait3A_330, %dma_wait3A_331] : memref<32768x1024xf32, #tpu.memory_space<hbm>> -> memref<8x1024xf32, #tpu.memory_space<hbm>>
        tpu.wait_dma2 semaphore(%arg23 : memref<!tpu.dma_semaphore, #tpu.memory_space<semaphore_mem>>) src(%arg15 : memref<8x1024xf32, #tpu.memory_space<vmem>>) dst(%dma_wait3A_332 : memref<8x1024xf32, #tpu.memory_space<hbm>>)
        %dma_wait3A_333 = arith.constant 0 : i32
        %dma_wait3A_334 = arith.constant 0 : i32
        %dma_wait3A_335 = tpu.memref_slice %arg4[%dma_wait3A_333, %dma_wait3A_334] : memref<32768x1024xf32, #tpu.memory_space<hbm>> -> memref<8x1024xf32, #tpu.memory_space<hbm>>
        %dma_wait3A_336 = arith.constant 0 : i32
        %dma_wait3A_337 = arith.constant 0 : i32
        %dma_wait3A_338 = tpu.memref_slice %arg4[%dma_wait3A_336, %dma_wait3A_337] : memref<32768x1024xf32, #tpu.memory_space<hbm>> -> memref<8x1024xf32, #tpu.memory_space<hbm>>
        tpu.wait_dma2 semaphore(%arg23 : memref<!tpu.dma_semaphore, #tpu.memory_space<semaphore_mem>>) src(%arg16 : memref<8x1024xf32, #tpu.memory_space<vmem>>) dst(%dma_wait3A_338 : memref<8x1024xf32, #tpu.memory_space<hbm>>)
      } else {
      }
      %parallel_loop3A = arith.constant 0 : i32
      %parallel_loop3A_156 = arith.constant 64 : i32
      %parallel_loop3A_157 = arith.constant 1 : i32
      scf.for %parallel_loop3A_315 = %parallel_loop3A to %parallel_loop3A_156 step %parallel_loop3A_157  : i32 {
        %parallel_loop3A_316 = arith.constant 8 : i32
        %parallel_loop3A_317 = arith.divsi %parallel_loop3A_315, %parallel_loop3A_316 : i32
        %parallel_loop3A_318 = arith.constant 0 : i32
        %parallel_loop3A_319 = arith.cmpi sgt, %parallel_loop3A_315, %parallel_loop3A_318 : i32
        %parallel_loop3A_320 = arith.extui %parallel_loop3A_319 : i1 to i32
        %parallel_loop3A_321 = arith.constant 0 : i32
        %parallel_loop3A_322 = arith.cmpi slt, %parallel_loop3A_315, %parallel_loop3A_321 : i32
        %parallel_loop3A_323 = arith.extui %parallel_loop3A_322 : i1 to i32
        %parallel_loop3A_324 = arith.subi %parallel_loop3A_320, %parallel_loop3A_323 : i32
        %parallel_loop3A_325 = arith.constant 0 : i32
        %parallel_loop3A_326 = arith.cmpi sgt, %parallel_loop3A_316, %parallel_loop3A_325 : i32
        %parallel_loop3A_327 = arith.extui %parallel_loop3A_326 : i1 to i32
        %parallel_loop3A_328 = arith.constant 0 : i32
        %parallel_loop3A_329 = arith.cmpi slt, %parallel_loop3A_316, %parallel_loop3A_328 : i32
        %parallel_loop3A_330 = arith.extui %parallel_loop3A_329 : i1 to i32
        %parallel_loop3A_331 = arith.subi %parallel_loop3A_327, %parallel_loop3A_330 : i32
        %parallel_loop3A_332 = arith.cmpi ne, %parallel_loop3A_324, %parallel_loop3A_331 : i32
        %parallel_loop3A_333 = arith.remsi %parallel_loop3A_315, %parallel_loop3A_316 : i32
        %parallel_loop3A_334 = arith.constant 0 : i32
        %parallel_loop3A_335 = arith.cmpi ne, %parallel_loop3A_333, %parallel_loop3A_334 : i32
        %parallel_loop3A_336 = arith.andi %parallel_loop3A_332, %parallel_loop3A_335 : i1
        %parallel_loop3A_337 = arith.constant 1 : i32
        %parallel_loop3A_338 = arith.subi %parallel_loop3A_317, %parallel_loop3A_337 : i32
        %parallel_loop3A_339 = arith.select %parallel_loop3A_336, %parallel_loop3A_338, %parallel_loop3A_317 : i32
        %parallel_loop3A_340 = arith.constant 8 : i32
        %parallel_loop3A_341 = arith.constant 0 : i32
        %parallel_loop3A_342 = arith.cmpi eq, %parallel_loop3A_340, %parallel_loop3A_341 : i32
        %parallel_loop3A_343 = arith.constant 1 : i32
        %parallel_loop3A_344 = arith.select %parallel_loop3A_342, %parallel_loop3A_343, %parallel_loop3A_340 : i32
        %parallel_loop3A_345 = arith.remsi %parallel_loop3A_315, %parallel_loop3A_344 : i32
        %parallel_loop3A_346 = arith.constant 0 : i32
        %parallel_loop3A_347 = arith.cmpi ne, %parallel_loop3A_345, %parallel_loop3A_346 : i32
        %parallel_loop3A_348 = arith.constant 0 : i32
        %parallel_loop3A_349 = arith.cmpi slt, %parallel_loop3A_345, %parallel_loop3A_348 : i32
        %parallel_loop3A_350 = arith.constant 0 : i32
        %parallel_loop3A_351 = arith.cmpi slt, %parallel_loop3A_344, %parallel_loop3A_350 : i32
        %parallel_loop3A_352 = arith.xori %parallel_loop3A_349, %parallel_loop3A_351 : i1
        %parallel_loop3A_353 = arith.andi %parallel_loop3A_352, %parallel_loop3A_347 : i1
        %parallel_loop3A_354 = arith.addi %parallel_loop3A_345, %parallel_loop3A_344 : i32
        %parallel_loop3A_355 = arith.select %parallel_loop3A_353, %parallel_loop3A_354, %parallel_loop3A_345 : i32
        %parallel_loop3A_356 = arith.constant 128 : i32
        %parallel_loop3A_357 = arith.muli %parallel_loop3A_355, %parallel_loop3A_356 : i32
        %parallel_loop3A_358 = arith.constant 0 : i32
        %parallel_loop3A_359 = arith.addi %parallel_loop3A_357, %parallel_loop3A_358 : i32
        %parallel_loop3A_360 = arith.index_cast %parallel_loop3A_339 : i32 to index
        %parallel_loop3A_361 = arith.index_cast %parallel_loop3A_359 : i32 to index
        %parallel_loop3A_362 = tpu.vector_load %arg17[%parallel_loop3A_360, %parallel_loop3A_361] {strides = array<i32>} : memref<8x1024xf32, #tpu.memory_space<vmem>>, vector<1x16xf32>,
        %parallel_loop3A_363 = vector.shape_cast %parallel_loop3A_362 : vector<1x16xf32> to vector<16xf32>
        %parallel_loop3A_364 = arith.constant 16 : i32
        %parallel_loop3A_365 = arith.addi %parallel_loop3A_357, %parallel_loop3A_364 : i32
        %parallel_loop3A_366 = arith.index_cast %parallel_loop3A_339 : i32 to index
        %parallel_loop3A_367 = arith.index_cast %parallel_loop3A_365 : i32 to index
        %parallel_loop3A_368 = tpu.vector_load %arg17[%parallel_loop3A_366, %parallel_loop3A_367] {strides = array<i32>} : memref<8x1024xf32, #tpu.memory_space<vmem>>, vector<1x16xf32>,
        %parallel_loop3A_369 = vector.shape_cast %parallel_loop3A_368 : vector<1x16xf32> to vector<16xf32>
        %parallel_loop3A_370 = arith.constant 32 : i32
        %parallel_loop3A_371 = arith.addi %parallel_loop3A_357, %parallel_loop3A_370 : i32
        %parallel_loop3A_372 = arith.index_cast %parallel_loop3A_339 : i32 to index
        %parallel_loop3A_373 = arith.index_cast %parallel_loop3A_371 : i32 to index
        %parallel_loop3A_374 = tpu.vector_load %arg17[%parallel_loop3A_372, %parallel_loop3A_373] {strides = array<i32>} : memref<8x1024xf32, #tpu.memory_space<vmem>>, vector<1x16xf32>,
        %parallel_loop3A_375 = vector.shape_cast %parallel_loop3A_374 : vector<1x16xf32> to vector<16xf32>
        %parallel_loop3A_376 = arith.constant 48 : i32
        %parallel_loop3A_377 = arith.addi %parallel_loop3A_357, %parallel_loop3A_376 : i32
        %parallel_loop3A_378 = arith.index_cast %parallel_loop3A_339 : i32 to index
        %parallel_loop3A_379 = arith.index_cast %parallel_loop3A_377 : i32 to index
        %parallel_loop3A_380 = tpu.vector_load %arg17[%parallel_loop3A_378, %parallel_loop3A_379] {strides = array<i32>} : memref<8x1024xf32, #tpu.memory_space<vmem>>, vector<1x16xf32>,
        %parallel_loop3A_381 = vector.shape_cast %parallel_loop3A_380 : vector<1x16xf32> to vector<16xf32>
        %parallel_loop3A_382 = arith.constant 64 : i32
        %parallel_loop3A_383 = arith.addi %parallel_loop3A_357, %parallel_loop3A_382 : i32
        %parallel_loop3A_384 = arith.index_cast %parallel_loop3A_339 : i32 to index
        %parallel_loop3A_385 = arith.index_cast %parallel_loop3A_383 : i32 to index
        %parallel_loop3A_386 = tpu.vector_load %arg17[%parallel_loop3A_384, %parallel_loop3A_385] {strides = array<i32>} : memref<8x1024xf32, #tpu.memory_space<vmem>>, vector<1x16xf32>,
        %parallel_loop3A_387 = vector.shape_cast %parallel_loop3A_386 : vector<1x16xf32> to vector<16xf32>
        %parallel_loop3A_388 = arith.constant 80 : i32
        %parallel_loop3A_389 = arith.addi %parallel_loop3A_357, %parallel_loop3A_388 : i32
        %parallel_loop3A_390 = arith.index_cast %parallel_loop3A_339 : i32 to index
        %parallel_loop3A_391 = arith.index_cast %parallel_loop3A_389 : i32 to index
        %parallel_loop3A_392 = tpu.vector_load %arg17[%parallel_loop3A_390, %parallel_loop3A_391] {strides = array<i32>} : memref<8x1024xf32, #tpu.memory_space<vmem>>, vector<1x16xf32>,
        %parallel_loop3A_393 = vector.shape_cast %parallel_loop3A_392 : vector<1x16xf32> to vector<16xf32>
        %parallel_loop3A_394 = arith.constant 96 : i32
        %parallel_loop3A_395 = arith.addi %parallel_loop3A_357, %parallel_loop3A_394 : i32
        %parallel_loop3A_396 = arith.index_cast %parallel_loop3A_339 : i32 to index
        %parallel_loop3A_397 = arith.index_cast %parallel_loop3A_395 : i32 to index
        %parallel_loop3A_398 = tpu.vector_load %arg17[%parallel_loop3A_396, %parallel_loop3A_397] {strides = array<i32>} : memref<8x1024xf32, #tpu.memory_space<vmem>>, vector<1x16xf32>,
        %parallel_loop3A_399 = vector.shape_cast %parallel_loop3A_398 : vector<1x16xf32> to vector<16xf32>
        %parallel_loop3A_400 = arith.constant 112 : i32
        %parallel_loop3A_401 = arith.addi %parallel_loop3A_357, %parallel_loop3A_400 : i32
        %parallel_loop3A_402 = arith.index_cast %parallel_loop3A_339 : i32 to index
        %parallel_loop3A_403 = arith.index_cast %parallel_loop3A_401 : i32 to index
        %parallel_loop3A_404 = tpu.vector_load %arg17[%parallel_loop3A_402, %parallel_loop3A_403] {strides = array<i32>} : memref<8x1024xf32, #tpu.memory_space<vmem>>, vector<1x16xf32>,
        %parallel_loop3A_405 = vector.shape_cast %parallel_loop3A_404 : vector<1x16xf32> to vector<16xf32>
        %parallel_loop3A_406 = arith.constant 0 : i32
        %parallel_loop3A_407 = arith.addi %parallel_loop3A_357, %parallel_loop3A_406 : i32
        %parallel_loop3A_408 = arith.index_cast %parallel_loop3A_339 : i32 to index
        %parallel_loop3A_409 = arith.index_cast %parallel_loop3A_407 : i32 to index
        %parallel_loop3A_410 = tpu.vector_load %arg5[%parallel_loop3A_408, %parallel_loop3A_409] {strides = array<i32>} : memref<8x1024xf32, #tpu.memory_space<vmem>>, vector<1x16xf32>,
        %parallel_loop3A_411 = vector.shape_cast %parallel_loop3A_410 : vector<1x16xf32> to vector<16xf32>
        %parallel_loop3A_412 = arith.addf %parallel_loop3A_411, %parallel_loop3A_363 : vector<16xf32>
        %parallel_loop3A_413 = arith.index_cast %parallel_loop3A_339 : i32 to index
        %parallel_loop3A_414 = arith.index_cast %parallel_loop3A_407 : i32 to index
        %parallel_loop3A_415 = tpu.vector_load %arg13[%parallel_loop3A_413, %parallel_loop3A_414] {strides = array<i32>} : memref<8x1024xf32, #tpu.memory_space<vmem>>, vector<1x16xf32>,
        %parallel_loop3A_416 = vector.shape_cast %parallel_loop3A_415 : vector<1x16xf32> to vector<16xf32>
        %parallel_loop3A_417 = vector.shape_cast %parallel_loop3A_412 : vector<16xf32> to vector<1x16xf32>
        tpu.vector_store %arg13[%parallel_loop3A_413, %parallel_loop3A_414], %parallel_loop3A_417 {strides = array<i32>} : memref<8x1024xf32, #tpu.memory_space<vmem>>, vector<1x16xf32>,
        %parallel_loop3A_418 = arith.constant 16 : i32
        %parallel_loop3A_419 = arith.addi %parallel_loop3A_357, %parallel_loop3A_418 : i32
        %parallel_loop3A_420 = arith.index_cast %parallel_loop3A_339 : i32 to index
        %parallel_loop3A_421 = arith.index_cast %parallel_loop3A_419 : i32 to index
        %parallel_loop3A_422 = tpu.vector_load %arg5[%parallel_loop3A_420, %parallel_loop3A_421] {strides = array<i32>} : memref<8x1024xf32, #tpu.memory_space<vmem>>, vector<1x16xf32>,
        %parallel_loop3A_423 = vector.shape_cast %parallel_loop3A_422 : vector<1x16xf32> to vector<16xf32>
        %parallel_loop3A_424 = arith.addf %parallel_loop3A_423, %parallel_loop3A_369 : vector<16xf32>
        %parallel_loop3A_425 = arith.index_cast %parallel_loop3A_339 : i32 to index
        %parallel_loop3A_426 = arith.index_cast %parallel_loop3A_419 : i32 to index
        %parallel_loop3A_427 = tpu.vector_load %arg13[%parallel_loop3A_425, %parallel_loop3A_426] {strides = array<i32>} : memref<8x1024xf32, #tpu.memory_space<vmem>>, vector<1x16xf32>,
        %parallel_loop3A_428 = vector.shape_cast %parallel_loop3A_427 : vector<1x16xf32> to vector<16xf32>
        %parallel_loop3A_429 = vector.shape_cast %parallel_loop3A_424 : vector<16xf32> to vector<1x16xf32>
        tpu.vector_store %arg13[%parallel_loop3A_425, %parallel_loop3A_426], %parallel_loop3A_429 {strides = array<i32>} : memref<8x1024xf32, #tpu.memory_space<vmem>>, vector<1x16xf32>,
        %parallel_loop3A_430 = arith.constant 32 : i32
        %parallel_loop3A_431 = arith.addi %parallel_loop3A_357, %parallel_loop3A_430 : i32
        %parallel_loop3A_432 = arith.index_cast %parallel_loop3A_339 : i32 to index
        %parallel_loop3A_433 = arith.index_cast %parallel_loop3A_431 : i32 to index
        %parallel_loop3A_434 = tpu.vector_load %arg5[%parallel_loop3A_432, %parallel_loop3A_433] {strides = array<i32>} : memref<8x1024xf32, #tpu.memory_space<vmem>>, vector<1x16xf32>,
        %parallel_loop3A_435 = vector.shape_cast %parallel_loop3A_434 : vector<1x16xf32> to vector<16xf32>
        %parallel_loop3A_436 = arith.addf %parallel_loop3A_435, %parallel_loop3A_375 : vector<16xf32>
        %parallel_loop3A_437 = arith.index_cast %parallel_loop3A_339 : i32 to index
        %parallel_loop3A_438 = arith.index_cast %parallel_loop3A_431 : i32 to index
        %parallel_loop3A_439 = tpu.vector_load %arg13[%parallel_loop3A_437, %parallel_loop3A_438] {strides = array<i32>} : memref<8x1024xf32, #tpu.memory_space<vmem>>, vector<1x16xf32>,
        %parallel_loop3A_440 = vector.shape_cast %parallel_loop3A_439 : vector<1x16xf32> to vector<16xf32>
        %parallel_loop3A_441 = vector.shape_cast %parallel_loop3A_436 : vector<16xf32> to vector<1x16xf32>
        tpu.vector_store %arg13[%parallel_loop3A_437, %parallel_loop3A_438], %parallel_loop3A_441 {strides = array<i32>} : memref<8x1024xf32, #tpu.memory_space<vmem>>, vector<1x16xf32>,
        %parallel_loop3A_442 = arith.constant 48 : i32
        %parallel_loop3A_443 = arith.addi %parallel_loop3A_357, %parallel_loop3A_442 : i32
        %parallel_loop3A_444 = arith.index_cast %parallel_loop3A_339 : i32 to index
        %parallel_loop3A_445 = arith.index_cast %parallel_loop3A_443 : i32 to index
        %parallel_loop3A_446 = tpu.vector_load %arg5[%parallel_loop3A_444, %parallel_loop3A_445] {strides = array<i32>} : memref<8x1024xf32, #tpu.memory_space<vmem>>, vector<1x16xf32>,
        %parallel_loop3A_447 = vector.shape_cast %parallel_loop3A_446 : vector<1x16xf32> to vector<16xf32>
        %parallel_loop3A_448 = arith.addf %parallel_loop3A_447, %parallel_loop3A_381 : vector<16xf32>
        %parallel_loop3A_449 = arith.index_cast %parallel_loop3A_339 : i32 to index
        %parallel_loop3A_450 = arith.index_cast %parallel_loop3A_443 : i32 to index
        %parallel_loop3A_451 = tpu.vector_load %arg13[%parallel_loop3A_449, %parallel_loop3A_450] {strides = array<i32>} : memref<8x1024xf32, #tpu.memory_space<vmem>>, vector<1x16xf32>,
        %parallel_loop3A_452 = vector.shape_cast %parallel_loop3A_451 : vector<1x16xf32> to vector<16xf32>
        %parallel_loop3A_453 = vector.shape_cast %parallel_loop3A_448 : vector<16xf32> to vector<1x16xf32>
        tpu.vector_store %arg13[%parallel_loop3A_449, %parallel_loop3A_450], %parallel_loop3A_453 {strides = array<i32>} : memref<8x1024xf32, #tpu.memory_space<vmem>>, vector<1x16xf32>,
        %parallel_loop3A_454 = arith.constant 64 : i32
        %parallel_loop3A_455 = arith.addi %parallel_loop3A_357, %parallel_loop3A_454 : i32
        %parallel_loop3A_456 = arith.index_cast %parallel_loop3A_339 : i32 to index
        %parallel_loop3A_457 = arith.index_cast %parallel_loop3A_455 : i32 to index
        %parallel_loop3A_458 = tpu.vector_load %arg5[%parallel_loop3A_456, %parallel_loop3A_457] {strides = array<i32>} : memref<8x1024xf32, #tpu.memory_space<vmem>>, vector<1x16xf32>,
        %parallel_loop3A_459 = vector.shape_cast %parallel_loop3A_458 : vector<1x16xf32> to vector<16xf32>
        %parallel_loop3A_460 = arith.addf %parallel_loop3A_459, %parallel_loop3A_387 : vector<16xf32>
        %parallel_loop3A_461 = arith.index_cast %parallel_loop3A_339 : i32 to index
        %parallel_loop3A_462 = arith.index_cast %parallel_loop3A_455 : i32 to index
        %parallel_loop3A_463 = tpu.vector_load %arg13[%parallel_loop3A_461, %parallel_loop3A_462] {strides = array<i32>} : memref<8x1024xf32, #tpu.memory_space<vmem>>, vector<1x16xf32>,
        %parallel_loop3A_464 = vector.shape_cast %parallel_loop3A_463 : vector<1x16xf32> to vector<16xf32>
        %parallel_loop3A_465 = vector.shape_cast %parallel_loop3A_460 : vector<16xf32> to vector<1x16xf32>
        tpu.vector_store %arg13[%parallel_loop3A_461, %parallel_loop3A_462], %parallel_loop3A_465 {strides = array<i32>} : memref<8x1024xf32, #tpu.memory_space<vmem>>, vector<1x16xf32>,
        %parallel_loop3A_466 = arith.constant 80 : i32
        %parallel_loop3A_467 = arith.addi %parallel_loop3A_357, %parallel_loop3A_466 : i32
        %parallel_loop3A_468 = arith.index_cast %parallel_loop3A_339 : i32 to index
        %parallel_loop3A_469 = arith.index_cast %parallel_loop3A_467 : i32 to index
        %parallel_loop3A_470 = tpu.vector_load %arg5[%parallel_loop3A_468, %parallel_loop3A_469] {strides = array<i32>} : memref<8x1024xf32, #tpu.memory_space<vmem>>, vector<1x16xf32>,
        %parallel_loop3A_471 = vector.shape_cast %parallel_loop3A_470 : vector<1x16xf32> to vector<16xf32>
        %parallel_loop3A_472 = arith.addf %parallel_loop3A_471, %parallel_loop3A_393 : vector<16xf32>
        %parallel_loop3A_473 = arith.index_cast %parallel_loop3A_339 : i32 to index
        %parallel_loop3A_474 = arith.index_cast %parallel_loop3A_467 : i32 to index
        %parallel_loop3A_475 = tpu.vector_load %arg13[%parallel_loop3A_473, %parallel_loop3A_474] {strides = array<i32>} : memref<8x1024xf32, #tpu.memory_space<vmem>>, vector<1x16xf32>,
        %parallel_loop3A_476 = vector.shape_cast %parallel_loop3A_475 : vector<1x16xf32> to vector<16xf32>
        %parallel_loop3A_477 = vector.shape_cast %parallel_loop3A_472 : vector<16xf32> to vector<1x16xf32>
        tpu.vector_store %arg13[%parallel_loop3A_473, %parallel_loop3A_474], %parallel_loop3A_477 {strides = array<i32>} : memref<8x1024xf32, #tpu.memory_space<vmem>>, vector<1x16xf32>,
        %parallel_loop3A_478 = arith.constant 96 : i32
        %parallel_loop3A_479 = arith.addi %parallel_loop3A_357, %parallel_loop3A_478 : i32
        %parallel_loop3A_480 = arith.index_cast %parallel_loop3A_339 : i32 to index
        %parallel_loop3A_481 = arith.index_cast %parallel_loop3A_479 : i32 to index
        %parallel_loop3A_482 = tpu.vector_load %arg5[%parallel_loop3A_480, %parallel_loop3A_481] {strides = array<i32>} : memref<8x1024xf32, #tpu.memory_space<vmem>>, vector<1x16xf32>,
        %parallel_loop3A_483 = vector.shape_cast %parallel_loop3A_482 : vector<1x16xf32> to vector<16xf32>
        %parallel_loop3A_484 = arith.addf %parallel_loop3A_483, %parallel_loop3A_399 : vector<16xf32>
        %parallel_loop3A_485 = arith.index_cast %parallel_loop3A_339 : i32 to index
        %parallel_loop3A_486 = arith.index_cast %parallel_loop3A_479 : i32 to index
        %parallel_loop3A_487 = tpu.vector_load %arg13[%parallel_loop3A_485, %parallel_loop3A_486] {strides = array<i32>} : memref<8x1024xf32, #tpu.memory_space<vmem>>, vector<1x16xf32>,
        %parallel_loop3A_488 = vector.shape_cast %parallel_loop3A_487 : vector<1x16xf32> to vector<16xf32>
        %parallel_loop3A_489 = vector.shape_cast %parallel_loop3A_484 : vector<16xf32> to vector<1x16xf32>
        tpu.vector_store %arg13[%parallel_loop3A_485, %parallel_loop3A_486], %parallel_loop3A_489 {strides = array<i32>} : memref<8x1024xf32, #tpu.memory_space<vmem>>, vector<1x16xf32>,
        %parallel_loop3A_490 = arith.constant 112 : i32
        %parallel_loop3A_491 = arith.addi %parallel_loop3A_357, %parallel_loop3A_490 : i32
        %parallel_loop3A_492 = arith.index_cast %parallel_loop3A_339 : i32 to index
        %parallel_loop3A_493 = arith.index_cast %parallel_loop3A_491 : i32 to index
        %parallel_loop3A_494 = tpu.vector_load %arg5[%parallel_loop3A_492, %parallel_loop3A_493] {strides = array<i32>} : memref<8x1024xf32, #tpu.memory_space<vmem>>, vector<1x16xf32>,
        %parallel_loop3A_495 = vector.shape_cast %parallel_loop3A_494 : vector<1x16xf32> to vector<16xf32>
        %parallel_loop3A_496 = arith.addf %parallel_loop3A_495, %parallel_loop3A_405 : vector<16xf32>
        %parallel_loop3A_497 = arith.index_cast %parallel_loop3A_339 : i32 to index
        %parallel_loop3A_498 = arith.index_cast %parallel_loop3A_491 : i32 to index
        %parallel_loop3A_499 = tpu.vector_load %arg13[%parallel_loop3A_497, %parallel_loop3A_498] {strides = array<i32>} : memref<8x1024xf32, #tpu.memory_space<vmem>>, vector<1x16xf32>,
        %parallel_loop3A_500 = vector.shape_cast %parallel_loop3A_499 : vector<1x16xf32> to vector<16xf32>
        %parallel_loop3A_501 = vector.shape_cast %parallel_loop3A_496 : vector<16xf32> to vector<1x16xf32>
        tpu.vector_store %arg13[%parallel_loop3A_497, %parallel_loop3A_498], %parallel_loop3A_501 {strides = array<i32>} : memref<8x1024xf32, #tpu.memory_space<vmem>>, vector<1x16xf32>,
        %parallel_loop3A_502 = arith.constant 0 : i32
        %parallel_loop3A_503 = arith.addi %parallel_loop3A_357, %parallel_loop3A_502 : i32
        %parallel_loop3A_504 = arith.index_cast %parallel_loop3A_339 : i32 to index
        %parallel_loop3A_505 = arith.index_cast %parallel_loop3A_503 : i32 to index
        %parallel_loop3A_506 = tpu.vector_load %arg7[%parallel_loop3A_504, %parallel_loop3A_505] {strides = array<i32>} : memref<8x1024xf32, #tpu.memory_space<vmem>>, vector<1x16xf32>,
        %parallel_loop3A_507 = vector.shape_cast %parallel_loop3A_506 : vector<1x16xf32> to vector<16xf32>
        %parallel_loop3A_508 = arith.addf %parallel_loop3A_507, %parallel_loop3A_363 : vector<16xf32>
        %parallel_loop3A_509 = arith.index_cast %parallel_loop3A_339 : i32 to index
        %parallel_loop3A_510 = arith.index_cast %parallel_loop3A_503 : i32 to index
        %parallel_loop3A_511 = tpu.vector_load %arg14[%parallel_loop3A_509, %parallel_loop3A_510] {strides = array<i32>} : memref<8x1024xf32, #tpu.memory_space<vmem>>, vector<1x16xf32>,
        %parallel_loop3A_512 = vector.shape_cast %parallel_loop3A_511 : vector<1x16xf32> to vector<16xf32>
        %parallel_loop3A_513 = vector.shape_cast %parallel_loop3A_508 : vector<16xf32> to vector<1x16xf32>
        tpu.vector_store %arg14[%parallel_loop3A_509, %parallel_loop3A_510], %parallel_loop3A_513 {strides = array<i32>} : memref<8x1024xf32, #tpu.memory_space<vmem>>, vector<1x16xf32>,
        %parallel_loop3A_514 = arith.constant 16 : i32
        %parallel_loop3A_515 = arith.addi %parallel_loop3A_357, %parallel_loop3A_514 : i32
        %parallel_loop3A_516 = arith.index_cast %parallel_loop3A_339 : i32 to index
        %parallel_loop3A_517 = arith.index_cast %parallel_loop3A_515 : i32 to index
        %parallel_loop3A_518 = tpu.vector_load %arg7[%parallel_loop3A_516, %parallel_loop3A_517] {strides = array<i32>} : memref<8x1024xf32, #tpu.memory_space<vmem>>, vector<1x16xf32>,
        %parallel_loop3A_519 = vector.shape_cast %parallel_loop3A_518 : vector<1x16xf32> to vector<16xf32>
        %parallel_loop3A_520 = arith.addf %parallel_loop3A_519, %parallel_loop3A_369 : vector<16xf32>
        %parallel_loop3A_521 = arith.index_cast %parallel_loop3A_339 : i32 to index
        %parallel_loop3A_522 = arith.index_cast %parallel_loop3A_515 : i32 to index
        %parallel_loop3A_523 = tpu.vector_load %arg14[%parallel_loop3A_521, %parallel_loop3A_522] {strides = array<i32>} : memref<8x1024xf32, #tpu.memory_space<vmem>>, vector<1x16xf32>,
        %parallel_loop3A_524 = vector.shape_cast %parallel_loop3A_523 : vector<1x16xf32> to vector<16xf32>
        %parallel_loop3A_525 = vector.shape_cast %parallel_loop3A_520 : vector<16xf32> to vector<1x16xf32>
        tpu.vector_store %arg14[%parallel_loop3A_521, %parallel_loop3A_522], %parallel_loop3A_525 {strides = array<i32>} : memref<8x1024xf32, #tpu.memory_space<vmem>>, vector<1x16xf32>,
        %parallel_loop3A_526 = arith.constant 32 : i32
        %parallel_loop3A_527 = arith.addi %parallel_loop3A_357, %parallel_loop3A_526 : i32
        %parallel_loop3A_528 = arith.index_cast %parallel_loop3A_339 : i32 to index
        %parallel_loop3A_529 = arith.index_cast %parallel_loop3A_527 : i32 to index
        %parallel_loop3A_530 = tpu.vector_load %arg7[%parallel_loop3A_528, %parallel_loop3A_529] {strides = array<i32>} : memref<8x1024xf32, #tpu.memory_space<vmem>>, vector<1x16xf32>,
        %parallel_loop3A_531 = vector.shape_cast %parallel_loop3A_530 : vector<1x16xf32> to vector<16xf32>
        %parallel_loop3A_532 = arith.addf %parallel_loop3A_531, %parallel_loop3A_375 : vector<16xf32>
        %parallel_loop3A_533 = arith.index_cast %parallel_loop3A_339 : i32 to index
        %parallel_loop3A_534 = arith.index_cast %parallel_loop3A_527 : i32 to index
        %parallel_loop3A_535 = tpu.vector_load %arg14[%parallel_loop3A_533, %parallel_loop3A_534] {strides = array<i32>} : memref<8x1024xf32, #tpu.memory_space<vmem>>, vector<1x16xf32>,
        %parallel_loop3A_536 = vector.shape_cast %parallel_loop3A_535 : vector<1x16xf32> to vector<16xf32>
        %parallel_loop3A_537 = vector.shape_cast %parallel_loop3A_532 : vector<16xf32> to vector<1x16xf32>
        tpu.vector_store %arg14[%parallel_loop3A_533, %parallel_loop3A_534], %parallel_loop3A_537 {strides = array<i32>} : memref<8x1024xf32, #tpu.memory_space<vmem>>, vector<1x16xf32>,
        %parallel_loop3A_538 = arith.constant 48 : i32
        %parallel_loop3A_539 = arith.addi %parallel_loop3A_357, %parallel_loop3A_538 : i32
        %parallel_loop3A_540 = arith.index_cast %parallel_loop3A_339 : i32 to index
        %parallel_loop3A_541 = arith.index_cast %parallel_loop3A_539 : i32 to index
        %parallel_loop3A_542 = tpu.vector_load %arg7[%parallel_loop3A_540, %parallel_loop3A_541] {strides = array<i32>} : memref<8x1024xf32, #tpu.memory_space<vmem>>, vector<1x16xf32>,
        %parallel_loop3A_543 = vector.shape_cast %parallel_loop3A_542 : vector<1x16xf32> to vector<16xf32>
        %parallel_loop3A_544 = arith.addf %parallel_loop3A_543, %parallel_loop3A_381 : vector<16xf32>
        %parallel_loop3A_545 = arith.index_cast %parallel_loop3A_339 : i32 to index
        %parallel_loop3A_546 = arith.index_cast %parallel_loop3A_539 : i32 to index
        %parallel_loop3A_547 = tpu.vector_load %arg14[%parallel_loop3A_545, %parallel_loop3A_546] {strides = array<i32>} : memref<8x1024xf32, #tpu.memory_space<vmem>>, vector<1x16xf32>,
        %parallel_loop3A_548 = vector.shape_cast %parallel_loop3A_547 : vector<1x16xf32> to vector<16xf32>
        %parallel_loop3A_549 = vector.shape_cast %parallel_loop3A_544 : vector<16xf32> to vector<1x16xf32>
        tpu.vector_store %arg14[%parallel_loop3A_545, %parallel_loop3A_546], %parallel_loop3A_549 {strides = array<i32>} : memref<8x1024xf32, #tpu.memory_space<vmem>>, vector<1x16xf32>,
        %parallel_loop3A_550 = arith.constant 64 : i32
        %parallel_loop3A_551 = arith.addi %parallel_loop3A_357, %parallel_loop3A_550 : i32
        %parallel_loop3A_552 = arith.index_cast %parallel_loop3A_339 : i32 to index
        %parallel_loop3A_553 = arith.index_cast %parallel_loop3A_551 : i32 to index
        %parallel_loop3A_554 = tpu.vector_load %arg7[%parallel_loop3A_552, %parallel_loop3A_553] {strides = array<i32>} : memref<8x1024xf32, #tpu.memory_space<vmem>>, vector<1x16xf32>,
        %parallel_loop3A_555 = vector.shape_cast %parallel_loop3A_554 : vector<1x16xf32> to vector<16xf32>
        %parallel_loop3A_556 = arith.addf %parallel_loop3A_555, %parallel_loop3A_387 : vector<16xf32>
        %parallel_loop3A_557 = arith.index_cast %parallel_loop3A_339 : i32 to index
        %parallel_loop3A_558 = arith.index_cast %parallel_loop3A_551 : i32 to index
        %parallel_loop3A_559 = tpu.vector_load %arg14[%parallel_loop3A_557, %parallel_loop3A_558] {strides = array<i32>} : memref<8x1024xf32, #tpu.memory_space<vmem>>, vector<1x16xf32>,
        %parallel_loop3A_560 = vector.shape_cast %parallel_loop3A_559 : vector<1x16xf32> to vector<16xf32>
        %parallel_loop3A_561 = vector.shape_cast %parallel_loop3A_556 : vector<16xf32> to vector<1x16xf32>
        tpu.vector_store %arg14[%parallel_loop3A_557, %parallel_loop3A_558], %parallel_loop3A_561 {strides = array<i32>} : memref<8x1024xf32, #tpu.memory_space<vmem>>, vector<1x16xf32>,
        %parallel_loop3A_562 = arith.constant 80 : i32
        %parallel_loop3A_563 = arith.addi %parallel_loop3A_357, %parallel_loop3A_562 : i32
        %parallel_loop3A_564 = arith.index_cast %parallel_loop3A_339 : i32 to index
        %parallel_loop3A_565 = arith.index_cast %parallel_loop3A_563 : i32 to index
        %parallel_loop3A_566 = tpu.vector_load %arg7[%parallel_loop3A_564, %parallel_loop3A_565] {strides = array<i32>} : memref<8x1024xf32, #tpu.memory_space<vmem>>, vector<1x16xf32>,
        %parallel_loop3A_567 = vector.shape_cast %parallel_loop3A_566 : vector<1x16xf32> to vector<16xf32>
        %parallel_loop3A_568 = arith.addf %parallel_loop3A_567, %parallel_loop3A_393 : vector<16xf32>
        %parallel_loop3A_569 = arith.index_cast %parallel_loop3A_339 : i32 to index
        %parallel_loop3A_570 = arith.index_cast %parallel_loop3A_563 : i32 to index
        %parallel_loop3A_571 = tpu.vector_load %arg14[%parallel_loop3A_569, %parallel_loop3A_570] {strides = array<i32>} : memref<8x1024xf32, #tpu.memory_space<vmem>>, vector<1x16xf32>,
        %parallel_loop3A_572 = vector.shape_cast %parallel_loop3A_571 : vector<1x16xf32> to vector<16xf32>
        %parallel_loop3A_573 = vector.shape_cast %parallel_loop3A_568 : vector<16xf32> to vector<1x16xf32>
        tpu.vector_store %arg14[%parallel_loop3A_569, %parallel_loop3A_570], %parallel_loop3A_573 {strides = array<i32>} : memref<8x1024xf32, #tpu.memory_space<vmem>>, vector<1x16xf32>,
        %parallel_loop3A_574 = arith.constant 96 : i32
        %parallel_loop3A_575 = arith.addi %parallel_loop3A_357, %parallel_loop3A_574 : i32
        %parallel_loop3A_576 = arith.index_cast %parallel_loop3A_339 : i32 to index
        %parallel_loop3A_577 = arith.index_cast %parallel_loop3A_575 : i32 to index
        %parallel_loop3A_578 = tpu.vector_load %arg7[%parallel_loop3A_576, %parallel_loop3A_577] {strides = array<i32>} : memref<8x1024xf32, #tpu.memory_space<vmem>>, vector<1x16xf32>,
        %parallel_loop3A_579 = vector.shape_cast %parallel_loop3A_578 : vector<1x16xf32> to vector<16xf32>
        %parallel_loop3A_580 = arith.addf %parallel_loop3A_579, %parallel_loop3A_399 : vector<16xf32>
        %parallel_loop3A_581 = arith.index_cast %parallel_loop3A_339 : i32 to index
        %parallel_loop3A_582 = arith.index_cast %parallel_loop3A_575 : i32 to index
        %parallel_loop3A_583 = tpu.vector_load %arg14[%parallel_loop3A_581, %parallel_loop3A_582] {strides = array<i32>} : memref<8x1024xf32, #tpu.memory_space<vmem>>, vector<1x16xf32>,
        %parallel_loop3A_584 = vector.shape_cast %parallel_loop3A_583 : vector<1x16xf32> to vector<16xf32>
        %parallel_loop3A_585 = vector.shape_cast %parallel_loop3A_580 : vector<16xf32> to vector<1x16xf32>
        tpu.vector_store %arg14[%parallel_loop3A_581, %parallel_loop3A_582], %parallel_loop3A_585 {strides = array<i32>} : memref<8x1024xf32, #tpu.memory_space<vmem>>, vector<1x16xf32>,
        %parallel_loop3A_586 = arith.constant 112 : i32
        %parallel_loop3A_587 = arith.addi %parallel_loop3A_357, %parallel_loop3A_586 : i32
        %parallel_loop3A_588 = arith.index_cast %parallel_loop3A_339 : i32 to index
        %parallel_loop3A_589 = arith.index_cast %parallel_loop3A_587 : i32 to index
        %parallel_loop3A_590 = tpu.vector_load %arg7[%parallel_loop3A_588, %parallel_loop3A_589] {strides = array<i32>} : memref<8x1024xf32, #tpu.memory_space<vmem>>, vector<1x16xf32>,
        %parallel_loop3A_591 = vector.shape_cast %parallel_loop3A_590 : vector<1x16xf32> to vector<16xf32>
        %parallel_loop3A_592 = arith.addf %parallel_loop3A_591, %parallel_loop3A_405 : vector<16xf32>
        %parallel_loop3A_593 = arith.index_cast %parallel_loop3A_339 : i32 to index
        %parallel_loop3A_594 = arith.index_cast %parallel_loop3A_587 : i32 to index
        %parallel_loop3A_595 = tpu.vector_load %arg14[%parallel_loop3A_593, %parallel_loop3A_594] {strides = array<i32>} : memref<8x1024xf32, #tpu.memory_space<vmem>>, vector<1x16xf32>,
        %parallel_loop3A_596 = vector.shape_cast %parallel_loop3A_595 : vector<1x16xf32> to vector<16xf32>
        %parallel_loop3A_597 = vector.shape_cast %parallel_loop3A_592 : vector<16xf32> to vector<1x16xf32>
        tpu.vector_store %arg14[%parallel_loop3A_593, %parallel_loop3A_594], %parallel_loop3A_597 {strides = array<i32>} : memref<8x1024xf32, #tpu.memory_space<vmem>>, vector<1x16xf32>,
        %parallel_loop3A_598 = arith.constant 0 : i32
        %parallel_loop3A_599 = arith.addi %parallel_loop3A_357, %parallel_loop3A_598 : i32
        %parallel_loop3A_600 = arith.index_cast %parallel_loop3A_339 : i32 to index
        %parallel_loop3A_601 = arith.index_cast %parallel_loop3A_599 : i32 to index
        %parallel_loop3A_602 = tpu.vector_load %arg9[%parallel_loop3A_600, %parallel_loop3A_601] {strides = array<i32>} : memref<8x1024xf32, #tpu.memory_space<vmem>>, vector<1x16xf32>,
        %parallel_loop3A_603 = vector.shape_cast %parallel_loop3A_602 : vector<1x16xf32> to vector<16xf32>
        %parallel_loop3A_604 = arith.addf %parallel_loop3A_603, %parallel_loop3A_363 : vector<16xf32>
        %parallel_loop3A_605 = arith.index_cast %parallel_loop3A_339 : i32 to index
        %parallel_loop3A_606 = arith.index_cast %parallel_loop3A_599 : i32 to index
        %parallel_loop3A_607 = tpu.vector_load %arg15[%parallel_loop3A_605, %parallel_loop3A_606] {strides = array<i32>} : memref<8x1024xf32, #tpu.memory_space<vmem>>, vector<1x16xf32>,
        %parallel_loop3A_608 = vector.shape_cast %parallel_loop3A_607 : vector<1x16xf32> to vector<16xf32>
        %parallel_loop3A_609 = vector.shape_cast %parallel_loop3A_604 : vector<16xf32> to vector<1x16xf32>
        tpu.vector_store %arg15[%parallel_loop3A_605, %parallel_loop3A_606], %parallel_loop3A_609 {strides = array<i32>} : memref<8x1024xf32, #tpu.memory_space<vmem>>, vector<1x16xf32>,
        %parallel_loop3A_610 = arith.constant 16 : i32
        %parallel_loop3A_611 = arith.addi %parallel_loop3A_357, %parallel_loop3A_610 : i32
        %parallel_loop3A_612 = arith.index_cast %parallel_loop3A_339 : i32 to index
        %parallel_loop3A_613 = arith.index_cast %parallel_loop3A_611 : i32 to index
        %parallel_loop3A_614 = tpu.vector_load %arg9[%parallel_loop3A_612, %parallel_loop3A_613] {strides = array<i32>} : memref<8x1024xf32, #tpu.memory_space<vmem>>, vector<1x16xf32>,
        %parallel_loop3A_615 = vector.shape_cast %parallel_loop3A_614 : vector<1x16xf32> to vector<16xf32>
        %parallel_loop3A_616 = arith.addf %parallel_loop3A_615, %parallel_loop3A_369 : vector<16xf32>
        %parallel_loop3A_617 = arith.index_cast %parallel_loop3A_339 : i32 to index
        %parallel_loop3A_618 = arith.index_cast %parallel_loop3A_611 : i32 to index
        %parallel_loop3A_619 = tpu.vector_load %arg15[%parallel_loop3A_617, %parallel_loop3A_618] {strides = array<i32>} : memref<8x1024xf32, #tpu.memory_space<vmem>>, vector<1x16xf32>,
        %parallel_loop3A_620 = vector.shape_cast %parallel_loop3A_619 : vector<1x16xf32> to vector<16xf32>
        %parallel_loop3A_621 = vector.shape_cast %parallel_loop3A_616 : vector<16xf32> to vector<1x16xf32>
        tpu.vector_store %arg15[%parallel_loop3A_617, %parallel_loop3A_618], %parallel_loop3A_621 {strides = array<i32>} : memref<8x1024xf32, #tpu.memory_space<vmem>>, vector<1x16xf32>,
        %parallel_loop3A_622 = arith.constant 32 : i32
        %parallel_loop3A_623 = arith.addi %parallel_loop3A_357, %parallel_loop3A_622 : i32
        %parallel_loop3A_624 = arith.index_cast %parallel_loop3A_339 : i32 to index
        %parallel_loop3A_625 = arith.index_cast %parallel_loop3A_623 : i32 to index
        %parallel_loop3A_626 = tpu.vector_load %arg9[%parallel_loop3A_624, %parallel_loop3A_625] {strides = array<i32>} : memref<8x1024xf32, #tpu.memory_space<vmem>>, vector<1x16xf32>,
        %parallel_loop3A_627 = vector.shape_cast %parallel_loop3A_626 : vector<1x16xf32> to vector<16xf32>
        %parallel_loop3A_628 = arith.addf %parallel_loop3A_627, %parallel_loop3A_375 : vector<16xf32>
        %parallel_loop3A_629 = arith.index_cast %parallel_loop3A_339 : i32 to index
        %parallel_loop3A_630 = arith.index_cast %parallel_loop3A_623 : i32 to index
        %parallel_loop3A_631 = tpu.vector_load %arg15[%parallel_loop3A_629, %parallel_loop3A_630] {strides = array<i32>} : memref<8x1024xf32, #tpu.memory_space<vmem>>, vector<1x16xf32>,
        %parallel_loop3A_632 = vector.shape_cast %parallel_loop3A_631 : vector<1x16xf32> to vector<16xf32>
        %parallel_loop3A_633 = vector.shape_cast %parallel_loop3A_628 : vector<16xf32> to vector<1x16xf32>
        tpu.vector_store %arg15[%parallel_loop3A_629, %parallel_loop3A_630], %parallel_loop3A_633 {strides = array<i32>} : memref<8x1024xf32, #tpu.memory_space<vmem>>, vector<1x16xf32>,
        %parallel_loop3A_634 = arith.constant 48 : i32
        %parallel_loop3A_635 = arith.addi %parallel_loop3A_357, %parallel_loop3A_634 : i32
        %parallel_loop3A_636 = arith.index_cast %parallel_loop3A_339 : i32 to index
        %parallel_loop3A_637 = arith.index_cast %parallel_loop3A_635 : i32 to index
        %parallel_loop3A_638 = tpu.vector_load %arg9[%parallel_loop3A_636, %parallel_loop3A_637] {strides = array<i32>} : memref<8x1024xf32, #tpu.memory_space<vmem>>, vector<1x16xf32>,
        %parallel_loop3A_639 = vector.shape_cast %parallel_loop3A_638 : vector<1x16xf32> to vector<16xf32>
        %parallel_loop3A_640 = arith.addf %parallel_loop3A_639, %parallel_loop3A_381 : vector<16xf32>
        %parallel_loop3A_641 = arith.index_cast %parallel_loop3A_339 : i32 to index
        %parallel_loop3A_642 = arith.index_cast %parallel_loop3A_635 : i32 to index
        %parallel_loop3A_643 = tpu.vector_load %arg15[%parallel_loop3A_641, %parallel_loop3A_642] {strides = array<i32>} : memref<8x1024xf32, #tpu.memory_space<vmem>>, vector<1x16xf32>,
        %parallel_loop3A_644 = vector.shape_cast %parallel_loop3A_643 : vector<1x16xf32> to vector<16xf32>
        %parallel_loop3A_645 = vector.shape_cast %parallel_loop3A_640 : vector<16xf32> to vector<1x16xf32>
        tpu.vector_store %arg15[%parallel_loop3A_641, %parallel_loop3A_642], %parallel_loop3A_645 {strides = array<i32>} : memref<8x1024xf32, #tpu.memory_space<vmem>>, vector<1x16xf32>,
        %parallel_loop3A_646 = arith.constant 64 : i32
        %parallel_loop3A_647 = arith.addi %parallel_loop3A_357, %parallel_loop3A_646 : i32
        %parallel_loop3A_648 = arith.index_cast %parallel_loop3A_339 : i32 to index
        %parallel_loop3A_649 = arith.index_cast %parallel_loop3A_647 : i32 to index
        %parallel_loop3A_650 = tpu.vector_load %arg9[%parallel_loop3A_648, %parallel_loop3A_649] {strides = array<i32>} : memref<8x1024xf32, #tpu.memory_space<vmem>>, vector<1x16xf32>,
        %parallel_loop3A_651 = vector.shape_cast %parallel_loop3A_650 : vector<1x16xf32> to vector<16xf32>
        %parallel_loop3A_652 = arith.addf %parallel_loop3A_651, %parallel_loop3A_387 : vector<16xf32>
        %parallel_loop3A_653 = arith.index_cast %parallel_loop3A_339 : i32 to index
        %parallel_loop3A_654 = arith.index_cast %parallel_loop3A_647 : i32 to index
        %parallel_loop3A_655 = tpu.vector_load %arg15[%parallel_loop3A_653, %parallel_loop3A_654] {strides = array<i32>} : memref<8x1024xf32, #tpu.memory_space<vmem>>, vector<1x16xf32>,
        %parallel_loop3A_656 = vector.shape_cast %parallel_loop3A_655 : vector<1x16xf32> to vector<16xf32>
        %parallel_loop3A_657 = vector.shape_cast %parallel_loop3A_652 : vector<16xf32> to vector<1x16xf32>
        tpu.vector_store %arg15[%parallel_loop3A_653, %parallel_loop3A_654], %parallel_loop3A_657 {strides = array<i32>} : memref<8x1024xf32, #tpu.memory_space<vmem>>, vector<1x16xf32>,
        %parallel_loop3A_658 = arith.constant 80 : i32
        %parallel_loop3A_659 = arith.addi %parallel_loop3A_357, %parallel_loop3A_658 : i32
        %parallel_loop3A_660 = arith.index_cast %parallel_loop3A_339 : i32 to index
        %parallel_loop3A_661 = arith.index_cast %parallel_loop3A_659 : i32 to index
        %parallel_loop3A_662 = tpu.vector_load %arg9[%parallel_loop3A_660, %parallel_loop3A_661] {strides = array<i32>} : memref<8x1024xf32, #tpu.memory_space<vmem>>, vector<1x16xf32>,
        %parallel_loop3A_663 = vector.shape_cast %parallel_loop3A_662 : vector<1x16xf32> to vector<16xf32>
        %parallel_loop3A_664 = arith.addf %parallel_loop3A_663, %parallel_loop3A_393 : vector<16xf32>
        %parallel_loop3A_665 = arith.index_cast %parallel_loop3A_339 : i32 to index
        %parallel_loop3A_666 = arith.index_cast %parallel_loop3A_659 : i32 to index
        %parallel_loop3A_667 = tpu.vector_load %arg15[%parallel_loop3A_665, %parallel_loop3A_666] {strides = array<i32>} : memref<8x1024xf32, #tpu.memory_space<vmem>>, vector<1x16xf32>,
        %parallel_loop3A_668 = vector.shape_cast %parallel_loop3A_667 : vector<1x16xf32> to vector<16xf32>
        %parallel_loop3A_669 = vector.shape_cast %parallel_loop3A_664 : vector<16xf32> to vector<1x16xf32>
        tpu.vector_store %arg15[%parallel_loop3A_665, %parallel_loop3A_666], %parallel_loop3A_669 {strides = array<i32>} : memref<8x1024xf32, #tpu.memory_space<vmem>>, vector<1x16xf32>,
        %parallel_loop3A_670 = arith.constant 96 : i32
        %parallel_loop3A_671 = arith.addi %parallel_loop3A_357, %parallel_loop3A_670 : i32
        %parallel_loop3A_672 = arith.index_cast %parallel_loop3A_339 : i32 to index
        %parallel_loop3A_673 = arith.index_cast %parallel_loop3A_671 : i32 to index
        %parallel_loop3A_674 = tpu.vector_load %arg9[%parallel_loop3A_672, %parallel_loop3A_673] {strides = array<i32>} : memref<8x1024xf32, #tpu.memory_space<vmem>>, vector<1x16xf32>,
        %parallel_loop3A_675 = vector.shape_cast %parallel_loop3A_674 : vector<1x16xf32> to vector<16xf32>
        %parallel_loop3A_676 = arith.addf %parallel_loop3A_675, %parallel_loop3A_399 : vector<16xf32>
        %parallel_loop3A_677 = arith.index_cast %parallel_loop3A_339 : i32 to index
        %parallel_loop3A_678 = arith.index_cast %parallel_loop3A_671 : i32 to index
        %parallel_loop3A_679 = tpu.vector_load %arg15[%parallel_loop3A_677, %parallel_loop3A_678] {strides = array<i32>} : memref<8x1024xf32, #tpu.memory_space<vmem>>, vector<1x16xf32>,
        %parallel_loop3A_680 = vector.shape_cast %parallel_loop3A_679 : vector<1x16xf32> to vector<16xf32>
        %parallel_loop3A_681 = vector.shape_cast %parallel_loop3A_676 : vector<16xf32> to vector<1x16xf32>
        tpu.vector_store %arg15[%parallel_loop3A_677, %parallel_loop3A_678], %parallel_loop3A_681 {strides = array<i32>} : memref<8x1024xf32, #tpu.memory_space<vmem>>, vector<1x16xf32>,
        %parallel_loop3A_682 = arith.constant 112 : i32
        %parallel_loop3A_683 = arith.addi %parallel_loop3A_357, %parallel_loop3A_682 : i32
        %parallel_loop3A_684 = arith.index_cast %parallel_loop3A_339 : i32 to index
        %parallel_loop3A_685 = arith.index_cast %parallel_loop3A_683 : i32 to index
        %parallel_loop3A_686 = tpu.vector_load %arg9[%parallel_loop3A_684, %parallel_loop3A_685] {strides = array<i32>} : memref<8x1024xf32, #tpu.memory_space<vmem>>, vector<1x16xf32>,
        %parallel_loop3A_687 = vector.shape_cast %parallel_loop3A_686 : vector<1x16xf32> to vector<16xf32>
        %parallel_loop3A_688 = arith.addf %parallel_loop3A_687, %parallel_loop3A_405 : vector<16xf32>
        %parallel_loop3A_689 = arith.index_cast %parallel_loop3A_339 : i32 to index
        %parallel_loop3A_690 = arith.index_cast %parallel_loop3A_683 : i32 to index
        %parallel_loop3A_691 = tpu.vector_load %arg15[%parallel_loop3A_689, %parallel_loop3A_690] {strides = array<i32>} : memref<8x1024xf32, #tpu.memory_space<vmem>>, vector<1x16xf32>,
        %parallel_loop3A_692 = vector.shape_cast %parallel_loop3A_691 : vector<1x16xf32> to vector<16xf32>
        %parallel_loop3A_693 = vector.shape_cast %parallel_loop3A_688 : vector<16xf32> to vector<1x16xf32>
        tpu.vector_store %arg15[%parallel_loop3A_689, %parallel_loop3A_690], %parallel_loop3A_693 {strides = array<i32>} : memref<8x1024xf32, #tpu.memory_space<vmem>>, vector<1x16xf32>,
        %parallel_loop3A_694 = arith.constant 0 : i32
        %parallel_loop3A_695 = arith.addi %parallel_loop3A_357, %parallel_loop3A_694 : i32
        %parallel_loop3A_696 = arith.index_cast %parallel_loop3A_339 : i32 to index
        %parallel_loop3A_697 = arith.index_cast %parallel_loop3A_695 : i32 to index
        %parallel_loop3A_698 = tpu.vector_load %arg11[%parallel_loop3A_696, %parallel_loop3A_697] {strides = array<i32>} : memref<8x1024xf32, #tpu.memory_space<vmem>>, vector<1x16xf32>,
        %parallel_loop3A_699 = vector.shape_cast %parallel_loop3A_698 : vector<1x16xf32> to vector<16xf32>
        %parallel_loop3A_700 = arith.addf %parallel_loop3A_699, %parallel_loop3A_363 : vector<16xf32>
        %parallel_loop3A_701 = arith.index_cast %parallel_loop3A_339 : i32 to index
        %parallel_loop3A_702 = arith.index_cast %parallel_loop3A_695 : i32 to index
        %parallel_loop3A_703 = tpu.vector_load %arg16[%parallel_loop3A_701, %parallel_loop3A_702] {strides = array<i32>} : memref<8x1024xf32, #tpu.memory_space<vmem>>, vector<1x16xf32>,
        %parallel_loop3A_704 = vector.shape_cast %parallel_loop3A_703 : vector<1x16xf32> to vector<16xf32>
        %parallel_loop3A_705 = vector.shape_cast %parallel_loop3A_700 : vector<16xf32> to vector<1x16xf32>
        tpu.vector_store %arg16[%parallel_loop3A_701, %parallel_loop3A_702], %parallel_loop3A_705 {strides = array<i32>} : memref<8x1024xf32, #tpu.memory_space<vmem>>, vector<1x16xf32>,
        %parallel_loop3A_706 = arith.constant 16 : i32
        %parallel_loop3A_707 = arith.addi %parallel_loop3A_357, %parallel_loop3A_706 : i32
        %parallel_loop3A_708 = arith.index_cast %parallel_loop3A_339 : i32 to index
        %parallel_loop3A_709 = arith.index_cast %parallel_loop3A_707 : i32 to index
        %parallel_loop3A_710 = tpu.vector_load %arg11[%parallel_loop3A_708, %parallel_loop3A_709] {strides = array<i32>} : memref<8x1024xf32, #tpu.memory_space<vmem>>, vector<1x16xf32>,
        %parallel_loop3A_711 = vector.shape_cast %parallel_loop3A_710 : vector<1x16xf32> to vector<16xf32>
        %parallel_loop3A_712 = arith.addf %parallel_loop3A_711, %parallel_loop3A_369 : vector<16xf32>
        %parallel_loop3A_713 = arith.index_cast %parallel_loop3A_339 : i32 to index
        %parallel_loop3A_714 = arith.index_cast %parallel_loop3A_707 : i32 to index
        %parallel_loop3A_715 = tpu.vector_load %arg16[%parallel_loop3A_713, %parallel_loop3A_714] {strides = array<i32>} : memref<8x1024xf32, #tpu.memory_space<vmem>>, vector<1x16xf32>,
        %parallel_loop3A_716 = vector.shape_cast %parallel_loop3A_715 : vector<1x16xf32> to vector<16xf32>
        %parallel_loop3A_717 = vector.shape_cast %parallel_loop3A_712 : vector<16xf32> to vector<1x16xf32>
        tpu.vector_store %arg16[%parallel_loop3A_713, %parallel_loop3A_714], %parallel_loop3A_717 {strides = array<i32>} : memref<8x1024xf32, #tpu.memory_space<vmem>>, vector<1x16xf32>,
        %parallel_loop3A_718 = arith.constant 32 : i32
        %parallel_loop3A_719 = arith.addi %parallel_loop3A_357, %parallel_loop3A_718 : i32
        %parallel_loop3A_720 = arith.index_cast %parallel_loop3A_339 : i32 to index
        %parallel_loop3A_721 = arith.index_cast %parallel_loop3A_719 : i32 to index
        %parallel_loop3A_722 = tpu.vector_load %arg11[%parallel_loop3A_720, %parallel_loop3A_721] {strides = array<i32>} : memref<8x1024xf32, #tpu.memory_space<vmem>>, vector<1x16xf32>,
        %parallel_loop3A_723 = vector.shape_cast %parallel_loop3A_722 : vector<1x16xf32> to vector<16xf32>
        %parallel_loop3A_724 = arith.addf %parallel_loop3A_723, %parallel_loop3A_375 : vector<16xf32>
        %parallel_loop3A_725 = arith.index_cast %parallel_loop3A_339 : i32 to index
        %parallel_loop3A_726 = arith.index_cast %parallel_loop3A_719 : i32 to index
        %parallel_loop3A_727 = tpu.vector_load %arg16[%parallel_loop3A_725, %parallel_loop3A_726] {strides = array<i32>} : memref<8x1024xf32, #tpu.memory_space<vmem>>, vector<1x16xf32>,
        %parallel_loop3A_728 = vector.shape_cast %parallel_loop3A_727 : vector<1x16xf32> to vector<16xf32>
        %parallel_loop3A_729 = vector.shape_cast %parallel_loop3A_724 : vector<16xf32> to vector<1x16xf32>
        tpu.vector_store %arg16[%parallel_loop3A_725, %parallel_loop3A_726], %parallel_loop3A_729 {strides = array<i32>} : memref<8x1024xf32, #tpu.memory_space<vmem>>, vector<1x16xf32>,
        %parallel_loop3A_730 = arith.constant 48 : i32
        %parallel_loop3A_731 = arith.addi %parallel_loop3A_357, %parallel_loop3A_730 : i32
        %parallel_loop3A_732 = arith.index_cast %parallel_loop3A_339 : i32 to index
        %parallel_loop3A_733 = arith.index_cast %parallel_loop3A_731 : i32 to index
        %parallel_loop3A_734 = tpu.vector_load %arg11[%parallel_loop3A_732, %parallel_loop3A_733] {strides = array<i32>} : memref<8x1024xf32, #tpu.memory_space<vmem>>, vector<1x16xf32>,
        %parallel_loop3A_735 = vector.shape_cast %parallel_loop3A_734 : vector<1x16xf32> to vector<16xf32>
        %parallel_loop3A_736 = arith.addf %parallel_loop3A_735, %parallel_loop3A_381 : vector<16xf32>
        %parallel_loop3A_737 = arith.index_cast %parallel_loop3A_339 : i32 to index
        %parallel_loop3A_738 = arith.index_cast %parallel_loop3A_731 : i32 to index
        %parallel_loop3A_739 = tpu.vector_load %arg16[%parallel_loop3A_737, %parallel_loop3A_738] {strides = array<i32>} : memref<8x1024xf32, #tpu.memory_space<vmem>>, vector<1x16xf32>,
        %parallel_loop3A_740 = vector.shape_cast %parallel_loop3A_739 : vector<1x16xf32> to vector<16xf32>
        %parallel_loop3A_741 = vector.shape_cast %parallel_loop3A_736 : vector<16xf32> to vector<1x16xf32>
        tpu.vector_store %arg16[%parallel_loop3A_737, %parallel_loop3A_738], %parallel_loop3A_741 {strides = array<i32>} : memref<8x1024xf32, #tpu.memory_space<vmem>>, vector<1x16xf32>,
        %parallel_loop3A_742 = arith.constant 64 : i32
        %parallel_loop3A_743 = arith.addi %parallel_loop3A_357, %parallel_loop3A_742 : i32
        %parallel_loop3A_744 = arith.index_cast %parallel_loop3A_339 : i32 to index
        %parallel_loop3A_745 = arith.index_cast %parallel_loop3A_743 : i32 to index
        %parallel_loop3A_746 = tpu.vector_load %arg11[%parallel_loop3A_744, %parallel_loop3A_745] {strides = array<i32>} : memref<8x1024xf32, #tpu.memory_space<vmem>>, vector<1x16xf32>,
        %parallel_loop3A_747 = vector.shape_cast %parallel_loop3A_746 : vector<1x16xf32> to vector<16xf32>
        %parallel_loop3A_748 = arith.addf %parallel_loop3A_747, %parallel_loop3A_387 : vector<16xf32>
        %parallel_loop3A_749 = arith.index_cast %parallel_loop3A_339 : i32 to index
        %parallel_loop3A_750 = arith.index_cast %parallel_loop3A_743 : i32 to index
        %parallel_loop3A_751 = tpu.vector_load %arg16[%parallel_loop3A_749, %parallel_loop3A_750] {strides = array<i32>} : memref<8x1024xf32, #tpu.memory_space<vmem>>, vector<1x16xf32>,
        %parallel_loop3A_752 = vector.shape_cast %parallel_loop3A_751 : vector<1x16xf32> to vector<16xf32>
        %parallel_loop3A_753 = vector.shape_cast %parallel_loop3A_748 : vector<16xf32> to vector<1x16xf32>
        tpu.vector_store %arg16[%parallel_loop3A_749, %parallel_loop3A_750], %parallel_loop3A_753 {strides = array<i32>} : memref<8x1024xf32, #tpu.memory_space<vmem>>, vector<1x16xf32>,
        %parallel_loop3A_754 = arith.constant 80 : i32
        %parallel_loop3A_755 = arith.addi %parallel_loop3A_357, %parallel_loop3A_754 : i32
        %parallel_loop3A_756 = arith.index_cast %parallel_loop3A_339 : i32 to index
        %parallel_loop3A_757 = arith.index_cast %parallel_loop3A_755 : i32 to index
        %parallel_loop3A_758 = tpu.vector_load %arg11[%parallel_loop3A_756, %parallel_loop3A_757] {strides = array<i32>} : memref<8x1024xf32, #tpu.memory_space<vmem>>, vector<1x16xf32>,
        %parallel_loop3A_759 = vector.shape_cast %parallel_loop3A_758 : vector<1x16xf32> to vector<16xf32>
        %parallel_loop3A_760 = arith.addf %parallel_loop3A_759, %parallel_loop3A_393 : vector<16xf32>
        %parallel_loop3A_761 = arith.index_cast %parallel_loop3A_339 : i32 to index
        %parallel_loop3A_762 = arith.index_cast %parallel_loop3A_755 : i32 to index
        %parallel_loop3A_763 = tpu.vector_load %arg16[%parallel_loop3A_761, %parallel_loop3A_762] {strides = array<i32>} : memref<8x1024xf32, #tpu.memory_space<vmem>>, vector<1x16xf32>,
        %parallel_loop3A_764 = vector.shape_cast %parallel_loop3A_763 : vector<1x16xf32> to vector<16xf32>
        %parallel_loop3A_765 = vector.shape_cast %parallel_loop3A_760 : vector<16xf32> to vector<1x16xf32>
        tpu.vector_store %arg16[%parallel_loop3A_761, %parallel_loop3A_762], %parallel_loop3A_765 {strides = array<i32>} : memref<8x1024xf32, #tpu.memory_space<vmem>>, vector<1x16xf32>,
        %parallel_loop3A_766 = arith.constant 96 : i32
        %parallel_loop3A_767 = arith.addi %parallel_loop3A_357, %parallel_loop3A_766 : i32
        %parallel_loop3A_768 = arith.index_cast %parallel_loop3A_339 : i32 to index
        %parallel_loop3A_769 = arith.index_cast %parallel_loop3A_767 : i32 to index
        %parallel_loop3A_770 = tpu.vector_load %arg11[%parallel_loop3A_768, %parallel_loop3A_769] {strides = array<i32>} : memref<8x1024xf32, #tpu.memory_space<vmem>>, vector<1x16xf32>,
        %parallel_loop3A_771 = vector.shape_cast %parallel_loop3A_770 : vector<1x16xf32> to vector<16xf32>
        %parallel_loop3A_772 = arith.addf %parallel_loop3A_771, %parallel_loop3A_399 : vector<16xf32>
        %parallel_loop3A_773 = arith.index_cast %parallel_loop3A_339 : i32 to index
        %parallel_loop3A_774 = arith.index_cast %parallel_loop3A_767 : i32 to index
        %parallel_loop3A_775 = tpu.vector_load %arg16[%parallel_loop3A_773, %parallel_loop3A_774] {strides = array<i32>} : memref<8x1024xf32, #tpu.memory_space<vmem>>, vector<1x16xf32>,
        %parallel_loop3A_776 = vector.shape_cast %parallel_loop3A_775 : vector<1x16xf32> to vector<16xf32>
        %parallel_loop3A_777 = vector.shape_cast %parallel_loop3A_772 : vector<16xf32> to vector<1x16xf32>
        tpu.vector_store %arg16[%parallel_loop3A_773, %parallel_loop3A_774], %parallel_loop3A_777 {strides = array<i32>} : memref<8x1024xf32, #tpu.memory_space<vmem>>, vector<1x16xf32>,
        %parallel_loop3A_778 = arith.constant 112 : i32
        %parallel_loop3A_779 = arith.addi %parallel_loop3A_357, %parallel_loop3A_778 : i32
        %parallel_loop3A_780 = arith.index_cast %parallel_loop3A_339 : i32 to index
        %parallel_loop3A_781 = arith.index_cast %parallel_loop3A_779 : i32 to index
        %parallel_loop3A_782 = tpu.vector_load %arg11[%parallel_loop3A_780, %parallel_loop3A_781] {strides = array<i32>} : memref<8x1024xf32, #tpu.memory_space<vmem>>, vector<1x16xf32>,
        %parallel_loop3A_783 = vector.shape_cast %parallel_loop3A_782 : vector<1x16xf32> to vector<16xf32>
        %parallel_loop3A_784 = arith.addf %parallel_loop3A_783, %parallel_loop3A_405 : vector<16xf32>
        %parallel_loop3A_785 = arith.index_cast %parallel_loop3A_339 : i32 to index
        %parallel_loop3A_786 = arith.index_cast %parallel_loop3A_779 : i32 to index
        %parallel_loop3A_787 = tpu.vector_load %arg16[%parallel_loop3A_785, %parallel_loop3A_786] {strides = array<i32>} : memref<8x1024xf32, #tpu.memory_space<vmem>>, vector<1x16xf32>,
        %parallel_loop3A_788 = vector.shape_cast %parallel_loop3A_787 : vector<1x16xf32> to vector<16xf32>
        %parallel_loop3A_789 = vector.shape_cast %parallel_loop3A_784 : vector<16xf32> to vector<1x16xf32>
        tpu.vector_store %arg16[%parallel_loop3A_785, %parallel_loop3A_786], %parallel_loop3A_789 {strides = array<i32>} : memref<8x1024xf32, #tpu.memory_space<vmem>>, vector<1x16xf32>,
      } {sc.loop_unroll_factor = 1 : i64, sc.parallel_access}
      %add3A_158 = arith.constant 0 : i32
      %add3A_159 = arith.addi %add3A_158, %mul3A_2 : i32
      %mul3A_160 = arith.constant 8 : i32
      %mul3A_161 = arith.muli %add3A_110, %mul3A_160 : i32
      %add3A_162 = arith.addi %add3A_159, %mul3A_161 : i32
      %dma_start3A_163 = arith.constant 0 : i32
      %dma_start3A_164 = tpu.memref_slice %arg4[%add3A_162, %dma_start3A_163] : memref<32768x1024xf32, #tpu.memory_space<hbm>> -> memref<8x1024xf32, #tpu.memory_space<hbm>>
      %dma_start3A_165 = arith.constant 0 : i32
      %dma_start3A_166 = tpu.memref_slice %arg4[%add3A_162, %dma_start3A_165] : memref<32768x1024xf32, #tpu.memory_space<hbm>> -> memref<8x1024xf32, #tpu.memory_space<hbm>>
      tpu.enqueue_dma source(%arg13 : memref<8x1024xf32, #tpu.memory_space<vmem>>) target(%dma_start3A_166 : memref<8x1024xf32, #tpu.memory_space<hbm>>) target_semaphore(%arg23 : memref<!tpu.dma_semaphore, #tpu.memory_space<semaphore_mem>>)
      %add3A_167 = arith.constant 8192 : i32
      %add3A_168 = arith.addi %add3A_167, %mul3A_2 : i32
      %mul3A_169 = arith.constant 8 : i32
      %mul3A_170 = arith.muli %add3A_110, %mul3A_169 : i32
      %add3A_171 = arith.addi %add3A_168, %mul3A_170 : i32
      %dma_start3A_172 = arith.constant 0 : i32
      %dma_start3A_173 = tpu.memref_slice %arg4[%add3A_171, %dma_start3A_172] : memref<32768x1024xf32, #tpu.memory_space<hbm>> -> memref<8x1024xf32, #tpu.memory_space<hbm>>
      %dma_start3A_174 = arith.constant 0 : i32
      %dma_start3A_175 = tpu.memref_slice %arg4[%add3A_171, %dma_start3A_174] : memref<32768x1024xf32, #tpu.memory_space<hbm>> -> memref<8x1024xf32, #tpu.memory_space<hbm>>
      tpu.enqueue_dma source(%arg14 : memref<8x1024xf32, #tpu.memory_space<vmem>>) target(%dma_start3A_175 : memref<8x1024xf32, #tpu.memory_space<hbm>>) target_semaphore(%arg23 : memref<!tpu.dma_semaphore, #tpu.memory_space<semaphore_mem>>)
      %add3A_176 = arith.constant 16384 : i32
      %add3A_177 = arith.addi %add3A_176, %mul3A_2 : i32
      %mul3A_178 = arith.constant 8 : i32
      %mul3A_179 = arith.muli %add3A_110, %mul3A_178 : i32
      %add3A_180 = arith.addi %add3A_177, %mul3A_179 : i32
      %dma_start3A_181 = arith.constant 0 : i32
      %dma_start3A_182 = tpu.memref_slice %arg4[%add3A_180, %dma_start3A_181] : memref<32768x1024xf32, #tpu.memory_space<hbm>> -> memref<8x1024xf32, #tpu.memory_space<hbm>>
      %dma_start3A_183 = arith.constant 0 : i32
      %dma_start3A_184 = tpu.memref_slice %arg4[%add3A_180, %dma_start3A_183] : memref<32768x1024xf32, #tpu.memory_space<hbm>> -> memref<8x1024xf32, #tpu.memory_space<hbm>>
      tpu.enqueue_dma source(%arg15 : memref<8x1024xf32, #tpu.memory_space<vmem>>) target(%dma_start3A_184 : memref<8x1024xf32, #tpu.memory_space<hbm>>) target_semaphore(%arg23 : memref<!tpu.dma_semaphore, #tpu.memory_space<semaphore_mem>>)
      %add3A_185 = arith.constant 24576 : i32
      %add3A_186 = arith.addi %add3A_185, %mul3A_2 : i32
      %mul3A_187 = arith.constant 8 : i32
      %mul3A_188 = arith.muli %add3A_110, %mul3A_187 : i32
      %add3A_189 = arith.addi %add3A_186, %mul3A_188 : i32
      %dma_start3A_190 = arith.constant 0 : i32
      %dma_start3A_191 = tpu.memref_slice %arg4[%add3A_189, %dma_start3A_190] : memref<32768x1024xf32, #tpu.memory_space<hbm>> -> memref<8x1024xf32, #tpu.memory_space<hbm>>
      %dma_start3A_192 = arith.constant 0 : i32
      %dma_start3A_193 = tpu.memref_slice %arg4[%add3A_189, %dma_start3A_192] : memref<32768x1024xf32, #tpu.memory_space<hbm>> -> memref<8x1024xf32, #tpu.memory_space<hbm>>
      tpu.enqueue_dma source(%arg16 : memref<8x1024xf32, #tpu.memory_space<vmem>>) target(%dma_start3A_193 : memref<8x1024xf32, #tpu.memory_space<hbm>>) target_semaphore(%arg23 : memref<!tpu.dma_semaphore, #tpu.memory_space<semaphore_mem>>)
      %add3A_194 = arith.constant 2 : i32
      %add3A_195 = arith.addi %add3A_110, %add3A_194 : i32
      %lt3A = arith.constant 32 : i32
      %lt3A_196 = arith.cmpi slt, %add3A_195, %lt3A : i32
      %convert_element_type3A_197 = arith.extui %lt3A_196 : i1 to i32
      %cond3A_198 = arith.constant 0 : i32
      %cond3A_199 = arith.cmpi ne, %convert_element_type3A_197, %cond3A_198 : i32
      scf.if %cond3A_199 {
        %add3A_315 = arith.constant 2 : i32
        %add3A_316 = arith.addi %add3A_110, %add3A_315 : i32
        %mul3A_317 = arith.constant 8 : i32
        %mul3A_318 = arith.muli %add3A_316, %mul3A_317 : i32
        %add3A_319 = arith.addi %mul3A_2, %mul3A_318 : i32
        %dma_start3A_320 = arith.constant 0 : i32
        %dma_start3A_321 = tpu.memref_slice %arg3[%add3A_319, %dma_start3A_320] : memref<8192x1024xf32, #tpu.memory_space<hbm>> -> memref<8x1024xf32, #tpu.memory_space<hbm>>
        %dma_start3A_322 = arith.constant 0 : i32
        %dma_start3A_323 = tpu.memref_slice %arg3[%add3A_319, %dma_start3A_322] : memref<8192x1024xf32, #tpu.memory_space<hbm>> -> memref<8x1024xf32, #tpu.memory_space<hbm>>
        tpu.enqueue_dma source(%dma_start3A_323 : memref<8x1024xf32, #tpu.memory_space<hbm>>) target(%arg17 : memref<8x1024xf32, #tpu.memory_space<vmem>>) target_semaphore(%arg21 : memref<!tpu.dma_semaphore, #tpu.memory_space<semaphore_mem>>)
        %add3A_324 = arith.constant 2 : i32
        %add3A_325 = arith.addi %add3A_110, %add3A_324 : i32
        %add3A_326 = arith.constant 0 : i32
        %add3A_327 = arith.addi %add3A_326, %mul3A_2 : i32
        %mul3A_328 = arith.constant 8 : i32
        %mul3A_329 = arith.muli %add3A_325, %mul3A_328 : i32
        %add3A_330 = arith.addi %add3A_327, %mul3A_329 : i32
        %dma_start3A_331 = arith.constant 0 : i32
        %dma_start3A_332 = tpu.memref_slice %arg2[%add3A_330, %dma_start3A_331] : memref<32768x1024xf32, #tpu.memory_space<hbm>> -> memref<8x1024xf32, #tpu.memory_space<hbm>>
        %dma_start3A_333 = arith.constant 0 : i32
        %dma_start3A_334 = tpu.memref_slice %arg2[%add3A_330, %dma_start3A_333] : memref<32768x1024xf32, #tpu.memory_space<hbm>> -> memref<8x1024xf32, #tpu.memory_space<hbm>>
        tpu.enqueue_dma source(%dma_start3A_334 : memref<8x1024xf32, #tpu.memory_space<hbm>>) target(%arg5 : memref<8x1024xf32, #tpu.memory_space<vmem>>) target_semaphore(%arg19 : memref<!tpu.dma_semaphore, #tpu.memory_space<semaphore_mem>>)
        %add3A_335 = arith.constant 2 : i32
        %add3A_336 = arith.addi %add3A_110, %add3A_335 : i32
        %add3A_337 = arith.constant 8192 : i32
        %add3A_338 = arith.addi %add3A_337, %mul3A_2 : i32
        %mul3A_339 = arith.constant 8 : i32
        %mul3A_340 = arith.muli %add3A_336, %mul3A_339 : i32
        %add3A_341 = arith.addi %add3A_338, %mul3A_340 : i32
        %dma_start3A_342 = arith.constant 0 : i32
        %dma_start3A_343 = tpu.memref_slice %arg2[%add3A_341, %dma_start3A_342] : memref<32768x1024xf32, #tpu.memory_space<hbm>> -> memref<8x1024xf32, #tpu.memory_space<hbm>>
        %dma_start3A_344 = arith.constant 0 : i32
        %dma_start3A_345 = tpu.memref_slice %arg2[%add3A_341, %dma_start3A_344] : memref<32768x1024xf32, #tpu.memory_space<hbm>> -> memref<8x1024xf32, #tpu.memory_space<hbm>>
        tpu.enqueue_dma source(%dma_start3A_345 : memref<8x1024xf32, #tpu.memory_space<hbm>>) target(%arg7 : memref<8x1024xf32, #tpu.memory_space<vmem>>) target_semaphore(%arg19 : memref<!tpu.dma_semaphore, #tpu.memory_space<semaphore_mem>>)
        %add3A_346 = arith.constant 2 : i32
        %add3A_347 = arith.addi %add3A_110, %add3A_346 : i32
        %add3A_348 = arith.constant 16384 : i32
        %add3A_349 = arith.addi %add3A_348, %mul3A_2 : i32
        %mul3A_350 = arith.constant 8 : i32
        %mul3A_351 = arith.muli %add3A_347, %mul3A_350 : i32
        %add3A_352 = arith.addi %add3A_349, %mul3A_351 : i32
        %dma_start3A_353 = arith.constant 0 : i32
        %dma_start3A_354 = tpu.memref_slice %arg2[%add3A_352, %dma_start3A_353] : memref<32768x1024xf32, #tpu.memory_space<hbm>> -> memref<8x1024xf32, #tpu.memory_space<hbm>>
        %dma_start3A_355 = arith.constant 0 : i32
        %dma_start3A_356 = tpu.memref_slice %arg2[%add3A_352, %dma_start3A_355] : memref<32768x1024xf32, #tpu.memory_space<hbm>> -> memref<8x1024xf32, #tpu.memory_space<hbm>>
        tpu.enqueue_dma source(%dma_start3A_356 : memref<8x1024xf32, #tpu.memory_space<hbm>>) target(%arg9 : memref<8x1024xf32, #tpu.memory_space<vmem>>) target_semaphore(%arg19 : memref<!tpu.dma_semaphore, #tpu.memory_space<semaphore_mem>>)
        %add3A_357 = arith.constant 2 : i32
        %add3A_358 = arith.addi %add3A_110, %add3A_357 : i32
        %add3A_359 = arith.constant 24576 : i32
        %add3A_360 = arith.addi %add3A_359, %mul3A_2 : i32
        %mul3A_361 = arith.constant 8 : i32
        %mul3A_362 = arith.muli %add3A_358, %mul3A_361 : i32
        %add3A_363 = arith.addi %add3A_360, %mul3A_362 : i32
        %dma_start3A_364 = arith.constant 0 : i32
        %dma_start3A_365 = tpu.memref_slice %arg2[%add3A_363, %dma_start3A_364] : memref<32768x1024xf32, #tpu.memory_space<hbm>> -> memref<8x1024xf32, #tpu.memory_space<hbm>>
        %dma_start3A_366 = arith.constant 0 : i32
        %dma_start3A_367 = tpu.memref_slice %arg2[%add3A_363, %dma_start3A_366] : memref<32768x1024xf32, #tpu.memory_space<hbm>> -> memref<8x1024xf32, #tpu.memory_space<hbm>>
        tpu.enqueue_dma source(%dma_start3A_367 : memref<8x1024xf32, #tpu.memory_space<hbm>>) target(%arg11 : memref<8x1024xf32, #tpu.memory_space<vmem>>) target_semaphore(%arg19 : memref<!tpu.dma_semaphore, #tpu.memory_space<semaphore_mem>>)
      } else {
      }
      %add3A_200 = arith.constant 1 : i32
      %add3A_201 = arith.addi %mul3A_108, %add3A_200 : i32
      %mul3A_202 = arith.constant 8 : i32
      %mul3A_203 = arith.muli %add3A_201, %mul3A_202 : i32
      %add3A_204 = arith.addi %mul3A_2, %mul3A_203 : i32
      %dma_wait3A_205 = arith.constant 0 : i32
      %dma_wait3A_206 = tpu.memref_slice %arg3[%add3A_204, %dma_wait3A_205] : memref<8192x1024xf32, #tpu.memory_space<hbm>> -> memref<8x1024xf32, #tpu.memory_space<hbm>>
      %dma_wait3A_207 = arith.constant 0 : i32
      %dma_wait3A_208 = tpu.memref_slice %arg3[%add3A_204, %dma_wait3A_207] : memref<8192x1024xf32, #tpu.memory_space<hbm>> -> memref<8x1024xf32, #tpu.memory_space<hbm>>
      tpu.wait_dma2 semaphore(%arg22 : memref<!tpu.dma_semaphore, #tpu.memory_space<semaphore_mem>>) src(%dma_wait3A_208 : memref<8x1024xf32, #tpu.memory_space<hbm>>) dst(%arg18 : memref<8x1024xf32, #tpu.memory_space<vmem>>)
      %add3A_209 = arith.constant 0 : i32
      %add3A_210 = arith.addi %add3A_209, %mul3A_2 : i32
      %mul3A_211 = arith.constant 8 : i32
      %mul3A_212 = arith.muli %add3A_201, %mul3A_211 : i32
      %add3A_213 = arith.addi %add3A_210, %mul3A_212 : i32
      %dma_wait3A_214 = arith.constant 0 : i32
      %dma_wait3A_215 = tpu.memref_slice %arg2[%add3A_213, %dma_wait3A_214] : memref<32768x1024xf32, #tpu.memory_space<hbm>> -> memref<8x1024xf32, #tpu.memory_space<hbm>>
      %dma_wait3A_216 = arith.constant 0 : i32
      %dma_wait3A_217 = tpu.memref_slice %arg2[%add3A_213, %dma_wait3A_216] : memref<32768x1024xf32, #tpu.memory_space<hbm>> -> memref<8x1024xf32, #tpu.memory_space<hbm>>
      tpu.wait_dma2 semaphore(%arg20 : memref<!tpu.dma_semaphore, #tpu.memory_space<semaphore_mem>>) src(%dma_wait3A_217 : memref<8x1024xf32, #tpu.memory_space<hbm>>) dst(%arg6 : memref<8x1024xf32, #tpu.memory_space<vmem>>)
      %add3A_218 = arith.constant 8192 : i32
      %add3A_219 = arith.addi %add3A_218, %mul3A_2 : i32
      %mul3A_220 = arith.constant 8 : i32
      %mul3A_221 = arith.muli %add3A_201, %mul3A_220 : i32
      %add3A_222 = arith.addi %add3A_219, %mul3A_221 : i32
      %dma_wait3A_223 = arith.constant 0 : i32
      %dma_wait3A_224 = tpu.memref_slice %arg2[%add3A_222, %dma_wait3A_223] : memref<32768x1024xf32, #tpu.memory_space<hbm>> -> memref<8x1024xf32, #tpu.memory_space<hbm>>
      %dma_wait3A_225 = arith.constant 0 : i32
      %dma_wait3A_226 = tpu.memref_slice %arg2[%add3A_222, %dma_wait3A_225] : memref<32768x1024xf32, #tpu.memory_space<hbm>> -> memref<8x1024xf32, #tpu.memory_space<hbm>>
      tpu.wait_dma2 semaphore(%arg20 : memref<!tpu.dma_semaphore, #tpu.memory_space<semaphore_mem>>) src(%dma_wait3A_226 : memref<8x1024xf32, #tpu.memory_space<hbm>>) dst(%arg8 : memref<8x1024xf32, #tpu.memory_space<vmem>>)
      %add3A_227 = arith.constant 16384 : i32
      %add3A_228 = arith.addi %add3A_227, %mul3A_2 : i32
      %mul3A_229 = arith.constant 8 : i32
      %mul3A_230 = arith.muli %add3A_201, %mul3A_229 : i32
      %add3A_231 = arith.addi %add3A_228, %mul3A_230 : i32
      %dma_wait3A_232 = arith.constant 0 : i32
      %dma_wait3A_233 = tpu.memref_slice %arg2[%add3A_231, %dma_wait3A_232] : memref<32768x1024xf32, #tpu.memory_space<hbm>> -> memref<8x1024xf32, #tpu.memory_space<hbm>>
      %dma_wait3A_234 = arith.constant 0 : i32
      %dma_wait3A_235 = tpu.memref_slice %arg2[%add3A_231, %dma_wait3A_234] : memref<32768x1024xf32, #tpu.memory_space<hbm>> -> memref<8x1024xf32, #tpu.memory_space<hbm>>
      tpu.wait_dma2 semaphore(%arg20 : memref<!tpu.dma_semaphore, #tpu.memory_space<semaphore_mem>>) src(%dma_wait3A_235 : memref<8x1024xf32, #tpu.memory_space<hbm>>) dst(%arg10 : memref<8x1024xf32, #tpu.memory_space<vmem>>)
      %add3A_236 = arith.constant 24576 : i32
      %add3A_237 = arith.addi %add3A_236, %mul3A_2 : i32
      %mul3A_238 = arith.constant 8 : i32
      %mul3A_239 = arith.muli %add3A_201, %mul3A_238 : i32
      %add3A_240 = arith.addi %add3A_237, %mul3A_239 : i32
      %dma_wait3A_241 = arith.constant 0 : i32
      %dma_wait3A_242 = tpu.memref_slice %arg2[%add3A_240, %dma_wait3A_241] : memref<32768x1024xf32, #tpu.memory_space<hbm>> -> memref<8x1024xf32, #tpu.memory_space<hbm>>
      %dma_wait3A_243 = arith.constant 0 : i32
      %dma_wait3A_244 = tpu.memref_slice %arg2[%add3A_240, %dma_wait3A_243] : memref<32768x1024xf32, #tpu.memory_space<hbm>> -> memref<8x1024xf32, #tpu.memory_space<hbm>>
      tpu.wait_dma2 semaphore(%arg20 : memref<!tpu.dma_semaphore, #tpu.memory_space<semaphore_mem>>) src(%dma_wait3A_244 : memref<8x1024xf32, #tpu.memory_space<hbm>>) dst(%arg12 : memref<8x1024xf32, #tpu.memory_space<vmem>>)
      %dma_wait3A_245 = arith.constant 0 : i32
      %dma_wait3A_246 = arith.constant 0 : i32
      %dma_wait3A_247 = tpu.memref_slice %arg4[%dma_wait3A_245, %dma_wait3A_246] : memref<32768x1024xf32, #tpu.memory_space<hbm>> -> memref<8x1024xf32, #tpu.memory_space<hbm>>
      %dma_wait3A_248 = arith.constant 0 : i32
      %dma_wait3A_249 = arith.constant 0 : i32
      %dma_wait3A_250 = tpu.memref_slice %arg4[%dma_wait3A_248, %dma_wait3A_249] : memref<32768x1024xf32, #tpu.memory_space<hbm>> -> memref<8x1024xf32, #tpu.memory_space<hbm>>
      tpu.wait_dma2 semaphore(%arg23 : memref<!tpu.dma_semaphore, #tpu.memory_space<semaphore_mem>>) src(%arg13 : memref<8x1024xf32, #tpu.memory_space<vmem>>) dst(%dma_wait3A_250 : memref<8x1024xf32, #tpu.memory_space<hbm>>)
      %dma_wait3A_251 = arith.constant 0 : i32
      %dma_wait3A_252 = arith.constant 0 : i32
      %dma_wait3A_253 = tpu.memref_slice %arg4[%dma_wait3A_251, %dma_wait3A_252] : memref<32768x1024xf32, #tpu.memory_space<hbm>> -> memref<8x1024xf32, #tpu.memory_space<hbm>>
      %dma_wait3A_254 = arith.constant 0 : i32
      %dma_wait3A_255 = arith.constant 0 : i32
      %dma_wait3A_256 = tpu.memref_slice %arg4[%dma_wait3A_254, %dma_wait3A_255] : memref<32768x1024xf32, #tpu.memory_space<hbm>> -> memref<8x1024xf32, #tpu.memory_space<hbm>>
      tpu.wait_dma2 semaphore(%arg23 : memref<!tpu.dma_semaphore, #tpu.memory_space<semaphore_mem>>) src(%arg14 : memref<8x1024xf32, #tpu.memory_space<vmem>>) dst(%dma_wait3A_256 : memref<8x1024xf32, #tpu.memory_space<hbm>>)
      %dma_wait3A_257 = arith.constant 0 : i32
      %dma_wait3A_258 = arith.constant 0 : i32
      %dma_wait3A_259 = tpu.memref_slice %arg4[%dma_wait3A_257, %dma_wait3A_258] : memref<32768x1024xf32, #tpu.memory_space<hbm>> -> memref<8x1024xf32, #tpu.memory_space<hbm>>
      %dma_wait3A_260 = arith.constant 0 : i32
      %dma_wait3A_261 = arith.constant 0 : i32
      %dma_wait3A_262 = tpu.memref_slice %arg4[%dma_wait3A_260, %dma_wait3A_261] : memref<32768x1024xf32, #tpu.memory_space<hbm>> -> memref<8x1024xf32, #tpu.memory_space<hbm>>
      tpu.wait_dma2 semaphore(%arg23 : memref<!tpu.dma_semaphore, #tpu.memory_space<semaphore_mem>>) src(%arg15 : memref<8x1024xf32, #tpu.memory_space<vmem>>) dst(%dma_wait3A_262 : memref<8x1024xf32, #tpu.memory_space<hbm>>)
      %dma_wait3A_263 = arith.constant 0 : i32
      %dma_wait3A_264 = arith.constant 0 : i32
      %dma_wait3A_265 = tpu.memref_slice %arg4[%dma_wait3A_263, %dma_wait3A_264] : memref<32768x1024xf32, #tpu.memory_space<hbm>> -> memref<8x1024xf32, #tpu.memory_space<hbm>>
      %dma_wait3A_266 = arith.constant 0 : i32
      %dma_wait3A_267 = arith.constant 0 : i32
      %dma_wait3A_268 = tpu.memref_slice %arg4[%dma_wait3A_266, %dma_wait3A_267] : memref<32768x1024xf32, #tpu.memory_space<hbm>> -> memref<8x1024xf32, #tpu.memory_space<hbm>>
      tpu.wait_dma2 semaphore(%arg23 : memref<!tpu.dma_semaphore, #tpu.memory_space<semaphore_mem>>) src(%arg16 : memref<8x1024xf32, #tpu.memory_space<vmem>>) dst(%dma_wait3A_268 : memref<8x1024xf32, #tpu.memory_space<hbm>>)
      %parallel_loop3A_269 = arith.constant 0 : i32
      %parallel_loop3A_270 = arith.constant 64 : i32
      %parallel_loop3A_271 = arith.constant 1 : i32
      scf.for %parallel_loop3A_315 = %parallel_loop3A_269 to %parallel_loop3A_270 step %parallel_loop3A_271  : i32 {
        %parallel_loop3A_316 = arith.constant 8 : i32
        %parallel_loop3A_317 = arith.divsi %parallel_loop3A_315, %parallel_loop3A_316 : i32
        %parallel_loop3A_318 = arith.constant 0 : i32
        %parallel_loop3A_319 = arith.cmpi sgt, %parallel_loop3A_315, %parallel_loop3A_318 : i32
        %parallel_loop3A_320 = arith.extui %parallel_loop3A_319 : i1 to i32
        %parallel_loop3A_321 = arith.constant 0 : i32
        %parallel_loop3A_322 = arith.cmpi slt, %parallel_loop3A_315, %parallel_loop3A_321 : i32
        %parallel_loop3A_323 = arith.extui %parallel_loop3A_322 : i1 to i32
        %parallel_loop3A_324 = arith.subi %parallel_loop3A_320, %parallel_loop3A_323 : i32
        %parallel_loop3A_325 = arith.constant 0 : i32
        %parallel_loop3A_326 = arith.cmpi sgt, %parallel_loop3A_316, %parallel_loop3A_325 : i32
        %parallel_loop3A_327 = arith.extui %parallel_loop3A_326 : i1 to i32
        %parallel_loop3A_328 = arith.constant 0 : i32
        %parallel_loop3A_329 = arith.cmpi slt, %parallel_loop3A_316, %parallel_loop3A_328 : i32
        %parallel_loop3A_330 = arith.extui %parallel_loop3A_329 : i1 to i32
        %parallel_loop3A_331 = arith.subi %parallel_loop3A_327, %parallel_loop3A_330 : i32
        %parallel_loop3A_332 = arith.cmpi ne, %parallel_loop3A_324, %parallel_loop3A_331 : i32
        %parallel_loop3A_333 = arith.remsi %parallel_loop3A_315, %parallel_loop3A_316 : i32
        %parallel_loop3A_334 = arith.constant 0 : i32
        %parallel_loop3A_335 = arith.cmpi ne, %parallel_loop3A_333, %parallel_loop3A_334 : i32
        %parallel_loop3A_336 = arith.andi %parallel_loop3A_332, %parallel_loop3A_335 : i1
        %parallel_loop3A_337 = arith.constant 1 : i32
        %parallel_loop3A_338 = arith.subi %parallel_loop3A_317, %parallel_loop3A_337 : i32
        %parallel_loop3A_339 = arith.select %parallel_loop3A_336, %parallel_loop3A_338, %parallel_loop3A_317 : i32
        %parallel_loop3A_340 = arith.constant 8 : i32
        %parallel_loop3A_341 = arith.constant 0 : i32
        %parallel_loop3A_342 = arith.cmpi eq, %parallel_loop3A_340, %parallel_loop3A_341 : i32
        %parallel_loop3A_343 = arith.constant 1 : i32
        %parallel_loop3A_344 = arith.select %parallel_loop3A_342, %parallel_loop3A_343, %parallel_loop3A_340 : i32
        %parallel_loop3A_345 = arith.remsi %parallel_loop3A_315, %parallel_loop3A_344 : i32
        %parallel_loop3A_346 = arith.constant 0 : i32
        %parallel_loop3A_347 = arith.cmpi ne, %parallel_loop3A_345, %parallel_loop3A_346 : i32
        %parallel_loop3A_348 = arith.constant 0 : i32
        %parallel_loop3A_349 = arith.cmpi slt, %parallel_loop3A_345, %parallel_loop3A_348 : i32
        %parallel_loop3A_350 = arith.constant 0 : i32
        %parallel_loop3A_351 = arith.cmpi slt, %parallel_loop3A_344, %parallel_loop3A_350 : i32
        %parallel_loop3A_352 = arith.xori %parallel_loop3A_349, %parallel_loop3A_351 : i1
        %parallel_loop3A_353 = arith.andi %parallel_loop3A_352, %parallel_loop3A_347 : i1
        %parallel_loop3A_354 = arith.addi %parallel_loop3A_345, %parallel_loop3A_344 : i32
        %parallel_loop3A_355 = arith.select %parallel_loop3A_353, %parallel_loop3A_354, %parallel_loop3A_345 : i32
        %parallel_loop3A_356 = arith.constant 128 : i32
        %parallel_loop3A_357 = arith.muli %parallel_loop3A_355, %parallel_loop3A_356 : i32
        %parallel_loop3A_358 = arith.constant 0 : i32
        %parallel_loop3A_359 = arith.addi %parallel_loop3A_357, %parallel_loop3A_358 : i32
        %parallel_loop3A_360 = arith.index_cast %parallel_loop3A_339 : i32 to index
        %parallel_loop3A_361 = arith.index_cast %parallel_loop3A_359 : i32 to index
        %parallel_loop3A_362 = tpu.vector_load %arg18[%parallel_loop3A_360, %parallel_loop3A_361] {strides = array<i32>} : memref<8x1024xf32, #tpu.memory_space<vmem>>, vector<1x16xf32>,
        %parallel_loop3A_363 = vector.shape_cast %parallel_loop3A_362 : vector<1x16xf32> to vector<16xf32>
        %parallel_loop3A_364 = arith.constant 16 : i32
        %parallel_loop3A_365 = arith.addi %parallel_loop3A_357, %parallel_loop3A_364 : i32
        %parallel_loop3A_366 = arith.index_cast %parallel_loop3A_339 : i32 to index
        %parallel_loop3A_367 = arith.index_cast %parallel_loop3A_365 : i32 to index
        %parallel_loop3A_368 = tpu.vector_load %arg18[%parallel_loop3A_366, %parallel_loop3A_367] {strides = array<i32>} : memref<8x1024xf32, #tpu.memory_space<vmem>>, vector<1x16xf32>,
        %parallel_loop3A_369 = vector.shape_cast %parallel_loop3A_368 : vector<1x16xf32> to vector<16xf32>
        %parallel_loop3A_370 = arith.constant 32 : i32
        %parallel_loop3A_371 = arith.addi %parallel_loop3A_357, %parallel_loop3A_370 : i32
        %parallel_loop3A_372 = arith.index_cast %parallel_loop3A_339 : i32 to index
        %parallel_loop3A_373 = arith.index_cast %parallel_loop3A_371 : i32 to index
        %parallel_loop3A_374 = tpu.vector_load %arg18[%parallel_loop3A_372, %parallel_loop3A_373] {strides = array<i32>} : memref<8x1024xf32, #tpu.memory_space<vmem>>, vector<1x16xf32>,
        %parallel_loop3A_375 = vector.shape_cast %parallel_loop3A_374 : vector<1x16xf32> to vector<16xf32>
        %parallel_loop3A_376 = arith.constant 48 : i32
        %parallel_loop3A_377 = arith.addi %parallel_loop3A_357, %parallel_loop3A_376 : i32
        %parallel_loop3A_378 = arith.index_cast %parallel_loop3A_339 : i32 to index
        %parallel_loop3A_379 = arith.index_cast %parallel_loop3A_377 : i32 to index
        %parallel_loop3A_380 = tpu.vector_load %arg18[%parallel_loop3A_378, %parallel_loop3A_379] {strides = array<i32>} : memref<8x1024xf32, #tpu.memory_space<vmem>>, vector<1x16xf32>,
        %parallel_loop3A_381 = vector.shape_cast %parallel_loop3A_380 : vector<1x16xf32> to vector<16xf32>
        %parallel_loop3A_382 = arith.constant 64 : i32
        %parallel_loop3A_383 = arith.addi %parallel_loop3A_357, %parallel_loop3A_382 : i32
        %parallel_loop3A_384 = arith.index_cast %parallel_loop3A_339 : i32 to index
        %parallel_loop3A_385 = arith.index_cast %parallel_loop3A_383 : i32 to index
        %parallel_loop3A_386 = tpu.vector_load %arg18[%parallel_loop3A_384, %parallel_loop3A_385] {strides = array<i32>} : memref<8x1024xf32, #tpu.memory_space<vmem>>, vector<1x16xf32>,
        %parallel_loop3A_387 = vector.shape_cast %parallel_loop3A_386 : vector<1x16xf32> to vector<16xf32>
        %parallel_loop3A_388 = arith.constant 80 : i32
        %parallel_loop3A_389 = arith.addi %parallel_loop3A_357, %parallel_loop3A_388 : i32
        %parallel_loop3A_390 = arith.index_cast %parallel_loop3A_339 : i32 to index
        %parallel_loop3A_391 = arith.index_cast %parallel_loop3A_389 : i32 to index
        %parallel_loop3A_392 = tpu.vector_load %arg18[%parallel_loop3A_390, %parallel_loop3A_391] {strides = array<i32>} : memref<8x1024xf32, #tpu.memory_space<vmem>>, vector<1x16xf32>,
        %parallel_loop3A_393 = vector.shape_cast %parallel_loop3A_392 : vector<1x16xf32> to vector<16xf32>
        %parallel_loop3A_394 = arith.constant 96 : i32
        %parallel_loop3A_395 = arith.addi %parallel_loop3A_357, %parallel_loop3A_394 : i32
        %parallel_loop3A_396 = arith.index_cast %parallel_loop3A_339 : i32 to index
        %parallel_loop3A_397 = arith.index_cast %parallel_loop3A_395 : i32 to index
        %parallel_loop3A_398 = tpu.vector_load %arg18[%parallel_loop3A_396, %parallel_loop3A_397] {strides = array<i32>} : memref<8x1024xf32, #tpu.memory_space<vmem>>, vector<1x16xf32>,
        %parallel_loop3A_399 = vector.shape_cast %parallel_loop3A_398 : vector<1x16xf32> to vector<16xf32>
        %parallel_loop3A_400 = arith.constant 112 : i32
        %parallel_loop3A_401 = arith.addi %parallel_loop3A_357, %parallel_loop3A_400 : i32
        %parallel_loop3A_402 = arith.index_cast %parallel_loop3A_339 : i32 to index
        %parallel_loop3A_403 = arith.index_cast %parallel_loop3A_401 : i32 to index
        %parallel_loop3A_404 = tpu.vector_load %arg18[%parallel_loop3A_402, %parallel_loop3A_403] {strides = array<i32>} : memref<8x1024xf32, #tpu.memory_space<vmem>>, vector<1x16xf32>,
        %parallel_loop3A_405 = vector.shape_cast %parallel_loop3A_404 : vector<1x16xf32> to vector<16xf32>
        %parallel_loop3A_406 = arith.constant 0 : i32
        %parallel_loop3A_407 = arith.addi %parallel_loop3A_357, %parallel_loop3A_406 : i32
        %parallel_loop3A_408 = arith.index_cast %parallel_loop3A_339 : i32 to index
        %parallel_loop3A_409 = arith.index_cast %parallel_loop3A_407 : i32 to index
        %parallel_loop3A_410 = tpu.vector_load %arg6[%parallel_loop3A_408, %parallel_loop3A_409] {strides = array<i32>} : memref<8x1024xf32, #tpu.memory_space<vmem>>, vector<1x16xf32>,
        %parallel_loop3A_411 = vector.shape_cast %parallel_loop3A_410 : vector<1x16xf32> to vector<16xf32>
        %parallel_loop3A_412 = arith.addf %parallel_loop3A_411, %parallel_loop3A_363 : vector<16xf32>
        %parallel_loop3A_413 = arith.index_cast %parallel_loop3A_339 : i32 to index
        %parallel_loop3A_414 = arith.index_cast %parallel_loop3A_407 : i32 to index
        %parallel_loop3A_415 = tpu.vector_load %arg13[%parallel_loop3A_413, %parallel_loop3A_414] {strides = array<i32>} : memref<8x1024xf32, #tpu.memory_space<vmem>>, vector<1x16xf32>,
        %parallel_loop3A_416 = vector.shape_cast %parallel_loop3A_415 : vector<1x16xf32> to vector<16xf32>
        %parallel_loop3A_417 = vector.shape_cast %parallel_loop3A_412 : vector<16xf32> to vector<1x16xf32>
        tpu.vector_store %arg13[%parallel_loop3A_413, %parallel_loop3A_414], %parallel_loop3A_417 {strides = array<i32>} : memref<8x1024xf32, #tpu.memory_space<vmem>>, vector<1x16xf32>,
        %parallel_loop3A_418 = arith.constant 16 : i32
        %parallel_loop3A_419 = arith.addi %parallel_loop3A_357, %parallel_loop3A_418 : i32
        %parallel_loop3A_420 = arith.index_cast %parallel_loop3A_339 : i32 to index
        %parallel_loop3A_421 = arith.index_cast %parallel_loop3A_419 : i32 to index
        %parallel_loop3A_422 = tpu.vector_load %arg6[%parallel_loop3A_420, %parallel_loop3A_421] {strides = array<i32>} : memref<8x1024xf32, #tpu.memory_space<vmem>>, vector<1x16xf32>,
        %parallel_loop3A_423 = vector.shape_cast %parallel_loop3A_422 : vector<1x16xf32> to vector<16xf32>
        %parallel_loop3A_424 = arith.addf %parallel_loop3A_423, %parallel_loop3A_369 : vector<16xf32>
        %parallel_loop3A_425 = arith.index_cast %parallel_loop3A_339 : i32 to index
        %parallel_loop3A_426 = arith.index_cast %parallel_loop3A_419 : i32 to index
        %parallel_loop3A_427 = tpu.vector_load %arg13[%parallel_loop3A_425, %parallel_loop3A_426] {strides = array<i32>} : memref<8x1024xf32, #tpu.memory_space<vmem>>, vector<1x16xf32>,
        %parallel_loop3A_428 = vector.shape_cast %parallel_loop3A_427 : vector<1x16xf32> to vector<16xf32>
        %parallel_loop3A_429 = vector.shape_cast %parallel_loop3A_424 : vector<16xf32> to vector<1x16xf32>
        tpu.vector_store %arg13[%parallel_loop3A_425, %parallel_loop3A_426], %parallel_loop3A_429 {strides = array<i32>} : memref<8x1024xf32, #tpu.memory_space<vmem>>, vector<1x16xf32>,
        %parallel_loop3A_430 = arith.constant 32 : i32
        %parallel_loop3A_431 = arith.addi %parallel_loop3A_357, %parallel_loop3A_430 : i32
        %parallel_loop3A_432 = arith.index_cast %parallel_loop3A_339 : i32 to index
        %parallel_loop3A_433 = arith.index_cast %parallel_loop3A_431 : i32 to index
        %parallel_loop3A_434 = tpu.vector_load %arg6[%parallel_loop3A_432, %parallel_loop3A_433] {strides = array<i32>} : memref<8x1024xf32, #tpu.memory_space<vmem>>, vector<1x16xf32>,
        %parallel_loop3A_435 = vector.shape_cast %parallel_loop3A_434 : vector<1x16xf32> to vector<16xf32>
        %parallel_loop3A_436 = arith.addf %parallel_loop3A_435, %parallel_loop3A_375 : vector<16xf32>
        %parallel_loop3A_437 = arith.index_cast %parallel_loop3A_339 : i32 to index
        %parallel_loop3A_438 = arith.index_cast %parallel_loop3A_431 : i32 to index
        %parallel_loop3A_439 = tpu.vector_load %arg13[%parallel_loop3A_437, %parallel_loop3A_438] {strides = array<i32>} : memref<8x1024xf32, #tpu.memory_space<vmem>>, vector<1x16xf32>,
        %parallel_loop3A_440 = vector.shape_cast %parallel_loop3A_439 : vector<1x16xf32> to vector<16xf32>
        %parallel_loop3A_441 = vector.shape_cast %parallel_loop3A_436 : vector<16xf32> to vector<1x16xf32>
        tpu.vector_store %arg13[%parallel_loop3A_437, %parallel_loop3A_438], %parallel_loop3A_441 {strides = array<i32>} : memref<8x1024xf32, #tpu.memory_space<vmem>>, vector<1x16xf32>,
        %parallel_loop3A_442 = arith.constant 48 : i32
        %parallel_loop3A_443 = arith.addi %parallel_loop3A_357, %parallel_loop3A_442 : i32
        %parallel_loop3A_444 = arith.index_cast %parallel_loop3A_339 : i32 to index
        %parallel_loop3A_445 = arith.index_cast %parallel_loop3A_443 : i32 to index
        %parallel_loop3A_446 = tpu.vector_load %arg6[%parallel_loop3A_444, %parallel_loop3A_445] {strides = array<i32>} : memref<8x1024xf32, #tpu.memory_space<vmem>>, vector<1x16xf32>,
        %parallel_loop3A_447 = vector.shape_cast %parallel_loop3A_446 : vector<1x16xf32> to vector<16xf32>
        %parallel_loop3A_448 = arith.addf %parallel_loop3A_447, %parallel_loop3A_381 : vector<16xf32>
        %parallel_loop3A_449 = arith.index_cast %parallel_loop3A_339 : i32 to index
        %parallel_loop3A_450 = arith.index_cast %parallel_loop3A_443 : i32 to index
        %parallel_loop3A_451 = tpu.vector_load %arg13[%parallel_loop3A_449, %parallel_loop3A_450] {strides = array<i32>} : memref<8x1024xf32, #tpu.memory_space<vmem>>, vector<1x16xf32>,
        %parallel_loop3A_452 = vector.shape_cast %parallel_loop3A_451 : vector<1x16xf32> to vector<16xf32>
        %parallel_loop3A_453 = vector.shape_cast %parallel_loop3A_448 : vector<16xf32> to vector<1x16xf32>
        tpu.vector_store %arg13[%parallel_loop3A_449, %parallel_loop3A_450], %parallel_loop3A_453 {strides = array<i32>} : memref<8x1024xf32, #tpu.memory_space<vmem>>, vector<1x16xf32>,
        %parallel_loop3A_454 = arith.constant 64 : i32
        %parallel_loop3A_455 = arith.addi %parallel_loop3A_357, %parallel_loop3A_454 : i32
        %parallel_loop3A_456 = arith.index_cast %parallel_loop3A_339 : i32 to index
        %parallel_loop3A_457 = arith.index_cast %parallel_loop3A_455 : i32 to index
        %parallel_loop3A_458 = tpu.vector_load %arg6[%parallel_loop3A_456, %parallel_loop3A_457] {strides = array<i32>} : memref<8x1024xf32, #tpu.memory_space<vmem>>, vector<1x16xf32>,
        %parallel_loop3A_459 = vector.shape_cast %parallel_loop3A_458 : vector<1x16xf32> to vector<16xf32>
        %parallel_loop3A_460 = arith.addf %parallel_loop3A_459, %parallel_loop3A_387 : vector<16xf32>
        %parallel_loop3A_461 = arith.index_cast %parallel_loop3A_339 : i32 to index
        %parallel_loop3A_462 = arith.index_cast %parallel_loop3A_455 : i32 to index
        %parallel_loop3A_463 = tpu.vector_load %arg13[%parallel_loop3A_461, %parallel_loop3A_462] {strides = array<i32>} : memref<8x1024xf32, #tpu.memory_space<vmem>>, vector<1x16xf32>,
        %parallel_loop3A_464 = vector.shape_cast %parallel_loop3A_463 : vector<1x16xf32> to vector<16xf32>
        %parallel_loop3A_465 = vector.shape_cast %parallel_loop3A_460 : vector<16xf32> to vector<1x16xf32>
        tpu.vector_store %arg13[%parallel_loop3A_461, %parallel_loop3A_462], %parallel_loop3A_465 {strides = array<i32>} : memref<8x1024xf32, #tpu.memory_space<vmem>>, vector<1x16xf32>,
        %parallel_loop3A_466 = arith.constant 80 : i32
        %parallel_loop3A_467 = arith.addi %parallel_loop3A_357, %parallel_loop3A_466 : i32
        %parallel_loop3A_468 = arith.index_cast %parallel_loop3A_339 : i32 to index
        %parallel_loop3A_469 = arith.index_cast %parallel_loop3A_467 : i32 to index
        %parallel_loop3A_470 = tpu.vector_load %arg6[%parallel_loop3A_468, %parallel_loop3A_469] {strides = array<i32>} : memref<8x1024xf32, #tpu.memory_space<vmem>>, vector<1x16xf32>,
        %parallel_loop3A_471 = vector.shape_cast %parallel_loop3A_470 : vector<1x16xf32> to vector<16xf32>
        %parallel_loop3A_472 = arith.addf %parallel_loop3A_471, %parallel_loop3A_393 : vector<16xf32>
        %parallel_loop3A_473 = arith.index_cast %parallel_loop3A_339 : i32 to index
        %parallel_loop3A_474 = arith.index_cast %parallel_loop3A_467 : i32 to index
        %parallel_loop3A_475 = tpu.vector_load %arg13[%parallel_loop3A_473, %parallel_loop3A_474] {strides = array<i32>} : memref<8x1024xf32, #tpu.memory_space<vmem>>, vector<1x16xf32>,
        %parallel_loop3A_476 = vector.shape_cast %parallel_loop3A_475 : vector<1x16xf32> to vector<16xf32>
        %parallel_loop3A_477 = vector.shape_cast %parallel_loop3A_472 : vector<16xf32> to vector<1x16xf32>
        tpu.vector_store %arg13[%parallel_loop3A_473, %parallel_loop3A_474], %parallel_loop3A_477 {strides = array<i32>} : memref<8x1024xf32, #tpu.memory_space<vmem>>, vector<1x16xf32>,
        %parallel_loop3A_478 = arith.constant 96 : i32
        %parallel_loop3A_479 = arith.addi %parallel_loop3A_357, %parallel_loop3A_478 : i32
        %parallel_loop3A_480 = arith.index_cast %parallel_loop3A_339 : i32 to index
        %parallel_loop3A_481 = arith.index_cast %parallel_loop3A_479 : i32 to index
        %parallel_loop3A_482 = tpu.vector_load %arg6[%parallel_loop3A_480, %parallel_loop3A_481] {strides = array<i32>} : memref<8x1024xf32, #tpu.memory_space<vmem>>, vector<1x16xf32>,
        %parallel_loop3A_483 = vector.shape_cast %parallel_loop3A_482 : vector<1x16xf32> to vector<16xf32>
        %parallel_loop3A_484 = arith.addf %parallel_loop3A_483, %parallel_loop3A_399 : vector<16xf32>
        %parallel_loop3A_485 = arith.index_cast %parallel_loop3A_339 : i32 to index
        %parallel_loop3A_486 = arith.index_cast %parallel_loop3A_479 : i32 to index
        %parallel_loop3A_487 = tpu.vector_load %arg13[%parallel_loop3A_485, %parallel_loop3A_486] {strides = array<i32>} : memref<8x1024xf32, #tpu.memory_space<vmem>>, vector<1x16xf32>,
        %parallel_loop3A_488 = vector.shape_cast %parallel_loop3A_487 : vector<1x16xf32> to vector<16xf32>
        %parallel_loop3A_489 = vector.shape_cast %parallel_loop3A_484 : vector<16xf32> to vector<1x16xf32>
        tpu.vector_store %arg13[%parallel_loop3A_485, %parallel_loop3A_486], %parallel_loop3A_489 {strides = array<i32>} : memref<8x1024xf32, #tpu.memory_space<vmem>>, vector<1x16xf32>,
        %parallel_loop3A_490 = arith.constant 112 : i32
        %parallel_loop3A_491 = arith.addi %parallel_loop3A_357, %parallel_loop3A_490 : i32
        %parallel_loop3A_492 = arith.index_cast %parallel_loop3A_339 : i32 to index
        %parallel_loop3A_493 = arith.index_cast %parallel_loop3A_491 : i32 to index
        %parallel_loop3A_494 = tpu.vector_load %arg6[%parallel_loop3A_492, %parallel_loop3A_493] {strides = array<i32>} : memref<8x1024xf32, #tpu.memory_space<vmem>>, vector<1x16xf32>,
        %parallel_loop3A_495 = vector.shape_cast %parallel_loop3A_494 : vector<1x16xf32> to vector<16xf32>
        %parallel_loop3A_496 = arith.addf %parallel_loop3A_495, %parallel_loop3A_405 : vector<16xf32>
        %parallel_loop3A_497 = arith.index_cast %parallel_loop3A_339 : i32 to index
        %parallel_loop3A_498 = arith.index_cast %parallel_loop3A_491 : i32 to index
        %parallel_loop3A_499 = tpu.vector_load %arg13[%parallel_loop3A_497, %parallel_loop3A_498] {strides = array<i32>} : memref<8x1024xf32, #tpu.memory_space<vmem>>, vector<1x16xf32>,
        %parallel_loop3A_500 = vector.shape_cast %parallel_loop3A_499 : vector<1x16xf32> to vector<16xf32>
        %parallel_loop3A_501 = vector.shape_cast %parallel_loop3A_496 : vector<16xf32> to vector<1x16xf32>
        tpu.vector_store %arg13[%parallel_loop3A_497, %parallel_loop3A_498], %parallel_loop3A_501 {strides = array<i32>} : memref<8x1024xf32, #tpu.memory_space<vmem>>, vector<1x16xf32>,
        %parallel_loop3A_502 = arith.constant 0 : i32
        %parallel_loop3A_503 = arith.addi %parallel_loop3A_357, %parallel_loop3A_502 : i32
        %parallel_loop3A_504 = arith.index_cast %parallel_loop3A_339 : i32 to index
        %parallel_loop3A_505 = arith.index_cast %parallel_loop3A_503 : i32 to index
        %parallel_loop3A_506 = tpu.vector_load %arg8[%parallel_loop3A_504, %parallel_loop3A_505] {strides = array<i32>} : memref<8x1024xf32, #tpu.memory_space<vmem>>, vector<1x16xf32>,
        %parallel_loop3A_507 = vector.shape_cast %parallel_loop3A_506 : vector<1x16xf32> to vector<16xf32>
        %parallel_loop3A_508 = arith.addf %parallel_loop3A_507, %parallel_loop3A_363 : vector<16xf32>
        %parallel_loop3A_509 = arith.index_cast %parallel_loop3A_339 : i32 to index
        %parallel_loop3A_510 = arith.index_cast %parallel_loop3A_503 : i32 to index
        %parallel_loop3A_511 = tpu.vector_load %arg14[%parallel_loop3A_509, %parallel_loop3A_510] {strides = array<i32>} : memref<8x1024xf32, #tpu.memory_space<vmem>>, vector<1x16xf32>,
        %parallel_loop3A_512 = vector.shape_cast %parallel_loop3A_511 : vector<1x16xf32> to vector<16xf32>
        %parallel_loop3A_513 = vector.shape_cast %parallel_loop3A_508 : vector<16xf32> to vector<1x16xf32>
        tpu.vector_store %arg14[%parallel_loop3A_509, %parallel_loop3A_510], %parallel_loop3A_513 {strides = array<i32>} : memref<8x1024xf32, #tpu.memory_space<vmem>>, vector<1x16xf32>,
        %parallel_loop3A_514 = arith.constant 16 : i32
        %parallel_loop3A_515 = arith.addi %parallel_loop3A_357, %parallel_loop3A_514 : i32
        %parallel_loop3A_516 = arith.index_cast %parallel_loop3A_339 : i32 to index
        %parallel_loop3A_517 = arith.index_cast %parallel_loop3A_515 : i32 to index
        %parallel_loop3A_518 = tpu.vector_load %arg8[%parallel_loop3A_516, %parallel_loop3A_517] {strides = array<i32>} : memref<8x1024xf32, #tpu.memory_space<vmem>>, vector<1x16xf32>,
        %parallel_loop3A_519 = vector.shape_cast %parallel_loop3A_518 : vector<1x16xf32> to vector<16xf32>
        %parallel_loop3A_520 = arith.addf %parallel_loop3A_519, %parallel_loop3A_369 : vector<16xf32>
        %parallel_loop3A_521 = arith.index_cast %parallel_loop3A_339 : i32 to index
        %parallel_loop3A_522 = arith.index_cast %parallel_loop3A_515 : i32 to index
        %parallel_loop3A_523 = tpu.vector_load %arg14[%parallel_loop3A_521, %parallel_loop3A_522] {strides = array<i32>} : memref<8x1024xf32, #tpu.memory_space<vmem>>, vector<1x16xf32>,
        %parallel_loop3A_524 = vector.shape_cast %parallel_loop3A_523 : vector<1x16xf32> to vector<16xf32>
        %parallel_loop3A_525 = vector.shape_cast %parallel_loop3A_520 : vector<16xf32> to vector<1x16xf32>
        tpu.vector_store %arg14[%parallel_loop3A_521, %parallel_loop3A_522], %parallel_loop3A_525 {strides = array<i32>} : memref<8x1024xf32, #tpu.memory_space<vmem>>, vector<1x16xf32>,
        %parallel_loop3A_526 = arith.constant 32 : i32
        %parallel_loop3A_527 = arith.addi %parallel_loop3A_357, %parallel_loop3A_526 : i32
        %parallel_loop3A_528 = arith.index_cast %parallel_loop3A_339 : i32 to index
        %parallel_loop3A_529 = arith.index_cast %parallel_loop3A_527 : i32 to index
        %parallel_loop3A_530 = tpu.vector_load %arg8[%parallel_loop3A_528, %parallel_loop3A_529] {strides = array<i32>} : memref<8x1024xf32, #tpu.memory_space<vmem>>, vector<1x16xf32>,
        %parallel_loop3A_531 = vector.shape_cast %parallel_loop3A_530 : vector<1x16xf32> to vector<16xf32>
        %parallel_loop3A_532 = arith.addf %parallel_loop3A_531, %parallel_loop3A_375 : vector<16xf32>
        %parallel_loop3A_533 = arith.index_cast %parallel_loop3A_339 : i32 to index
        %parallel_loop3A_534 = arith.index_cast %parallel_loop3A_527 : i32 to index
        %parallel_loop3A_535 = tpu.vector_load %arg14[%parallel_loop3A_533, %parallel_loop3A_534] {strides = array<i32>} : memref<8x1024xf32, #tpu.memory_space<vmem>>, vector<1x16xf32>,
        %parallel_loop3A_536 = vector.shape_cast %parallel_loop3A_535 : vector<1x16xf32> to vector<16xf32>
        %parallel_loop3A_537 = vector.shape_cast %parallel_loop3A_532 : vector<16xf32> to vector<1x16xf32>
        tpu.vector_store %arg14[%parallel_loop3A_533, %parallel_loop3A_534], %parallel_loop3A_537 {strides = array<i32>} : memref<8x1024xf32, #tpu.memory_space<vmem>>, vector<1x16xf32>,
        %parallel_loop3A_538 = arith.constant 48 : i32
        %parallel_loop3A_539 = arith.addi %parallel_loop3A_357, %parallel_loop3A_538 : i32
        %parallel_loop3A_540 = arith.index_cast %parallel_loop3A_339 : i32 to index
        %parallel_loop3A_541 = arith.index_cast %parallel_loop3A_539 : i32 to index
        %parallel_loop3A_542 = tpu.vector_load %arg8[%parallel_loop3A_540, %parallel_loop3A_541] {strides = array<i32>} : memref<8x1024xf32, #tpu.memory_space<vmem>>, vector<1x16xf32>,
        %parallel_loop3A_543 = vector.shape_cast %parallel_loop3A_542 : vector<1x16xf32> to vector<16xf32>
        %parallel_loop3A_544 = arith.addf %parallel_loop3A_543, %parallel_loop3A_381 : vector<16xf32>
        %parallel_loop3A_545 = arith.index_cast %parallel_loop3A_339 : i32 to index
        %parallel_loop3A_546 = arith.index_cast %parallel_loop3A_539 : i32 to index
        %parallel_loop3A_547 = tpu.vector_load %arg14[%parallel_loop3A_545, %parallel_loop3A_546] {strides = array<i32>} : memref<8x1024xf32, #tpu.memory_space<vmem>>, vector<1x16xf32>,
        %parallel_loop3A_548 = vector.shape_cast %parallel_loop3A_547 : vector<1x16xf32> to vector<16xf32>
        %parallel_loop3A_549 = vector.shape_cast %parallel_loop3A_544 : vector<16xf32> to vector<1x16xf32>
        tpu.vector_store %arg14[%parallel_loop3A_545, %parallel_loop3A_546], %parallel_loop3A_549 {strides = array<i32>} : memref<8x1024xf32, #tpu.memory_space<vmem>>, vector<1x16xf32>,
        %parallel_loop3A_550 = arith.constant 64 : i32
        %parallel_loop3A_551 = arith.addi %parallel_loop3A_357, %parallel_loop3A_550 : i32
        %parallel_loop3A_552 = arith.index_cast %parallel_loop3A_339 : i32 to index
        %parallel_loop3A_553 = arith.index_cast %parallel_loop3A_551 : i32 to index
        %parallel_loop3A_554 = tpu.vector_load %arg8[%parallel_loop3A_552, %parallel_loop3A_553] {strides = array<i32>} : memref<8x1024xf32, #tpu.memory_space<vmem>>, vector<1x16xf32>,
        %parallel_loop3A_555 = vector.shape_cast %parallel_loop3A_554 : vector<1x16xf32> to vector<16xf32>
        %parallel_loop3A_556 = arith.addf %parallel_loop3A_555, %parallel_loop3A_387 : vector<16xf32>
        %parallel_loop3A_557 = arith.index_cast %parallel_loop3A_339 : i32 to index
        %parallel_loop3A_558 = arith.index_cast %parallel_loop3A_551 : i32 to index
        %parallel_loop3A_559 = tpu.vector_load %arg14[%parallel_loop3A_557, %parallel_loop3A_558] {strides = array<i32>} : memref<8x1024xf32, #tpu.memory_space<vmem>>, vector<1x16xf32>,
        %parallel_loop3A_560 = vector.shape_cast %parallel_loop3A_559 : vector<1x16xf32> to vector<16xf32>
        %parallel_loop3A_561 = vector.shape_cast %parallel_loop3A_556 : vector<16xf32> to vector<1x16xf32>
        tpu.vector_store %arg14[%parallel_loop3A_557, %parallel_loop3A_558], %parallel_loop3A_561 {strides = array<i32>} : memref<8x1024xf32, #tpu.memory_space<vmem>>, vector<1x16xf32>,
        %parallel_loop3A_562 = arith.constant 80 : i32
        %parallel_loop3A_563 = arith.addi %parallel_loop3A_357, %parallel_loop3A_562 : i32
        %parallel_loop3A_564 = arith.index_cast %parallel_loop3A_339 : i32 to index
        %parallel_loop3A_565 = arith.index_cast %parallel_loop3A_563 : i32 to index
        %parallel_loop3A_566 = tpu.vector_load %arg8[%parallel_loop3A_564, %parallel_loop3A_565] {strides = array<i32>} : memref<8x1024xf32, #tpu.memory_space<vmem>>, vector<1x16xf32>,
        %parallel_loop3A_567 = vector.shape_cast %parallel_loop3A_566 : vector<1x16xf32> to vector<16xf32>
        %parallel_loop3A_568 = arith.addf %parallel_loop3A_567, %parallel_loop3A_393 : vector<16xf32>
        %parallel_loop3A_569 = arith.index_cast %parallel_loop3A_339 : i32 to index
        %parallel_loop3A_570 = arith.index_cast %parallel_loop3A_563 : i32 to index
        %parallel_loop3A_571 = tpu.vector_load %arg14[%parallel_loop3A_569, %parallel_loop3A_570] {strides = array<i32>} : memref<8x1024xf32, #tpu.memory_space<vmem>>, vector<1x16xf32>,
        %parallel_loop3A_572 = vector.shape_cast %parallel_loop3A_571 : vector<1x16xf32> to vector<16xf32>
        %parallel_loop3A_573 = vector.shape_cast %parallel_loop3A_568 : vector<16xf32> to vector<1x16xf32>
        tpu.vector_store %arg14[%parallel_loop3A_569, %parallel_loop3A_570], %parallel_loop3A_573 {strides = array<i32>} : memref<8x1024xf32, #tpu.memory_space<vmem>>, vector<1x16xf32>,
        %parallel_loop3A_574 = arith.constant 96 : i32
        %parallel_loop3A_575 = arith.addi %parallel_loop3A_357, %parallel_loop3A_574 : i32
        %parallel_loop3A_576 = arith.index_cast %parallel_loop3A_339 : i32 to index
        %parallel_loop3A_577 = arith.index_cast %parallel_loop3A_575 : i32 to index
        %parallel_loop3A_578 = tpu.vector_load %arg8[%parallel_loop3A_576, %parallel_loop3A_577] {strides = array<i32>} : memref<8x1024xf32, #tpu.memory_space<vmem>>, vector<1x16xf32>,
        %parallel_loop3A_579 = vector.shape_cast %parallel_loop3A_578 : vector<1x16xf32> to vector<16xf32>
        %parallel_loop3A_580 = arith.addf %parallel_loop3A_579, %parallel_loop3A_399 : vector<16xf32>
        %parallel_loop3A_581 = arith.index_cast %parallel_loop3A_339 : i32 to index
        %parallel_loop3A_582 = arith.index_cast %parallel_loop3A_575 : i32 to index
        %parallel_loop3A_583 = tpu.vector_load %arg14[%parallel_loop3A_581, %parallel_loop3A_582] {strides = array<i32>} : memref<8x1024xf32, #tpu.memory_space<vmem>>, vector<1x16xf32>,
        %parallel_loop3A_584 = vector.shape_cast %parallel_loop3A_583 : vector<1x16xf32> to vector<16xf32>
        %parallel_loop3A_585 = vector.shape_cast %parallel_loop3A_580 : vector<16xf32> to vector<1x16xf32>
        tpu.vector_store %arg14[%parallel_loop3A_581, %parallel_loop3A_582], %parallel_loop3A_585 {strides = array<i32>} : memref<8x1024xf32, #tpu.memory_space<vmem>>, vector<1x16xf32>,
        %parallel_loop3A_586 = arith.constant 112 : i32
        %parallel_loop3A_587 = arith.addi %parallel_loop3A_357, %parallel_loop3A_586 : i32
        %parallel_loop3A_588 = arith.index_cast %parallel_loop3A_339 : i32 to index
        %parallel_loop3A_589 = arith.index_cast %parallel_loop3A_587 : i32 to index
        %parallel_loop3A_590 = tpu.vector_load %arg8[%parallel_loop3A_588, %parallel_loop3A_589] {strides = array<i32>} : memref<8x1024xf32, #tpu.memory_space<vmem>>, vector<1x16xf32>,
        %parallel_loop3A_591 = vector.shape_cast %parallel_loop3A_590 : vector<1x16xf32> to vector<16xf32>
        %parallel_loop3A_592 = arith.addf %parallel_loop3A_591, %parallel_loop3A_405 : vector<16xf32>
        %parallel_loop3A_593 = arith.index_cast %parallel_loop3A_339 : i32 to index
        %parallel_loop3A_594 = arith.index_cast %parallel_loop3A_587 : i32 to index
        %parallel_loop3A_595 = tpu.vector_load %arg14[%parallel_loop3A_593, %parallel_loop3A_594] {strides = array<i32>} : memref<8x1024xf32, #tpu.memory_space<vmem>>, vector<1x16xf32>,
        %parallel_loop3A_596 = vector.shape_cast %parallel_loop3A_595 : vector<1x16xf32> to vector<16xf32>
        %parallel_loop3A_597 = vector.shape_cast %parallel_loop3A_592 : vector<16xf32> to vector<1x16xf32>
        tpu.vector_store %arg14[%parallel_loop3A_593, %parallel_loop3A_594], %parallel_loop3A_597 {strides = array<i32>} : memref<8x1024xf32, #tpu.memory_space<vmem>>, vector<1x16xf32>,
        %parallel_loop3A_598 = arith.constant 0 : i32
        %parallel_loop3A_599 = arith.addi %parallel_loop3A_357, %parallel_loop3A_598 : i32
        %parallel_loop3A_600 = arith.index_cast %parallel_loop3A_339 : i32 to index
        %parallel_loop3A_601 = arith.index_cast %parallel_loop3A_599 : i32 to index
        %parallel_loop3A_602 = tpu.vector_load %arg10[%parallel_loop3A_600, %parallel_loop3A_601] {strides = array<i32>} : memref<8x1024xf32, #tpu.memory_space<vmem>>, vector<1x16xf32>,
        %parallel_loop3A_603 = vector.shape_cast %parallel_loop3A_602 : vector<1x16xf32> to vector<16xf32>
        %parallel_loop3A_604 = arith.addf %parallel_loop3A_603, %parallel_loop3A_363 : vector<16xf32>
        %parallel_loop3A_605 = arith.index_cast %parallel_loop3A_339 : i32 to index
        %parallel_loop3A_606 = arith.index_cast %parallel_loop3A_599 : i32 to index
        %parallel_loop3A_607 = tpu.vector_load %arg15[%parallel_loop3A_605, %parallel_loop3A_606] {strides = array<i32>} : memref<8x1024xf32, #tpu.memory_space<vmem>>, vector<1x16xf32>,
        %parallel_loop3A_608 = vector.shape_cast %parallel_loop3A_607 : vector<1x16xf32> to vector<16xf32>
        %parallel_loop3A_609 = vector.shape_cast %parallel_loop3A_604 : vector<16xf32> to vector<1x16xf32>
        tpu.vector_store %arg15[%parallel_loop3A_605, %parallel_loop3A_606], %parallel_loop3A_609 {strides = array<i32>} : memref<8x1024xf32, #tpu.memory_space<vmem>>, vector<1x16xf32>,
        %parallel_loop3A_610 = arith.constant 16 : i32
        %parallel_loop3A_611 = arith.addi %parallel_loop3A_357, %parallel_loop3A_610 : i32
        %parallel_loop3A_612 = arith.index_cast %parallel_loop3A_339 : i32 to index
        %parallel_loop3A_613 = arith.index_cast %parallel_loop3A_611 : i32 to index
        %parallel_loop3A_614 = tpu.vector_load %arg10[%parallel_loop3A_612, %parallel_loop3A_613] {strides = array<i32>} : memref<8x1024xf32, #tpu.memory_space<vmem>>, vector<1x16xf32>,
        %parallel_loop3A_615 = vector.shape_cast %parallel_loop3A_614 : vector<1x16xf32> to vector<16xf32>
        %parallel_loop3A_616 = arith.addf %parallel_loop3A_615, %parallel_loop3A_369 : vector<16xf32>
        %parallel_loop3A_617 = arith.index_cast %parallel_loop3A_339 : i32 to index
        %parallel_loop3A_618 = arith.index_cast %parallel_loop3A_611 : i32 to index
        %parallel_loop3A_619 = tpu.vector_load %arg15[%parallel_loop3A_617, %parallel_loop3A_618] {strides = array<i32>} : memref<8x1024xf32, #tpu.memory_space<vmem>>, vector<1x16xf32>,
        %parallel_loop3A_620 = vector.shape_cast %parallel_loop3A_619 : vector<1x16xf32> to vector<16xf32>
        %parallel_loop3A_621 = vector.shape_cast %parallel_loop3A_616 : vector<16xf32> to vector<1x16xf32>
        tpu.vector_store %arg15[%parallel_loop3A_617, %parallel_loop3A_618], %parallel_loop3A_621 {strides = array<i32>} : memref<8x1024xf32, #tpu.memory_space<vmem>>, vector<1x16xf32>,
        %parallel_loop3A_622 = arith.constant 32 : i32
        %parallel_loop3A_623 = arith.addi %parallel_loop3A_357, %parallel_loop3A_622 : i32
        %parallel_loop3A_624 = arith.index_cast %parallel_loop3A_339 : i32 to index
        %parallel_loop3A_625 = arith.index_cast %parallel_loop3A_623 : i32 to index
        %parallel_loop3A_626 = tpu.vector_load %arg10[%parallel_loop3A_624, %parallel_loop3A_625] {strides = array<i32>} : memref<8x1024xf32, #tpu.memory_space<vmem>>, vector<1x16xf32>,
        %parallel_loop3A_627 = vector.shape_cast %parallel_loop3A_626 : vector<1x16xf32> to vector<16xf32>
        %parallel_loop3A_628 = arith.addf %parallel_loop3A_627, %parallel_loop3A_375 : vector<16xf32>
        %parallel_loop3A_629 = arith.index_cast %parallel_loop3A_339 : i32 to index
        %parallel_loop3A_630 = arith.index_cast %parallel_loop3A_623 : i32 to index
        %parallel_loop3A_631 = tpu.vector_load %arg15[%parallel_loop3A_629, %parallel_loop3A_630] {strides = array<i32>} : memref<8x1024xf32, #tpu.memory_space<vmem>>, vector<1x16xf32>,
        %parallel_loop3A_632 = vector.shape_cast %parallel_loop3A_631 : vector<1x16xf32> to vector<16xf32>
        %parallel_loop3A_633 = vector.shape_cast %parallel_loop3A_628 : vector<16xf32> to vector<1x16xf32>
        tpu.vector_store %arg15[%parallel_loop3A_629, %parallel_loop3A_630], %parallel_loop3A_633 {strides = array<i32>} : memref<8x1024xf32, #tpu.memory_space<vmem>>, vector<1x16xf32>,
        %parallel_loop3A_634 = arith.constant 48 : i32
        %parallel_loop3A_635 = arith.addi %parallel_loop3A_357, %parallel_loop3A_634 : i32
        %parallel_loop3A_636 = arith.index_cast %parallel_loop3A_339 : i32 to index
        %parallel_loop3A_637 = arith.index_cast %parallel_loop3A_635 : i32 to index
        %parallel_loop3A_638 = tpu.vector_load %arg10[%parallel_loop3A_636, %parallel_loop3A_637] {strides = array<i32>} : memref<8x1024xf32, #tpu.memory_space<vmem>>, vector<1x16xf32>,
        %parallel_loop3A_639 = vector.shape_cast %parallel_loop3A_638 : vector<1x16xf32> to vector<16xf32>
        %parallel_loop3A_640 = arith.addf %parallel_loop3A_639, %parallel_loop3A_381 : vector<16xf32>
        %parallel_loop3A_641 = arith.index_cast %parallel_loop3A_339 : i32 to index
        %parallel_loop3A_642 = arith.index_cast %parallel_loop3A_635 : i32 to index
        %parallel_loop3A_643 = tpu.vector_load %arg15[%parallel_loop3A_641, %parallel_loop3A_642] {strides = array<i32>} : memref<8x1024xf32, #tpu.memory_space<vmem>>, vector<1x16xf32>,
        %parallel_loop3A_644 = vector.shape_cast %parallel_loop3A_643 : vector<1x16xf32> to vector<16xf32>
        %parallel_loop3A_645 = vector.shape_cast %parallel_loop3A_640 : vector<16xf32> to vector<1x16xf32>
        tpu.vector_store %arg15[%parallel_loop3A_641, %parallel_loop3A_642], %parallel_loop3A_645 {strides = array<i32>} : memref<8x1024xf32, #tpu.memory_space<vmem>>, vector<1x16xf32>,
        %parallel_loop3A_646 = arith.constant 64 : i32
        %parallel_loop3A_647 = arith.addi %parallel_loop3A_357, %parallel_loop3A_646 : i32
        %parallel_loop3A_648 = arith.index_cast %parallel_loop3A_339 : i32 to index
        %parallel_loop3A_649 = arith.index_cast %parallel_loop3A_647 : i32 to index
        %parallel_loop3A_650 = tpu.vector_load %arg10[%parallel_loop3A_648, %parallel_loop3A_649] {strides = array<i32>} : memref<8x1024xf32, #tpu.memory_space<vmem>>, vector<1x16xf32>,
        %parallel_loop3A_651 = vector.shape_cast %parallel_loop3A_650 : vector<1x16xf32> to vector<16xf32>
        %parallel_loop3A_652 = arith.addf %parallel_loop3A_651, %parallel_loop3A_387 : vector<16xf32>
        %parallel_loop3A_653 = arith.index_cast %parallel_loop3A_339 : i32 to index
        %parallel_loop3A_654 = arith.index_cast %parallel_loop3A_647 : i32 to index
        %parallel_loop3A_655 = tpu.vector_load %arg15[%parallel_loop3A_653, %parallel_loop3A_654] {strides = array<i32>} : memref<8x1024xf32, #tpu.memory_space<vmem>>, vector<1x16xf32>,
        %parallel_loop3A_656 = vector.shape_cast %parallel_loop3A_655 : vector<1x16xf32> to vector<16xf32>
        %parallel_loop3A_657 = vector.shape_cast %parallel_loop3A_652 : vector<16xf32> to vector<1x16xf32>
        tpu.vector_store %arg15[%parallel_loop3A_653, %parallel_loop3A_654], %parallel_loop3A_657 {strides = array<i32>} : memref<8x1024xf32, #tpu.memory_space<vmem>>, vector<1x16xf32>,
        %parallel_loop3A_658 = arith.constant 80 : i32
        %parallel_loop3A_659 = arith.addi %parallel_loop3A_357, %parallel_loop3A_658 : i32
        %parallel_loop3A_660 = arith.index_cast %parallel_loop3A_339 : i32 to index
        %parallel_loop3A_661 = arith.index_cast %parallel_loop3A_659 : i32 to index
        %parallel_loop3A_662 = tpu.vector_load %arg10[%parallel_loop3A_660, %parallel_loop3A_661] {strides = array<i32>} : memref<8x1024xf32, #tpu.memory_space<vmem>>, vector<1x16xf32>,
        %parallel_loop3A_663 = vector.shape_cast %parallel_loop3A_662 : vector<1x16xf32> to vector<16xf32>
        %parallel_loop3A_664 = arith.addf %parallel_loop3A_663, %parallel_loop3A_393 : vector<16xf32>
        %parallel_loop3A_665 = arith.index_cast %parallel_loop3A_339 : i32 to index
        %parallel_loop3A_666 = arith.index_cast %parallel_loop3A_659 : i32 to index
        %parallel_loop3A_667 = tpu.vector_load %arg15[%parallel_loop3A_665, %parallel_loop3A_666] {strides = array<i32>} : memref<8x1024xf32, #tpu.memory_space<vmem>>, vector<1x16xf32>,
        %parallel_loop3A_668 = vector.shape_cast %parallel_loop3A_667 : vector<1x16xf32> to vector<16xf32>
        %parallel_loop3A_669 = vector.shape_cast %parallel_loop3A_664 : vector<16xf32> to vector<1x16xf32>
        tpu.vector_store %arg15[%parallel_loop3A_665, %parallel_loop3A_666], %parallel_loop3A_669 {strides = array<i32>} : memref<8x1024xf32, #tpu.memory_space<vmem>>, vector<1x16xf32>,
        %parallel_loop3A_670 = arith.constant 96 : i32
        %parallel_loop3A_671 = arith.addi %parallel_loop3A_357, %parallel_loop3A_670 : i32
        %parallel_loop3A_672 = arith.index_cast %parallel_loop3A_339 : i32 to index
        %parallel_loop3A_673 = arith.index_cast %parallel_loop3A_671 : i32 to index
        %parallel_loop3A_674 = tpu.vector_load %arg10[%parallel_loop3A_672, %parallel_loop3A_673] {strides = array<i32>} : memref<8x1024xf32, #tpu.memory_space<vmem>>, vector<1x16xf32>,
        %parallel_loop3A_675 = vector.shape_cast %parallel_loop3A_674 : vector<1x16xf32> to vector<16xf32>
        %parallel_loop3A_676 = arith.addf %parallel_loop3A_675, %parallel_loop3A_399 : vector<16xf32>
        %parallel_loop3A_677 = arith.index_cast %parallel_loop3A_339 : i32 to index
        %parallel_loop3A_678 = arith.index_cast %parallel_loop3A_671 : i32 to index
        %parallel_loop3A_679 = tpu.vector_load %arg15[%parallel_loop3A_677, %parallel_loop3A_678] {strides = array<i32>} : memref<8x1024xf32, #tpu.memory_space<vmem>>, vector<1x16xf32>,
        %parallel_loop3A_680 = vector.shape_cast %parallel_loop3A_679 : vector<1x16xf32> to vector<16xf32>
        %parallel_loop3A_681 = vector.shape_cast %parallel_loop3A_676 : vector<16xf32> to vector<1x16xf32>
        tpu.vector_store %arg15[%parallel_loop3A_677, %parallel_loop3A_678], %parallel_loop3A_681 {strides = array<i32>} : memref<8x1024xf32, #tpu.memory_space<vmem>>, vector<1x16xf32>,
        %parallel_loop3A_682 = arith.constant 112 : i32
        %parallel_loop3A_683 = arith.addi %parallel_loop3A_357, %parallel_loop3A_682 : i32
        %parallel_loop3A_684 = arith.index_cast %parallel_loop3A_339 : i32 to index
        %parallel_loop3A_685 = arith.index_cast %parallel_loop3A_683 : i32 to index
        %parallel_loop3A_686 = tpu.vector_load %arg10[%parallel_loop3A_684, %parallel_loop3A_685] {strides = array<i32>} : memref<8x1024xf32, #tpu.memory_space<vmem>>, vector<1x16xf32>,
        %parallel_loop3A_687 = vector.shape_cast %parallel_loop3A_686 : vector<1x16xf32> to vector<16xf32>
        %parallel_loop3A_688 = arith.addf %parallel_loop3A_687, %parallel_loop3A_405 : vector<16xf32>
        %parallel_loop3A_689 = arith.index_cast %parallel_loop3A_339 : i32 to index
        %parallel_loop3A_690 = arith.index_cast %parallel_loop3A_683 : i32 to index
        %parallel_loop3A_691 = tpu.vector_load %arg15[%parallel_loop3A_689, %parallel_loop3A_690] {strides = array<i32>} : memref<8x1024xf32, #tpu.memory_space<vmem>>, vector<1x16xf32>,
        %parallel_loop3A_692 = vector.shape_cast %parallel_loop3A_691 : vector<1x16xf32> to vector<16xf32>
        %parallel_loop3A_693 = vector.shape_cast %parallel_loop3A_688 : vector<16xf32> to vector<1x16xf32>
        tpu.vector_store %arg15[%parallel_loop3A_689, %parallel_loop3A_690], %parallel_loop3A_693 {strides = array<i32>} : memref<8x1024xf32, #tpu.memory_space<vmem>>, vector<1x16xf32>,
        %parallel_loop3A_694 = arith.constant 0 : i32
        %parallel_loop3A_695 = arith.addi %parallel_loop3A_357, %parallel_loop3A_694 : i32
        %parallel_loop3A_696 = arith.index_cast %parallel_loop3A_339 : i32 to index
        %parallel_loop3A_697 = arith.index_cast %parallel_loop3A_695 : i32 to index
        %parallel_loop3A_698 = tpu.vector_load %arg12[%parallel_loop3A_696, %parallel_loop3A_697] {strides = array<i32>} : memref<8x1024xf32, #tpu.memory_space<vmem>>, vector<1x16xf32>,
        %parallel_loop3A_699 = vector.shape_cast %parallel_loop3A_698 : vector<1x16xf32> to vector<16xf32>
        %parallel_loop3A_700 = arith.addf %parallel_loop3A_699, %parallel_loop3A_363 : vector<16xf32>
        %parallel_loop3A_701 = arith.index_cast %parallel_loop3A_339 : i32 to index
        %parallel_loop3A_702 = arith.index_cast %parallel_loop3A_695 : i32 to index
        %parallel_loop3A_703 = tpu.vector_load %arg16[%parallel_loop3A_701, %parallel_loop3A_702] {strides = array<i32>} : memref<8x1024xf32, #tpu.memory_space<vmem>>, vector<1x16xf32>,
        %parallel_loop3A_704 = vector.shape_cast %parallel_loop3A_703 : vector<1x16xf32> to vector<16xf32>
        %parallel_loop3A_705 = vector.shape_cast %parallel_loop3A_700 : vector<16xf32> to vector<1x16xf32>
        tpu.vector_store %arg16[%parallel_loop3A_701, %parallel_loop3A_702], %parallel_loop3A_705 {strides = array<i32>} : memref<8x1024xf32, #tpu.memory_space<vmem>>, vector<1x16xf32>,
        %parallel_loop3A_706 = arith.constant 16 : i32
        %parallel_loop3A_707 = arith.addi %parallel_loop3A_357, %parallel_loop3A_706 : i32
        %parallel_loop3A_708 = arith.index_cast %parallel_loop3A_339 : i32 to index
        %parallel_loop3A_709 = arith.index_cast %parallel_loop3A_707 : i32 to index
        %parallel_loop3A_710 = tpu.vector_load %arg12[%parallel_loop3A_708, %parallel_loop3A_709] {strides = array<i32>} : memref<8x1024xf32, #tpu.memory_space<vmem>>, vector<1x16xf32>,
        %parallel_loop3A_711 = vector.shape_cast %parallel_loop3A_710 : vector<1x16xf32> to vector<16xf32>
        %parallel_loop3A_712 = arith.addf %parallel_loop3A_711, %parallel_loop3A_369 : vector<16xf32>
        %parallel_loop3A_713 = arith.index_cast %parallel_loop3A_339 : i32 to index
        %parallel_loop3A_714 = arith.index_cast %parallel_loop3A_707 : i32 to index
        %parallel_loop3A_715 = tpu.vector_load %arg16[%parallel_loop3A_713, %parallel_loop3A_714] {strides = array<i32>} : memref<8x1024xf32, #tpu.memory_space<vmem>>, vector<1x16xf32>,
        %parallel_loop3A_716 = vector.shape_cast %parallel_loop3A_715 : vector<1x16xf32> to vector<16xf32>
        %parallel_loop3A_717 = vector.shape_cast %parallel_loop3A_712 : vector<16xf32> to vector<1x16xf32>
        tpu.vector_store %arg16[%parallel_loop3A_713, %parallel_loop3A_714], %parallel_loop3A_717 {strides = array<i32>} : memref<8x1024xf32, #tpu.memory_space<vmem>>, vector<1x16xf32>,
        %parallel_loop3A_718 = arith.constant 32 : i32
        %parallel_loop3A_719 = arith.addi %parallel_loop3A_357, %parallel_loop3A_718 : i32
        %parallel_loop3A_720 = arith.index_cast %parallel_loop3A_339 : i32 to index
        %parallel_loop3A_721 = arith.index_cast %parallel_loop3A_719 : i32 to index
        %parallel_loop3A_722 = tpu.vector_load %arg12[%parallel_loop3A_720, %parallel_loop3A_721] {strides = array<i32>} : memref<8x1024xf32, #tpu.memory_space<vmem>>, vector<1x16xf32>,
        %parallel_loop3A_723 = vector.shape_cast %parallel_loop3A_722 : vector<1x16xf32> to vector<16xf32>
        %parallel_loop3A_724 = arith.addf %parallel_loop3A_723, %parallel_loop3A_375 : vector<16xf32>
        %parallel_loop3A_725 = arith.index_cast %parallel_loop3A_339 : i32 to index
        %parallel_loop3A_726 = arith.index_cast %parallel_loop3A_719 : i32 to index
        %parallel_loop3A_727 = tpu.vector_load %arg16[%parallel_loop3A_725, %parallel_loop3A_726] {strides = array<i32>} : memref<8x1024xf32, #tpu.memory_space<vmem>>, vector<1x16xf32>,
        %parallel_loop3A_728 = vector.shape_cast %parallel_loop3A_727 : vector<1x16xf32> to vector<16xf32>
        %parallel_loop3A_729 = vector.shape_cast %parallel_loop3A_724 : vector<16xf32> to vector<1x16xf32>
        tpu.vector_store %arg16[%parallel_loop3A_725, %parallel_loop3A_726], %parallel_loop3A_729 {strides = array<i32>} : memref<8x1024xf32, #tpu.memory_space<vmem>>, vector<1x16xf32>,
        %parallel_loop3A_730 = arith.constant 48 : i32
        %parallel_loop3A_731 = arith.addi %parallel_loop3A_357, %parallel_loop3A_730 : i32
        %parallel_loop3A_732 = arith.index_cast %parallel_loop3A_339 : i32 to index
        %parallel_loop3A_733 = arith.index_cast %parallel_loop3A_731 : i32 to index
        %parallel_loop3A_734 = tpu.vector_load %arg12[%parallel_loop3A_732, %parallel_loop3A_733] {strides = array<i32>} : memref<8x1024xf32, #tpu.memory_space<vmem>>, vector<1x16xf32>,
        %parallel_loop3A_735 = vector.shape_cast %parallel_loop3A_734 : vector<1x16xf32> to vector<16xf32>
        %parallel_loop3A_736 = arith.addf %parallel_loop3A_735, %parallel_loop3A_381 : vector<16xf32>
        %parallel_loop3A_737 = arith.index_cast %parallel_loop3A_339 : i32 to index
        %parallel_loop3A_738 = arith.index_cast %parallel_loop3A_731 : i32 to index
        %parallel_loop3A_739 = tpu.vector_load %arg16[%parallel_loop3A_737, %parallel_loop3A_738] {strides = array<i32>} : memref<8x1024xf32, #tpu.memory_space<vmem>>, vector<1x16xf32>,
        %parallel_loop3A_740 = vector.shape_cast %parallel_loop3A_739 : vector<1x16xf32> to vector<16xf32>
        %parallel_loop3A_741 = vector.shape_cast %parallel_loop3A_736 : vector<16xf32> to vector<1x16xf32>
        tpu.vector_store %arg16[%parallel_loop3A_737, %parallel_loop3A_738], %parallel_loop3A_741 {strides = array<i32>} : memref<8x1024xf32, #tpu.memory_space<vmem>>, vector<1x16xf32>,
        %parallel_loop3A_742 = arith.constant 64 : i32
        %parallel_loop3A_743 = arith.addi %parallel_loop3A_357, %parallel_loop3A_742 : i32
        %parallel_loop3A_744 = arith.index_cast %parallel_loop3A_339 : i32 to index
        %parallel_loop3A_745 = arith.index_cast %parallel_loop3A_743 : i32 to index
        %parallel_loop3A_746 = tpu.vector_load %arg12[%parallel_loop3A_744, %parallel_loop3A_745] {strides = array<i32>} : memref<8x1024xf32, #tpu.memory_space<vmem>>, vector<1x16xf32>,
        %parallel_loop3A_747 = vector.shape_cast %parallel_loop3A_746 : vector<1x16xf32> to vector<16xf32>
        %parallel_loop3A_748 = arith.addf %parallel_loop3A_747, %parallel_loop3A_387 : vector<16xf32>
        %parallel_loop3A_749 = arith.index_cast %parallel_loop3A_339 : i32 to index
        %parallel_loop3A_750 = arith.index_cast %parallel_loop3A_743 : i32 to index
        %parallel_loop3A_751 = tpu.vector_load %arg16[%parallel_loop3A_749, %parallel_loop3A_750] {strides = array<i32>} : memref<8x1024xf32, #tpu.memory_space<vmem>>, vector<1x16xf32>,
        %parallel_loop3A_752 = vector.shape_cast %parallel_loop3A_751 : vector<1x16xf32> to vector<16xf32>
        %parallel_loop3A_753 = vector.shape_cast %parallel_loop3A_748 : vector<16xf32> to vector<1x16xf32>
        tpu.vector_store %arg16[%parallel_loop3A_749, %parallel_loop3A_750], %parallel_loop3A_753 {strides = array<i32>} : memref<8x1024xf32, #tpu.memory_space<vmem>>, vector<1x16xf32>,
        %parallel_loop3A_754 = arith.constant 80 : i32
        %parallel_loop3A_755 = arith.addi %parallel_loop3A_357, %parallel_loop3A_754 : i32
        %parallel_loop3A_756 = arith.index_cast %parallel_loop3A_339 : i32 to index
        %parallel_loop3A_757 = arith.index_cast %parallel_loop3A_755 : i32 to index
        %parallel_loop3A_758 = tpu.vector_load %arg12[%parallel_loop3A_756, %parallel_loop3A_757] {strides = array<i32>} : memref<8x1024xf32, #tpu.memory_space<vmem>>, vector<1x16xf32>,
        %parallel_loop3A_759 = vector.shape_cast %parallel_loop3A_758 : vector<1x16xf32> to vector<16xf32>
        %parallel_loop3A_760 = arith.addf %parallel_loop3A_759, %parallel_loop3A_393 : vector<16xf32>
        %parallel_loop3A_761 = arith.index_cast %parallel_loop3A_339 : i32 to index
        %parallel_loop3A_762 = arith.index_cast %parallel_loop3A_755 : i32 to index
        %parallel_loop3A_763 = tpu.vector_load %arg16[%parallel_loop3A_761, %parallel_loop3A_762] {strides = array<i32>} : memref<8x1024xf32, #tpu.memory_space<vmem>>, vector<1x16xf32>,
        %parallel_loop3A_764 = vector.shape_cast %parallel_loop3A_763 : vector<1x16xf32> to vector<16xf32>
        %parallel_loop3A_765 = vector.shape_cast %parallel_loop3A_760 : vector<16xf32> to vector<1x16xf32>
        tpu.vector_store %arg16[%parallel_loop3A_761, %parallel_loop3A_762], %parallel_loop3A_765 {strides = array<i32>} : memref<8x1024xf32, #tpu.memory_space<vmem>>, vector<1x16xf32>,
        %parallel_loop3A_766 = arith.constant 96 : i32
        %parallel_loop3A_767 = arith.addi %parallel_loop3A_357, %parallel_loop3A_766 : i32
        %parallel_loop3A_768 = arith.index_cast %parallel_loop3A_339 : i32 to index
        %parallel_loop3A_769 = arith.index_cast %parallel_loop3A_767 : i32 to index
        %parallel_loop3A_770 = tpu.vector_load %arg12[%parallel_loop3A_768, %parallel_loop3A_769] {strides = array<i32>} : memref<8x1024xf32, #tpu.memory_space<vmem>>, vector<1x16xf32>,
        %parallel_loop3A_771 = vector.shape_cast %parallel_loop3A_770 : vector<1x16xf32> to vector<16xf32>
        %parallel_loop3A_772 = arith.addf %parallel_loop3A_771, %parallel_loop3A_399 : vector<16xf32>
        %parallel_loop3A_773 = arith.index_cast %parallel_loop3A_339 : i32 to index
        %parallel_loop3A_774 = arith.index_cast %parallel_loop3A_767 : i32 to index
        %parallel_loop3A_775 = tpu.vector_load %arg16[%parallel_loop3A_773, %parallel_loop3A_774] {strides = array<i32>} : memref<8x1024xf32, #tpu.memory_space<vmem>>, vector<1x16xf32>,
        %parallel_loop3A_776 = vector.shape_cast %parallel_loop3A_775 : vector<1x16xf32> to vector<16xf32>
        %parallel_loop3A_777 = vector.shape_cast %parallel_loop3A_772 : vector<16xf32> to vector<1x16xf32>
        tpu.vector_store %arg16[%parallel_loop3A_773, %parallel_loop3A_774], %parallel_loop3A_777 {strides = array<i32>} : memref<8x1024xf32, #tpu.memory_space<vmem>>, vector<1x16xf32>,
        %parallel_loop3A_778 = arith.constant 112 : i32
        %parallel_loop3A_779 = arith.addi %parallel_loop3A_357, %parallel_loop3A_778 : i32
        %parallel_loop3A_780 = arith.index_cast %parallel_loop3A_339 : i32 to index
        %parallel_loop3A_781 = arith.index_cast %parallel_loop3A_779 : i32 to index
        %parallel_loop3A_782 = tpu.vector_load %arg12[%parallel_loop3A_780, %parallel_loop3A_781] {strides = array<i32>} : memref<8x1024xf32, #tpu.memory_space<vmem>>, vector<1x16xf32>,
        %parallel_loop3A_783 = vector.shape_cast %parallel_loop3A_782 : vector<1x16xf32> to vector<16xf32>
        %parallel_loop3A_784 = arith.addf %parallel_loop3A_783, %parallel_loop3A_405 : vector<16xf32>
        %parallel_loop3A_785 = arith.index_cast %parallel_loop3A_339 : i32 to index
        %parallel_loop3A_786 = arith.index_cast %parallel_loop3A_779 : i32 to index
        %parallel_loop3A_787 = tpu.vector_load %arg16[%parallel_loop3A_785, %parallel_loop3A_786] {strides = array<i32>} : memref<8x1024xf32, #tpu.memory_space<vmem>>, vector<1x16xf32>,
        %parallel_loop3A_788 = vector.shape_cast %parallel_loop3A_787 : vector<1x16xf32> to vector<16xf32>
        %parallel_loop3A_789 = vector.shape_cast %parallel_loop3A_784 : vector<16xf32> to vector<1x16xf32>
        tpu.vector_store %arg16[%parallel_loop3A_785, %parallel_loop3A_786], %parallel_loop3A_789 {strides = array<i32>} : memref<8x1024xf32, #tpu.memory_space<vmem>>, vector<1x16xf32>,
      } {sc.loop_unroll_factor = 1 : i64, sc.parallel_access}
      %add3A_272 = arith.constant 0 : i32
      %add3A_273 = arith.addi %add3A_272, %mul3A_2 : i32
      %mul3A_274 = arith.constant 8 : i32
      %mul3A_275 = arith.muli %add3A_201, %mul3A_274 : i32
      %add3A_276 = arith.addi %add3A_273, %mul3A_275 : i32
      %dma_start3A_277 = arith.constant 0 : i32
      %dma_start3A_278 = tpu.memref_slice %arg4[%add3A_276, %dma_start3A_277] : memref<32768x1024xf32, #tpu.memory_space<hbm>> -> memref<8x1024xf32, #tpu.memory_space<hbm>>
      %dma_start3A_279 = arith.constant 0 : i32
      %dma_start3A_280 = tpu.memref_slice %arg4[%add3A_276, %dma_start3A_279] : memref<32768x1024xf32, #tpu.memory_space<hbm>> -> memref<8x1024xf32, #tpu.memory_space<hbm>>
      tpu.enqueue_dma source(%arg13 : memref<8x1024xf32, #tpu.memory_space<vmem>>) target(%dma_start3A_280 : memref<8x1024xf32, #tpu.memory_space<hbm>>) target_semaphore(%arg23 : memref<!tpu.dma_semaphore, #tpu.memory_space<semaphore_mem>>)
      %add3A_281 = arith.constant 8192 : i32
      %add3A_282 = arith.addi %add3A_281, %mul3A_2 : i32
      %mul3A_283 = arith.constant 8 : i32
      %mul3A_284 = arith.muli %add3A_201, %mul3A_283 : i32
      %add3A_285 = arith.addi %add3A_282, %mul3A_284 : i32
      %dma_start3A_286 = arith.constant 0 : i32
      %dma_start3A_287 = tpu.memref_slice %arg4[%add3A_285, %dma_start3A_286] : memref<32768x1024xf32, #tpu.memory_space<hbm>> -> memref<8x1024xf32, #tpu.memory_space<hbm>>
      %dma_start3A_288 = arith.constant 0 : i32
      %dma_start3A_289 = tpu.memref_slice %arg4[%add3A_285, %dma_start3A_288] : memref<32768x1024xf32, #tpu.memory_space<hbm>> -> memref<8x1024xf32, #tpu.memory_space<hbm>>
      tpu.enqueue_dma source(%arg14 : memref<8x1024xf32, #tpu.memory_space<vmem>>) target(%dma_start3A_289 : memref<8x1024xf32, #tpu.memory_space<hbm>>) target_semaphore(%arg23 : memref<!tpu.dma_semaphore, #tpu.memory_space<semaphore_mem>>)
      %add3A_290 = arith.constant 16384 : i32
      %add3A_291 = arith.addi %add3A_290, %mul3A_2 : i32
      %mul3A_292 = arith.constant 8 : i32
      %mul3A_293 = arith.muli %add3A_201, %mul3A_292 : i32
      %add3A_294 = arith.addi %add3A_291, %mul3A_293 : i32
      %dma_start3A_295 = arith.constant 0 : i32
      %dma_start3A_296 = tpu.memref_slice %arg4[%add3A_294, %dma_start3A_295] : memref<32768x1024xf32, #tpu.memory_space<hbm>> -> memref<8x1024xf32, #tpu.memory_space<hbm>>
      %dma_start3A_297 = arith.constant 0 : i32
      %dma_start3A_298 = tpu.memref_slice %arg4[%add3A_294, %dma_start3A_297] : memref<32768x1024xf32, #tpu.memory_space<hbm>> -> memref<8x1024xf32, #tpu.memory_space<hbm>>
      tpu.enqueue_dma source(%arg15 : memref<8x1024xf32, #tpu.memory_space<vmem>>) target(%dma_start3A_298 : memref<8x1024xf32, #tpu.memory_space<hbm>>) target_semaphore(%arg23 : memref<!tpu.dma_semaphore, #tpu.memory_space<semaphore_mem>>)
      %add3A_299 = arith.constant 24576 : i32
      %add3A_300 = arith.addi %add3A_299, %mul3A_2 : i32
      %mul3A_301 = arith.constant 8 : i32
      %mul3A_302 = arith.muli %add3A_201, %mul3A_301 : i32
      %add3A_303 = arith.addi %add3A_300, %mul3A_302 : i32
      %dma_start3A_304 = arith.constant 0 : i32
      %dma_start3A_305 = tpu.memref_slice %arg4[%add3A_303, %dma_start3A_304] : memref<32768x1024xf32, #tpu.memory_space<hbm>> -> memref<8x1024xf32, #tpu.memory_space<hbm>>
      %dma_start3A_306 = arith.constant 0 : i32
      %dma_start3A_307 = tpu.memref_slice %arg4[%add3A_303, %dma_start3A_306] : memref<32768x1024xf32, #tpu.memory_space<hbm>> -> memref<8x1024xf32, #tpu.memory_space<hbm>>
      tpu.enqueue_dma source(%arg16 : memref<8x1024xf32, #tpu.memory_space<vmem>>) target(%dma_start3A_307 : memref<8x1024xf32, #tpu.memory_space<hbm>>) target_semaphore(%arg23 : memref<!tpu.dma_semaphore, #tpu.memory_space<semaphore_mem>>)
      %add3A_308 = arith.constant 2 : i32
      %add3A_309 = arith.addi %add3A_201, %add3A_308 : i32
      %lt3A_310 = arith.constant 32 : i32
      %lt3A_311 = arith.cmpi slt, %add3A_309, %lt3A_310 : i32
      %convert_element_type3A_312 = arith.extui %lt3A_311 : i1 to i32
      %cond3A_313 = arith.constant 0 : i32
      %cond3A_314 = arith.cmpi ne, %convert_element_type3A_312, %cond3A_313 : i32
      scf.if %cond3A_314 {
        %add3A_315 = arith.constant 2 : i32
        %add3A_316 = arith.addi %add3A_201, %add3A_315 : i32
        %mul3A_317 = arith.constant 8 : i32
        %mul3A_318 = arith.muli %add3A_316, %mul3A_317 : i32
        %add3A_319 = arith.addi %mul3A_2, %mul3A_318 : i32
        %dma_start3A_320 = arith.constant 0 : i32
        %dma_start3A_321 = tpu.memref_slice %arg3[%add3A_319, %dma_start3A_320] : memref<8192x1024xf32, #tpu.memory_space<hbm>> -> memref<8x1024xf32, #tpu.memory_space<hbm>>
        %dma_start3A_322 = arith.constant 0 : i32
        %dma_start3A_323 = tpu.memref_slice %arg3[%add3A_319, %dma_start3A_322] : memref<8192x1024xf32, #tpu.memory_space<hbm>> -> memref<8x1024xf32, #tpu.memory_space<hbm>>
        tpu.enqueue_dma source(%dma_start3A_323 : memref<8x1024xf32, #tpu.memory_space<hbm>>) target(%arg18 : memref<8x1024xf32, #tpu.memory_space<vmem>>) target_semaphore(%arg22 : memref<!tpu.dma_semaphore, #tpu.memory_space<semaphore_mem>>)
        %add3A_324 = arith.constant 2 : i32
        %add3A_325 = arith.addi %add3A_201, %add3A_324 : i32
        %add3A_326 = arith.constant 0 : i32
        %add3A_327 = arith.addi %add3A_326, %mul3A_2 : i32
        %mul3A_328 = arith.constant 8 : i32
        %mul3A_329 = arith.muli %add3A_325, %mul3A_328 : i32
        %add3A_330 = arith.addi %add3A_327, %mul3A_329 : i32
        %dma_start3A_331 = arith.constant 0 : i32
        %dma_start3A_332 = tpu.memref_slice %arg2[%add3A_330, %dma_start3A_331] : memref<32768x1024xf32, #tpu.memory_space<hbm>> -> memref<8x1024xf32, #tpu.memory_space<hbm>>
        %dma_start3A_333 = arith.constant 0 : i32
        %dma_start3A_334 = tpu.memref_slice %arg2[%add3A_330, %dma_start3A_333] : memref<32768x1024xf32, #tpu.memory_space<hbm>> -> memref<8x1024xf32, #tpu.memory_space<hbm>>
        tpu.enqueue_dma source(%dma_start3A_334 : memref<8x1024xf32, #tpu.memory_space<hbm>>) target(%arg6 : memref<8x1024xf32, #tpu.memory_space<vmem>>) target_semaphore(%arg20 : memref<!tpu.dma_semaphore, #tpu.memory_space<semaphore_mem>>)
        %add3A_335 = arith.constant 2 : i32
        %add3A_336 = arith.addi %add3A_201, %add3A_335 : i32
        %add3A_337 = arith.constant 8192 : i32
        %add3A_338 = arith.addi %add3A_337, %mul3A_2 : i32
        %mul3A_339 = arith.constant 8 : i32
        %mul3A_340 = arith.muli %add3A_336, %mul3A_339 : i32
        %add3A_341 = arith.addi %add3A_338, %mul3A_340 : i32
        %dma_start3A_342 = arith.constant 0 : i32
        %dma_start3A_343 = tpu.memref_slice %arg2[%add3A_341, %dma_start3A_342] : memref<32768x1024xf32, #tpu.memory_space<hbm>> -> memref<8x1024xf32, #tpu.memory_space<hbm>>
        %dma_start3A_344 = arith.constant 0 : i32
        %dma_start3A_345 = tpu.memref_slice %arg2[%add3A_341, %dma_start3A_344] : memref<32768x1024xf32, #tpu.memory_space<hbm>> -> memref<8x1024xf32, #tpu.memory_space<hbm>>
        tpu.enqueue_dma source(%dma_start3A_345 : memref<8x1024xf32, #tpu.memory_space<hbm>>) target(%arg8 : memref<8x1024xf32, #tpu.memory_space<vmem>>) target_semaphore(%arg20 : memref<!tpu.dma_semaphore, #tpu.memory_space<semaphore_mem>>)
        %add3A_346 = arith.constant 2 : i32
        %add3A_347 = arith.addi %add3A_201, %add3A_346 : i32
        %add3A_348 = arith.constant 16384 : i32
        %add3A_349 = arith.addi %add3A_348, %mul3A_2 : i32
        %mul3A_350 = arith.constant 8 : i32
        %mul3A_351 = arith.muli %add3A_347, %mul3A_350 : i32
        %add3A_352 = arith.addi %add3A_349, %mul3A_351 : i32
        %dma_start3A_353 = arith.constant 0 : i32
        %dma_start3A_354 = tpu.memref_slice %arg2[%add3A_352, %dma_start3A_353] : memref<32768x1024xf32, #tpu.memory_space<hbm>> -> memref<8x1024xf32, #tpu.memory_space<hbm>>
        %dma_start3A_355 = arith.constant 0 : i32
        %dma_start3A_356 = tpu.memref_slice %arg2[%add3A_352, %dma_start3A_355] : memref<32768x1024xf32, #tpu.memory_space<hbm>> -> memref<8x1024xf32, #tpu.memory_space<hbm>>
        tpu.enqueue_dma source(%dma_start3A_356 : memref<8x1024xf32, #tpu.memory_space<hbm>>) target(%arg10 : memref<8x1024xf32, #tpu.memory_space<vmem>>) target_semaphore(%arg20 : memref<!tpu.dma_semaphore, #tpu.memory_space<semaphore_mem>>)
        %add3A_357 = arith.constant 2 : i32
        %add3A_358 = arith.addi %add3A_201, %add3A_357 : i32
        %add3A_359 = arith.constant 24576 : i32
        %add3A_360 = arith.addi %add3A_359, %mul3A_2 : i32
        %mul3A_361 = arith.constant 8 : i32
        %mul3A_362 = arith.muli %add3A_358, %mul3A_361 : i32
        %add3A_363 = arith.addi %add3A_360, %mul3A_362 : i32
        %dma_start3A_364 = arith.constant 0 : i32
        %dma_start3A_365 = tpu.memref_slice %arg2[%add3A_363, %dma_start3A_364] : memref<32768x1024xf32, #tpu.memory_space<hbm>> -> memref<8x1024xf32, #tpu.memory_space<hbm>>
        %dma_start3A_366 = arith.constant 0 : i32
        %dma_start3A_367 = tpu.memref_slice %arg2[%add3A_363, %dma_start3A_366] : memref<32768x1024xf32, #tpu.memory_space<hbm>> -> memref<8x1024xf32, #tpu.memory_space<hbm>>
        tpu.enqueue_dma source(%dma_start3A_367 : memref<8x1024xf32, #tpu.memory_space<hbm>>) target(%arg12 : memref<8x1024xf32, #tpu.memory_space<vmem>>) target_semaphore(%arg20 : memref<!tpu.dma_semaphore, #tpu.memory_space<semaphore_mem>>)
      } else {
      }
    }
    %scan3A_82 = arith.constant 16 : i32
    %dma_wait3A = arith.constant 0 : i32
    %dma_wait3A_83 = arith.constant 0 : i32
    %dma_wait3A_84 = tpu.memref_slice %arg4[%dma_wait3A, %dma_wait3A_83] : memref<32768x1024xf32, #tpu.memory_space<hbm>> -> memref<8x1024xf32, #tpu.memory_space<hbm>>
    %dma_wait3A_85 = arith.constant 0 : i32
    %dma_wait3A_86 = arith.constant 0 : i32
    %dma_wait3A_87 = tpu.memref_slice %arg4[%dma_wait3A_85, %dma_wait3A_86] : memref<32768x1024xf32, #tpu.memory_space<hbm>> -> memref<8x1024xf32, #tpu.memory_space<hbm>>
    tpu.wait_dma2 semaphore(%arg23 : memref<!tpu.dma_semaphore, #tpu.memory_space<semaphore_mem>>) src(%arg13 : memref<8x1024xf32, #tpu.memory_space<vmem>>) dst(%dma_wait3A_87 : memref<8x1024xf32, #tpu.memory_space<hbm>>)
    %dma_wait3A_88 = arith.constant 0 : i32
    %dma_wait3A_89 = arith.constant 0 : i32
    %dma_wait3A_90 = tpu.memref_slice %arg4[%dma_wait3A_88, %dma_wait3A_89] : memref<32768x1024xf32, #tpu.memory_space<hbm>> -> memref<8x1024xf32, #tpu.memory_space<hbm>>
    %dma_wait3A_91 = arith.constant 0 : i32
    %dma_wait3A_92 = arith.constant 0 : i32
    %dma_wait3A_93 = tpu.memref_slice %arg4[%dma_wait3A_91, %dma_wait3A_92] : memref<32768x1024xf32, #tpu.memory_space<hbm>> -> memref<8x1024xf32, #tpu.memory_space<hbm>>
    tpu.wait_dma2 semaphore(%arg23 : memref<!tpu.dma_semaphore, #tpu.memory_space<semaphore_mem>>) src(%arg14 : memref<8x1024xf32, #tpu.memory_space<vmem>>) dst(%dma_wait3A_93 : memref<8x1024xf32, #tpu.memory_space<hbm>>)
    %dma_wait3A_94 = arith.constant 0 : i32
    %dma_wait3A_95 = arith.constant 0 : i32
    %dma_wait3A_96 = tpu.memref_slice %arg4[%dma_wait3A_94, %dma_wait3A_95] : memref<32768x1024xf32, #tpu.memory_space<hbm>> -> memref<8x1024xf32, #tpu.memory_space<hbm>>
    %dma_wait3A_97 = arith.constant 0 : i32
    %dma_wait3A_98 = arith.constant 0 : i32
    %dma_wait3A_99 = tpu.memref_slice %arg4[%dma_wait3A_97, %dma_wait3A_98] : memref<32768x1024xf32, #tpu.memory_space<hbm>> -> memref<8x1024xf32, #tpu.memory_space<hbm>>
    tpu.wait_dma2 semaphore(%arg23 : memref<!tpu.dma_semaphore, #tpu.memory_space<semaphore_mem>>) src(%arg15 : memref<8x1024xf32, #tpu.memory_space<vmem>>) dst(%dma_wait3A_99 : memref<8x1024xf32, #tpu.memory_space<hbm>>)
    %dma_wait3A_100 = arith.constant 0 : i32
    %dma_wait3A_101 = arith.constant 0 : i32
    %dma_wait3A_102 = tpu.memref_slice %arg4[%dma_wait3A_100, %dma_wait3A_101] : memref<32768x1024xf32, #tpu.memory_space<hbm>> -> memref<8x1024xf32, #tpu.memory_space<hbm>>
    %dma_wait3A_103 = arith.constant 0 : i32
    %dma_wait3A_104 = arith.constant 0 : i32
    %dma_wait3A_105 = tpu.memref_slice %arg4[%dma_wait3A_103, %dma_wait3A_104] : memref<32768x1024xf32, #tpu.memory_space<hbm>> -> memref<8x1024xf32, #tpu.memory_space<hbm>>
    tpu.wait_dma2 semaphore(%arg23 : memref<!tpu.dma_semaphore, #tpu.memory_space<semaphore_mem>>) src(%arg16 : memref<8x1024xf32, #tpu.memory_space<vmem>>) dst(%dma_wait3A_105 : memref<8x1024xf32, #tpu.memory_space<hbm>>)
    return
  }
}

</mosaic_0001>

<sc_bundles>
// kernel: kernel.3.cloned.1.call-start
scs
__scs_entry_jumppad:
0x0: {  	(pc) =	sbr.rel $0x88, $3  }
0x1: {  	(tag) =	ssettag $0x0;
	lr =	simm.s32 $0x1  }
0x2: {  	[smem:$0x3F9F] =	sst lr;
	_ =	strace $0xD0000000  }
0x3: {  	_ = 	snop  }
0x4: {  	_ = 	snop  }
0x5: {  	_ = 	snop  }
0x6: {  	_ = 	snop  }
0x7: {  	_ = 	snop  }
__scs_overlays_trampoline_lowered:
0x8: {  	[smem:$0x3FAE] =	sst s0  }
0x9: {  	[smem:$0x3FAF] =	sst s1  }
0xa: {  	[smem:$0x3FB0] =	sst s2  }
0xb: {  	[smem:$0x3FB1] =	sst s3  }
0xc: {  	[smem:$0x3FB2] =	sst s4  }
0xd: {  	[smem:$0x3FB3] =	sst s5  }
0xe: {  	[smem:$0x3FB4] =	sst s6  }
0xf: {  	[smem:$0x3FB5] =	sst s7  }
0x10: {  	[smem:$0x3FB6] =	sst s8  }
0x11: {  	[smem:$0x3FB7] =	sst s9;
	s0 =	simm.s32 @!p0 $0x0  }
0x12: {  	s1 =	sld [smem:$0x3F9D];
	s0 =	simm.s32 @p0 $0x1  }
0x13: {  	[smem:$0x3FB8] =	sst s0;
	s0 =	simm.s32 @!p1 $0x0  }
0x14: {  	s2 =	sld [smem:$0x3F9C];
	s0 =	simm.s32 @p1 $0x1  }
0x15: {  	[smem:$0x3FB9] =	sst s0;
	s0 =	simm.s32 @!p2 $0x0  }
0x16: {  	s3 =	sld [smem:$0x3FDB];
	s0 =	simm.s32 @p2 $0x1  }
0x17: {  	s4 =	simm.s32 $0x1BF5;
	[smem:$0x3FBB] =	sst s0  }
0x18: {  	s0 =	sld [smem:$0x3F9E];
	_ =	swait.ge [sflag:s4], $0x0  }
0x19: {  	s7 =	sld [smem:$0x3F9F]  }
0x1a: {  	s8 =	sadd.s32 $0xFFFFE003, lr  }
0x1b: {  	s9 =	sadd.s32 $0xFFFFFEF7, lr;
	s5 =	simm.s32 $0xFFFFFFFF;
	p2 =	slt.u32 s8, $0xFFFFF086  }
0x1c: {  	p1 =	slt.u32 s9, $0xF7A;
	s5 =	simm.s32 @!p2 $0x0  }
0x1d: {  	s5 =	simm.s32 @p1 $0x1;
	p0 =	seq.s32 s7, s2  }
0x1e: {  	s7 =	smul.u32 @!p0 $0xF7A, s2;
	p2 =	seq.s32 @!p0 s5, $0x0  }
0x1f: {  	s9 =	smul.u32 $0xF7A, s1;
	s8 =	simm.s32 @!p0 $0x1BF5;
	p2 =	por !p2, p0  }
0x20: {  	[sflag:s8] =	ssyncset.s32 @!p0 $0xFFFFF086;
	s6 =	sadd.s32 @!p0 s3, s7;
	s7 =	simm.s32 @!p0 $0x108  }
0x21: {  	s3 =	sadd.s32 s3, s9;
	s6 =	sadd.s32 @!p0 $0x88, s6;
	s7 =	simm.s32 @p2 $0x1082  }
0x22: {  	[simem:s7], [sflag:s8] =	dma.local @!p0 [hbm:s6], $0xF7A  }
0x23: {  	s9 =	sor.u32 $0xD0000000, s2;
	s6 =	simm.s32 $0x108;
	_ =	swait.ge @!p0 [sflag:s8], $0x0  }
0x24: {  	s3 =	sadd.s32 $0x88, s3;
	s6 =	simm.s32 @!p1 $0x1082;
	[sflag:s4] =	ssyncset.s32 $0xFFFFF086  }
0x25: {  	[simem:s6], [sflag:s4] =	dma.local [hbm:s3], $0xF7A  }
0x26: {  	[smem:$0x3F9F] =	sst s1;
	(tag) =	ssettag s2;
	_ =	strace s9  }
0x27: {  	s1 =	sld [smem:$0x3FAF]  }
0x28: {  	s2 =	sld [smem:$0x3FB0]  }
0x29: {  	s4 =	sld [smem:$0x3FB2]  }
0x2a: {  	p0 =	seq.s32 s5, $0x0;
	s5 =	sld [smem:$0x3FB3]  }
0x2b: {  	s6 =	sld [smem:$0x3FB4]  }
0x2c: {  	s7 =	sld [smem:$0x3FB5]  }
0x2d: {  	s3 =	simm.s32 $0x108;
	s8 =	sld [smem:$0x3FB6]  }
0x2e: {  	s3 =	simm.s32 @!p0 $0x1082;
	s9 =	sld [smem:$0x3FB7]  }
0x2f: {  	lr =	sadd.s32 s0, s3;
	s0 =	sld [smem:$0x3FAE]  }
0x30: {  	s3 =	sld [smem:$0x3FB1]  }
0x31: {  	[smem:$0x3FBA] =	sst s10  }
0x32: {  	s10 =	sld [smem:$0x3FB8];
	_ =	sdelay $0x3  }
0x33: {  	p0 =	seq.s32 s10, $0x1;
	s10 =	sld [smem:$0x3FBA];
	_ =	sdelay $0x3  }
0x34: {  	[smem:$0x3FBA] =	sst s10  }
0x35: {  	s10 =	sld [smem:$0x3FB9];
	_ =	sdelay $0x3  }
0x36: {  	p1 =	seq.s32 s10, $0x1;
	s10 =	sld [smem:$0x3FBA];
	_ =	sdelay $0x3  }
0x37: {  	[smem:$0x3FBA] =	sst s10  }
0x38: {  	s10 =	sld [smem:$0x3FBB]  }
0x39: {  	_ = 	snop;
	(pc) =	sbr.ind lr, $3  }
0x3a: {  	_ = 	snop  }
0x3b: {  	_ = 	snop  }
0x3c: {  	p2 =	seq.s32 s10, $0x1;
	s10 =	sld [smem:$0x3FBA]  }
0x3d: {  	_ =	shalt  }
0x3e: {  	_ =	shalt  }
0x3f: {  	_ =	shalt  }
0x40: {  	_ =	shalt  }
0x41: {  	_ =	shalt  }
0x42: {  	_ =	shalt  }
0x43: {  	_ =	shalt  }
0x44: {  	_ =	shalt  }
0x45: {  	_ =	shalt  }
0x46: {  	_ =	shalt  }
0x47: {  	_ =	shalt  }
0x48: {  	_ =	shalt  }
0x49: {  	_ =	shalt  }
0x4a: {  	_ =	shalt  }
0x4b: {  	_ =	shalt  }
0x4c: {  	_ =	shalt  }
0x4d: {  	_ =	shalt  }
0x4e: {  	_ =	shalt  }
0x4f: {  	_ =	shalt  }
0x50: {  	_ =	shalt  }
0x51: {  	_ =	shalt  }
0x52: {  	_ =	shalt  }
0x53: {  	_ =	shalt  }
0x54: {  	_ =	shalt  }
0x55: {  	_ =	shalt  }
0x56: {  	_ =	shalt  }
0x57: {  	_ =	shalt  }
0x58: {  	_ =	shalt  }
0x59: {  	_ =	shalt  }
0x5a: {  	_ =	shalt  }
0x5b: {  	_ =	shalt  }
0x5c: {  	_ =	shalt  }
0x5d: {  	_ =	shalt  }
0x5e: {  	_ =	shalt  }
0x5f: {  	_ =	shalt  }
0x60: {  	_ =	shalt  }
0x61: {  	_ =	shalt  }
0x62: {  	_ =	shalt  }
0x63: {  	_ =	shalt  }
0x64: {  	_ =	shalt  }
0x65: {  	_ =	shalt  }
0x66: {  	_ =	shalt  }
0x67: {  	_ =	shalt  }
0x68: {  	_ =	shalt  }
0x69: {  	_ =	shalt  }
0x6a: {  	_ =	shalt  }
0x6b: {  	_ =	shalt  }
0x6c: {  	_ =	shalt  }
0x6d: {  	_ =	shalt  }
0x6e: {  	_ =	shalt  }
0x6f: {  	_ =	shalt  }
0x70: {  	_ =	shalt  }
0x71: {  	_ =	shalt  }
0x72: {  	_ =	shalt  }
0x73: {  	_ =	shalt  }
0x74: {  	_ =	shalt  }
0x75: {  	_ =	shalt  }
0x76: {  	_ =	shalt  }
0x77: {  	_ =	shalt  }
0x78: {  	_ =	shalt  }
0x79: {  	_ =	shalt  }
0x7a: {  	_ =	shalt  }
0x7b: {  	_ =	shalt  }
0x7c: {  	_ =	shalt  }
0x7d: {  	_ =	shalt  }
0x7e: {  	_ =	shalt  }
0x7f: {  	_ =	shalt  }
0x80: {  	_ =	shalt  }
0x81: {  	_ =	shalt  }
0x82: {  	_ =	shalt  }
0x83: {  	_ =	shalt  }
0x84: {  	_ =	shalt  }
0x85: {  	_ =	shalt  }
0x86: {  	_ =	shalt  }
0x87: {  	_ =	shalt  }
.Lfunc_end0:
.L_simem_size_0:
called_computation_lowered:
.L_overlay_start_0:
0x88: {  	s2 =	sld [smem:$0x3FD9]  }
0x89: {  	s3 =	sld [smem:$0x3FFE];
	_ =	sdelay $0x1  }
0x8a: {  	s1 =	srdreg.scid  }
0x8b: {  	s0 =	sand.u32 $0x1, s1  }
0x8c: {  	s18 =	sshll.u32 s0, $0xA;
	s2 =	sadd.s32 s3, s2  }
0x8d: {  	s2 =	sadd.s32 s2, s18  }
0x8e: {  	[smem:$0x3FC6] =	sst s2  }
0x8f: {  	_ = 	snop  }
0x90: {  	s2 =	sld [smem:$0x3FC9]  }
0x91: {  	s19 =	sld [smem:$0x3FC8]  }
0x92: {  	s4 =	sld [smem:$0x3FD0];
	(tm) =	ssettm $0x1  }
0x93: {  	s5 =	sld [smem:$0x3FFB];
	_ =	sdelay $0x3  }
0x94: {  	_ =	strace s5  }
0x95: {  	s5 =	sld [smem:$0x3FFC];
	_ =	sdelay $0x3  }
0x96: {  	_ =	strace s5  }
0x97: {  	s5 =	sld [smem:$0x3FFD];
	_ =	sdelay $0x3  }
0x98: {  	_ =	strace s5  }
0x99: {  	_ =	strace $0x8FFFFFFF  }
0x9a: {  	s20 =	sld [smem:$0x3FDB];
	_ =	sdelay $0x1  }
0x9b: {  	s6 =	simm.s32 $_scs_section_size  }
0x9c: {  	s7 =	simm.s32 $_size__tile_overlayer_lowered;
	s8 =	simm.s32 $_tile_overlayer_lowered  }
0x9d: {  	s23 =	simm.s32 $0x1BFF;
	s22 =	sshll.u32 s8, $0x1;
	s5 =	sadd.s32 s6, s20  }
0x9e: {  	s9 =	simm.s32 $0x0;
	s21 =	sshll.u32 s7, $0x1;
	s7 =	sadd.s32 s22, s5  }
0x9f: {  	[timem:s9], [sflag:s23] =	dma.local [hbm:s7], s21  }
0xa0: {  	_ =	swait.ge [sflag:s23], s21  }
0xa1: {  	s6 =	ssub.s32 $0x0, s21;
	[sflag:s23] =	ssyncset.done $0x0  }
0xa2: {  	[sflag:s23] =	ssyncadd.s32 s6;
	_ =	sdelay $0x1  }
0xa3: {  	s24 =	simm.s32 $0x1B8B  }
0xa4: {  	_ =	swait.ge [sflag:s24], $0x1  }
0xa5: {  	[sflag:s24] =	ssyncset.done $0x0  }
0xa6: {  	s25 =	simm.s32 $0x1B8E;
	[sflag:s24] =	ssyncadd.s32 $0xFFFFFFFF  }
0xa7: {  	s26 =	simm.s32 $execute0_lowered;
	[smem:$0x3FD2] =	sst s25  }
0xa8: {  	s6 =	sshll.u32 s26, $0x1;
	_ =	strace $0x80000046;
	[dreg:$0x1] =	wrdreg $0xFFFFFFFF  }
0xa9: {  	s28 =	simm.s32 $_size_execute0_lowered;
	s5 =	sadd.s32 s5, s6;
	[dreg:$0x0] =	wrdreg $0x0  }
0xaa: {  	s6 =	sshll.u32 s28, $0x1;
	[dreg:$0x2] =	wrdreg s5  }
0xab: {  	[dreg:$0x3] =	wrdreg s6  }
0xac: {  	[dreg:$0x4] =	wrdreg $0xC0  }
0xad: {  	_ =	task [dreg:s9], $0x5FFFF  }
0xae: {  	[dreg:$0x1] =	wrdreg $0xFFFFFFFF  }
0xaf: {  	[dreg:$0x0] =	wrdreg $0x60  }
0xb0: {  	[dreg:$0x2] =	wrdreg s2  }
0xb1: {  	[dreg:$0x3] =	wrdreg s19  }
0xb2: {  	[dreg:$0x4] =	wrdreg s4  }
0xb3: {  	[dreg:$0x5] =	wrdreg $0x9  }
0xb4: {  	_ =	task.clear_ibuf [dreg:s9], $0x6FFFF;
	_ =	strace $0x90000046  }
0xb5: {  	s29 =	simm.s32 $0x9;
	_ =	strace $0x80000048  }
0xb6: {  	_ =	swait.ge [sflag:s29], $0x1  }
0xb7: {  	[sflag:s29] =	ssyncadd.s32 $0xFFFFFFFF  }
0xb8: {  	_ =	strace $0x90000048  }
0xb9: {  	_ =	sfence  }
0xba: {  	s30 =	sld [smem:$0x0];
	_ =	sdelay $0x2  }
0xbb: {  	s31 =	sshll.u32 s1, $0xD;
	s1 =	sshrl.u32 s1, $0x2  }
0xbc: {  	s3 =	sand.u32 $0x4000, s31;
	s1 =	sadd.s32 s1, s30  }
0xbd: {  	s0 =	sor.u32 s3, s0;
	s1 =	sshll.u32 s1, $0x11  }
0xbe: {  	s0 =	sor.u32 s1, s0  }
0xbf: {  	s0 =	sadd.s32 $0x8F2B, s0  }
0xc0: {  	[sflag:s0] =	ssyncadd.remote.s32 $0x1  }
0xc1: {  	_ =	sfence.sel $0xFFFF  }
0xc2: {  	[dreg:$0x0] =	wrdreg $0xFFFFFFFF;
	(pc) =	sbr.abs _section_cstart, $3  }
0xc3: {  	[dreg:$0x1] =	wrdreg $0xFFFFFFFF  }
0xc4: {  	_ =	task.clear_ibuf [dreg:s9], $0x2FFFF;
	_ =	strace $0x9FFFFFFF  }
0xc5: {  	(tm) =	ssettm $0x7FFFFFFF  }
tec
execute0_lowered:
.L_overlay_start_1:
0x0: {  	(tag) =	ssettag $0x1  }
0x1: {  	s1 =	rddreg [dreg:$0x0]  }
0x2: {  	s9 =	rddreg [dreg:$0x1]  }
0x3: {  	s3 =	rddreg [dreg:$0x2];
	s5 =	simm.s32 $0x0;
	s0 =	srdreg.scid  }
0x4: {  	s4 =	stileid.u32;
	s31 =	simm.s32 $0x3;
	s0 =	sand.u32 $0x1, s0  }
0x5: {  	s4 =	sshll.u32 s4, $0x9;
	s2 =	ssub.s32 $0x2, s0;
	s0 =	sshll.u32 s0, $0x8  }
0x6: {  	[smem:$0x7FF] =	sst s5;
	s7 =	sshrl.u32 s2, $0x1;
	s6 =	sor.u32 s0, s4  }
0x7: {  	_ =	strace $0x80000047;
	s20 =	ssub.s32 s2, s7;
	s21 =	sshll.u32 s6, $0x7  }
0x8: {  	s7 =	sor.u32 $0x2000, s6;
	s11 =	sor.u32 $0x4000, s6;
	s22 =	sadd.s32 s9, s21  }
0x9: {  	s12 =	sor.u32 $0x6000, s6;
	s10 =	sadd.s32 s1, s21;
	[dreg:$0x4] =	wrdreg s22  }
0xa: {  	s23 =	sshll.u32 s7, $0x7;
	s0 =	smax.u32 s20, $0x1;
	[dreg:$0x5] =	wrdreg s10  }
0xb: {  	s8 =	sshll.u32 s12, $0x7;
	s4 =	sadd.s32 s1, s23;
	[dreg:$0xe] =	wrdreg s0  }
0xc: {  	s2 =	sor.u32 $0x400, s21;
	s25 =	sadd.s32 s1, s8;
	[dreg:$0x6] =	wrdreg s4  }
0xd: {  	s24 =	sshll.u32 s11, $0x7;
	s26 =	sadd.s32 s9, s2;
	[dreg:$0x8] =	wrdreg s25  }
0xe: {  	s2 =	sadd.s32 s1, s2;
	s28 =	sadd.s32 $0x100400, s10;
	[dreg:$0x9] =	wrdreg s26  }
.Ltmp0:
0xf: {  	s29 =	sadd.s32 $0x200400, s10;
	[dreg:$0xa] =	wrdreg s2;
	(pc) =	sbr.rel .LBB2_1-.Ltmp0, $4  }
0x10: {  	s30 =	sadd.s32 $0x300400, s10;
	s0 =	simm.s32 $0x1;
	[dreg:$0xb] =	wrdreg s28  }
0x11: {  	s23 =	simm.s32 $0x16000;
	s8 =	simm.s32 $0x2;
	[dreg:$0xc] =	wrdreg s29  }
0x12: {  	s10 =	simm.s32 $0x5;
	s4 =	sadd.s32 s1, s24;
	[dreg:$0xd] =	wrdreg s30  }
0x13: {  	s24 =	simm.s32 $0x4;
	[dreg:$0x7] =	wrdreg s4;
	s4 =	simm.s32 $0x0  }
.LBB2_8:
0x14: {  	_ =	swait.ge [sflag:s10], $0x2000  }
0x15: {  	[sflag:s10] =	ssyncset.done $0x0  }
0x16: {  	[sflag:s10] =	ssyncadd.s32 $0xFFFFE000  }
0x17: {  	_ =	swait.ge [sflag:s10], $0x2000  }
0x18: {  	[sflag:s10] =	ssyncset.done $0x0  }
0x19: {  	[sflag:s10] =	ssyncadd.s32 $0xFFFFE000  }
0x1a: {  	_ =	swait.ge [sflag:s10], $0x2000  }
0x1b: {  	[sflag:s10] =	ssyncset.done $0x0  }
0x1c: {  	[sflag:s10] =	ssyncadd.s32 $0xFFFFE000  }
0x1d: {  	_ =	swait.ge [sflag:s10], $0x2000  }
0x1e: {  	s4 =	rddreg [dreg:$0xf]  }
0x1f: {  	s2 =	rddreg [dreg:$0xe];
	s4 =	sadd.s32 $0x1, s4  }
0x20: {  	p0 =	sne.s32 s4, s2  }
.Ltmp1:
0x21: {  	_ = 	snop;
	(pc) =	sbr.rel @!p0 .LBB2_9-.Ltmp1, $3  }
0x22: {  	_ =	sdelay $0x1  }
0x23: {  	[sflag:s10] =	ssyncset.done $0x0  }
0x24: {  	[sflag:s10] =	ssyncadd.s32 $0xFFFFE000  }
.LBB2_1:
0x25: {  	[dreg:$0xf] =	wrdreg s4  }
0x26: {  	s2 =	rddreg [dreg:$0x4];
	s30 =	simm.s32 $0x18000  }
0x27: {  	[tilespmem:s30], [sflag:$0x3] =	stream.linear.gather [hbm4b:s2+s5], $0x2000, $0x38;
	[tilespmem:$0x1C000] =	vst v63  }
0x28: {  	s4 =	rddreg [dreg:$0x5]  }
0x29: {  	[tilespmem:s5], [sflag:$0x1] =	stream.linear.gather [hbm4b:s4+s5], $0x2000, $0x38;
	[tilespmem:$0x1C000] =	vst v63  }
0x2a: {  	s9 =	rddreg [dreg:$0x6];
	s13 =	simm.s32 $0x4000  }
0x2b: {  	[tilespmem:s13], [sflag:$0x1] =	stream.linear.gather [hbm4b:s9+s5], $0x2000, $0x38;
	[tilespmem:$0x1C000] =	vst v63  }
0x2c: {  	s14 =	rddreg [dreg:$0x7];
	s15 =	simm.s32 $0x8000  }
0x2d: {  	[tilespmem:s15], [sflag:$0x1] =	stream.linear.gather [hbm4b:s14+s5], $0x2000, $0x38;
	[tilespmem:$0x1C000] =	vst v63  }
0x2e: {  	s16 =	rddreg [dreg:$0x8];
	s17 =	simm.s32 $0xC000  }
0x2f: {  	[tilespmem:s17], [sflag:$0x1] =	stream.linear.gather [hbm4b:s16+s5], $0x2000, $0x38;
	[tilespmem:$0x1C000] =	vst v63  }
0x30: {  	s18 =	rddreg [dreg:$0x9];
	s19 =	simm.s32 $0x1A000  }
0x31: {  	[tilespmem:s19], [sflag:$0x4] =	stream.linear.gather [hbm4b:s18+s5], $0x2000, $0x38;
	[tilespmem:$0x1C000] =	vst v63  }
0x32: {  	s20 =	rddreg [dreg:$0xa];
	s21 =	simm.s32 $0x2000  }
0x33: {  	[tilespmem:s21], [sflag:$0x2] =	stream.linear.gather [hbm4b:s20+s5], $0x2000, $0x38;
	[tilespmem:$0x1C000] =	vst v63  }
0x34: {  	s22 =	rddreg [dreg:$0xb];
	s25 =	simm.s32 $0x6000  }
0x35: {  	[tilespmem:s25], [sflag:$0x2] =	stream.linear.gather [hbm4b:s22+s5], $0x2000, $0x38;
	[tilespmem:$0x1C000] =	vst v63  }
0x36: {  	s26 =	rddreg [dreg:$0xc];
	s28 =	simm.s32 $0xA000  }
0x37: {  	[tilespmem:s28], [sflag:$0x2] =	stream.linear.gather [hbm4b:s26+s5], $0x2000, $0x38;
	[tilespmem:$0x1C000] =	vst v63  }
0x38: {  	s29 =	rddreg [dreg:$0xd];
	s30 =	simm.s32 $0xE000;
	s14 =	simm.s32 $0x0  }
0x39: {  	[tilespmem:s30], [sflag:$0x2] =	stream.linear.gather [hbm4b:s29+s5], $0x2000, $0x38;
	[tilespmem:$0x1C000] =	vst v63  }
.LBB2_2:
0x3a: {  	_ =	swait.ge [sflag:s31], $0x2000  }
0x3b: {  	[sflag:s31] =	ssyncset.done $0x0  }
0x3c: {  	[sflag:s31] =	ssyncadd.s32 $0xFFFFE000  }
0x3d: {  	_ =	swait.ge [sflag:s0], $0x2000  }
0x3e: {  	[sflag:s0] =	ssyncset.done $0x0  }
0x3f: {  	[sflag:s0] =	ssyncadd.s32 $0xFFFFE000  }
0x40: {  	_ =	swait.ge [sflag:s0], $0x2000  }
0x41: {  	[sflag:s0] =	ssyncset.done $0x0  }
0x42: {  	[sflag:s0] =	ssyncadd.s32 $0xFFFFE000  }
0x43: {  	_ =	swait.ge [sflag:s0], $0x2000  }
0x44: {  	[sflag:s0] =	ssyncset.done $0x0  }
0x45: {  	[sflag:s0] =	ssyncadd.s32 $0xFFFFE000  }
0x46: {  	_ =	swait.ge [sflag:s0], $0x2000  }
0x47: {  	p0 =	seq.s32 s14, $0x0;
	[sflag:s0] =	ssyncset.done $0x0  }
0x48: {  	s2 =	simm.s32 @!p0 $0x5;
	[sflag:s0] =	ssyncadd.s32 $0xFFFFE000  }
0x49: {  	_ =	swait.ge @!p0 [sflag:s2], $0x2000  }
0x4a: {  	[sflag:s2] =	ssyncset.done @!p0 $0x0  }
0x4b: {  	[sflag:s2] =	ssyncadd.s32 @!p0 $0xFFFFE000  }
0x4c: {  	_ =	swait.ge @!p0 [sflag:s2], $0x2000  }
0x4d: {  	[sflag:s2] =	ssyncset.done @!p0 $0x0  }
0x4e: {  	[sflag:s2] =	ssyncadd.s32 @!p0 $0xFFFFE000  }
0x4f: {  	_ =	swait.ge @!p0 [sflag:s2], $0x2000  }
0x50: {  	[sflag:s2] =	ssyncset.done @!p0 $0x0  }
0x51: {  	[sflag:s2] =	ssyncadd.s32 @!p0 $0xFFFFE000  }
0x52: {  	s9 =	simm.s32 $0x0;
	_ =	swait.ge @!p0 [sflag:s2], $0x2000  }
0x53: {  	s13 =	sand.u32 $0x1C00, s9;
	s15 =	sand.u32 $0x380, s9;
	[sflag:s2] =	ssyncset.done @!p0 $0x0  }
0x54: {  	s17 =	sor.u32 s15, s13;
	[sflag:s2] =	ssyncadd.s32 @!p0 $0xFFFFE000  }
0x55: {  	v0 =	vld [tilespmem:s17+$0x0]  }
0x56: {  	v1 =	vld [tilespmem:s17+$0x20]  }
0x57: {  	v18 =	vld [tilespmem:s17+$0x18000]  }
0x58: {  	v2 =	vld [tilespmem:s17+$0x30]  }
0x59: {  	v20 =	vld [tilespmem:s17+$0x18030]  }
0x5a: {  	v21 =	vld [tilespmem:s17+$0x18050]  }
0x5b: {  	v22 =	vld [tilespmem:s17+$0x18040]  }
0x5c: {  	v3 =	vld [tilespmem:s17+$0x40]  }
0x5d: {  	v4 =	vld [tilespmem:s17+$0x10]  }
0x5e: {  	v17 =	vld [tilespmem:s17+$0x18010]  }
0x5f: {  	v19 =	vld [tilespmem:s17+$0x18020]  }
0x60: {  	v5 =	vld [tilespmem:s17+$0x50]  }
0x61: {  	s18 =	sor.u32 s13, s9;
	v6 =	vld [tilespmem:s17+$0x60];
	v7 =	vadd.f32 v0, v18  }
0x62: {  	s16 =	sor.u32 $0x70, s18;
	v23 =	vld [tilespmem:s17+$0x18060];
	v3 =	vadd.f32 v3, v22  }
0x63: {  	v0 =	vld [tilespmem:s16+$0x18000];
	v4 =	vadd.f32 v4, v17;
	[tilespmem:s17+$0x10000] =	vst v7  }
0x64: {  	v2 =	vadd.f32 v2, v20;
	[tilespmem:s17+$0x10040] =	vst v3  }
0x65: {  	v1 =	vadd.f32 v1, v19;
	[tilespmem:s17+$0x10010] =	vst v4  }
0x66: {  	v3 =	vadd.f32 v5, v21;
	[tilespmem:s17+$0x10030] =	vst v2  }
0x67: {  	v2 =	vadd.f32 v6, v23;
	[tilespmem:s17+$0x10020] =	vst v1  }
0x68: {  	[tilespmem:s17+$0x10050] =	vst v3  }
0x69: {  	s19 =	simm.s32 $0x10;
	s20 =	simm.s32 $0x400;
	[tilespmem:s17+$0x10060] =	vst v2  }
0x6a: {  	s21 =	sand.u32 $0x380, s19;
	s9 =	sand.u32 $0x1C00, s20;
	v1 =	vld [tilespmem:s16+$0x0]  }
0x6b: {  	s18 =	sor.u32 s21, s9  }
0x6c: {  	v11 =	vld [tilespmem:s18+$0x0]  }
0x6d: {  	v12 =	vld [tilespmem:s18+$0x20]  }
0x6e: {  	v13 =	vld [tilespmem:s18+$0x30]  }
0x6f: {  	v15 =	vld [tilespmem:s18+$0x40];
	v1 =	vadd.f32 v1, v0  }
0x70: {  	v16 =	vld [tilespmem:s18+$0x60]  }
0x71: {  	v4 =	vld [tilespmem:s18+$0x18030];
	[tilespmem:s16+$0x10000] =	vst v1  }
0x72: {  	v1 =	vld [tilespmem:s17+$0x4000]  }
0x73: {  	v6 =	vld [tilespmem:s18+$0x18050]  }
0x74: {  	v7 =	vld [tilespmem:s17+$0x4020]  }
0x75: {  	v5 =	vld [tilespmem:s17+$0x4030]  }
0x76: {  	v9 =	vld [tilespmem:s17+$0x4040]  }
0x77: {  	v8 =	vld [tilespmem:s17+$0x4050];
	v1 =	vadd.f32 v1, v18  }
0x78: {  	v10 =	vld [tilespmem:s17+$0x4060]  }
0x79: {  	v14 =	vadd.f32 v7, v19;
	[tilespmem:s17+$0x12000] =	vst v1;
	v1 =	vld [tilespmem:s17+$0x4010]  }
0x7a: {  	v2 =	vld [tilespmem:s18+$0x18000];
	v5 =	vadd.f32 v5, v20  }
0x7b: {  	v7 =	vld [tilespmem:s18+$0x18040];
	v9 =	vadd.f32 v9, v22;
	[tilespmem:s17+$0x12020] =	vst v14  }
0x7c: {  	v8 =	vadd.f32 v8, v21;
	v14 =	vld [tilespmem:s18+$0x10];
	[tilespmem:s17+$0x12030] =	vst v5  }
0x7d: {  	v10 =	vadd.f32 v10, v23;
	[tilespmem:s17+$0x12040] =	vst v9;
	v9 =	vld [tilespmem:s18+$0x50]  }
0x7e: {  	v5 =	vld [tilespmem:s18+$0x18010];
	[tilespmem:s17+$0x12050] =	vst v8;
	v1 =	vadd.f32 v1, v17  }
0x7f: {  	s2 =	sor.u32 s9, s19;
	v3 =	vld [tilespmem:s18+$0x18020];
	[tilespmem:s17+$0x12060] =	vst v10;
	v10 =	vadd.f32 v11, v2  }
0x80: {  	s19 =	sor.u32 $0x70, s2;
	v8 =	vld [tilespmem:s18+$0x18060];
	v11 =	vadd.f32 v15, v7;
	[tilespmem:s17+$0x12010] =	vst v1  }
0x81: {  	v13 =	vadd.f32 v13, v4;
	v1 =	vld [tilespmem:s19+$0x18000];
	[tilespmem:s18+$0x10000] =	vst v10  }
0x82: {  	v9 =	vadd.f32 v9, v6;
	[tilespmem:s18+$0x10040] =	vst v11  }
0x83: {  	v10 =	vadd.f32 v14, v5;
	[tilespmem:s18+$0x10030] =	vst v13  }
0x84: {  	s22 =	simm.s32 $0x20;
	s25 =	simm.s32 $0x800;
	v12 =	vadd.f32 v12, v3;
	[tilespmem:s18+$0x10050] =	vst v9;
	v11 =	vld [tilespmem:s16+$0x4000]  }
0x85: {  	s26 =	sand.u32 $0x380, s22;
	s9 =	sand.u32 $0x1C00, s25;
	[tilespmem:s18+$0x10010] =	vst v10;
	v10 =	vadd.f32 v16, v8  }
0x86: {  	s20 =	sor.u32 s26, s9;
	[tilespmem:s18+$0x10020] =	vst v12  }
0x87: {  	v30 =	vld [tilespmem:s20+$0x0];
	[tilespmem:s18+$0x10060] =	vst v10  }
0x88: {  	v10 =	vld [tilespmem:s19+$0x0]  }
0x89: {  	v31 =	vld [tilespmem:s20+$0x20];
	v9 =	vadd.f32 v11, v0  }
0x8a: {  	v55 =	vld [tilespmem:s20+$0x40]  }
0x8b: {  	v56 =	vld [tilespmem:s20+$0x10];
	[tilespmem:s16+$0x12000] =	vst v9  }
0x8c: {  	v14 =	vld [tilespmem:s17+$0x8000]  }
0x8d: {  	v11 =	vld [tilespmem:s17+$0x8010];
	v9 =	vadd.f32 v10, v1  }
0x8e: {  	v13 =	vld [tilespmem:s17+$0x8020]  }
0x8f: {  	v16 =	vld [tilespmem:s17+$0x8030];
	[tilespmem:s19+$0x10000] =	vst v9  }
0x90: {  	v9 =	vld [tilespmem:s18+$0x4000]  }
0x91: {  	v10 =	vld [tilespmem:s18+$0x4030]  }
0x92: {  	v25 =	vld [tilespmem:s18+$0x4050]  }
0x93: {  	v27 =	vld [tilespmem:s18+$0x4060]  }
0x94: {  	v12 =	vld [tilespmem:s18+$0x4020];
	v16 =	vadd.f32 v16, v20  }
0x95: {  	v26 =	vld [tilespmem:s18+$0x4040];
	v9 =	vadd.f32 v9, v2  }
0x96: {  	v29 =	vld [tilespmem:s18+$0x4010];
	[tilespmem:s17+$0x14030] =	vst v16;
	v10 =	vadd.f32 v10, v4  }
0x97: {  	v15 =	vld [tilespmem:s17+$0x8060];
	v25 =	vadd.f32 v25, v6;
	[tilespmem:s18+$0x12000] =	vst v9  }
0x98: {  	v24 =	vld [tilespmem:s17+$0x8040];
	v27 =	vadd.f32 v27, v8;
	[tilespmem:s18+$0x12030] =	vst v10  }
0x99: {  	v28 =	vld [tilespmem:s17+$0x8050];
	v9 =	vadd.f32 v12, v3;
	[tilespmem:s18+$0x12050] =	vst v25  }
0x9a: {  	v54 =	vadd.f32 v11, v17;
	v11 =	vld [tilespmem:s20+$0x18020];
	v12 =	vadd.f32 v26, v7;
	[tilespmem:s18+$0x12060] =	vst v27  }
0x9b: {  	v16 =	vadd.f32 v14, v18;
	v14 =	vld [tilespmem:s20+$0x18010];
	v25 =	vadd.f32 v29, v5;
	[tilespmem:s18+$0x12020] =	vst v9  }
0x9c: {  	v26 =	vld [tilespmem:s20+$0x30];
	[tilespmem:s18+$0x12040] =	vst v12  }
0x9d: {  	v15 =	vadd.f32 v15, v23;
	v10 =	vld [tilespmem:s20+$0x18030];
	[tilespmem:s18+$0x12010] =	vst v25  }
0x9e: {  	v24 =	vadd.f32 v24, v22;
	[tilespmem:s17+$0x14010] =	vst v54;
	v25 =	vld [tilespmem:s19+$0x4000]  }
0x9f: {  	[tilespmem:s17+$0x14060] =	vst v15;
	v27 =	vadd.f32 v13, v19;
	v9 =	vld [tilespmem:s20+$0x18000]  }
0xa0: {  	v15 =	vadd.f32 v28, v21;
	[tilespmem:s17+$0x14040] =	vst v24;
	v12 =	vld [tilespmem:s20+$0x18050]  }
0xa1: {  	[tilespmem:s17+$0x14020] =	vst v27;
	v27 =	vld [tilespmem:s20+$0x50]  }
0xa2: {  	v24 =	vld [tilespmem:s20+$0x60];
	[tilespmem:s17+$0x14050] =	vst v15  }
0xa3: {  	[tilespmem:s17+$0x14000] =	vst v16;
	v15 =	vld [tilespmem:s20+$0x18060];
	v16 =	vadd.f32 v25, v1  }
0xa4: {  	s2 =	sor.u32 s9, s22;
	v57 =	vld [tilespmem:s16+$0x8000];
	v25 =	vadd.f32 v30, v9  }
0xa5: {  	s9 =	sor.u32 $0x70, s2;
	v13 =	vld [tilespmem:s20+$0x18040];
	v26 =	vadd.f32 v26, v10;
	[tilespmem:s19+$0x12000] =	vst v16  }
0xa6: {  	v27 =	vadd.f32 v27, v12;
	v16 =	vld [tilespmem:s9+$0x18000];
	[tilespmem:s20+$0x10000] =	vst v25  }
0xa7: {  	v25 =	vadd.f32 v56, v14;
	[tilespmem:s20+$0x10030] =	vst v26;
	v58 =	vld [tilespmem:s18+$0x8000]  }
0xa8: {  	v24 =	vadd.f32 v24, v15;
	[tilespmem:s20+$0x10050] =	vst v27;
	v26 =	vld [tilespmem:s18+$0x8060]  }
0xa9: {  	v30 =	vadd.f32 v57, v0;
	[tilespmem:s20+$0x10010] =	vst v25;
	v25 =	vld [tilespmem:s18+$0x8020]  }
0xaa: {  	v29 =	vadd.f32 v55, v13;
	[tilespmem:s20+$0x10060] =	vst v24;
	v24 =	vld [tilespmem:s18+$0x8040]  }
0xab: {  	v31 =	vadd.f32 v31, v11;
	[tilespmem:s16+$0x14000] =	vst v30;
	v27 =	vld [tilespmem:s18+$0x8030]  }
0xac: {  	[tilespmem:s20+$0x10040] =	vst v29;
	v61 =	vld [tilespmem:s17+$0xC060]  }
0xad: {  	[tilespmem:s20+$0x10020] =	vst v31;
	v60 =	vld [tilespmem:s18+$0x8050];
	v26 =	vadd.f32 v26, v8  }
0xae: {  	v32 =	vld [tilespmem:s9+$0x0];
	v25 =	vadd.f32 v25, v3  }
0xaf: {  	v59 =	vld [tilespmem:s18+$0x8010];
	v24 =	vadd.f32 v24, v7;
	[tilespmem:s18+$0x14060] =	vst v26  }
0xb0: {  	v30 =	vld [tilespmem:s17+$0xC030];
	[tilespmem:s18+$0x14020] =	vst v25;
	v25 =	vadd.f32 v27, v4  }
0xb1: {  	v23 =	vadd.f32 v61, v23;
	v26 =	vld [tilespmem:s17+$0xC040];
	[tilespmem:s18+$0x14040] =	vst v24  }
0xb2: {  	v24 =	vld [tilespmem:s17+$0xC000];
	[tilespmem:s18+$0x14030] =	vst v25;
	v25 =	vadd.f32 v60, v6  }
0xb3: {  	v62 =	vadd.f32 v32, v16;
	[tilespmem:s17+$0x16060] =	vst v23;
	v27 =	vld [tilespmem:s17+$0xC050]  }
0xb4: {  	v29 =	vadd.f32 v59, v5;
	[tilespmem:s18+$0x14050] =	vst v25;
	v25 =	vld [tilespmem:s17+$0xC020]  }
0xb5: {  	v63 =	vld [tilespmem:s17+$0xC010];
	v23 =	vadd.f32 v30, v20;
	[tilespmem:s9+$0x10000] =	vst v62  }
0xb6: {  	[tilespmem:s18+$0x14010] =	vst v29;
	v31 =	vld [tilespmem:s20+$0x4000];
	v26 =	vadd.f32 v26, v22  }
0xb7: {  	[tilespmem:s17+$0x16030] =	vst v23;
	v20 =	vld [tilespmem:s20+$0x4050];
	v24 =	vadd.f32 v24, v18  }
0xb8: {  	v23 =	vld [tilespmem:s20+$0x4060];
	v27 =	vadd.f32 v27, v21;
	[tilespmem:s17+$0x16040] =	vst v26  }
0xb9: {  	s15 =	sshll.u32 s14, $0x4;
	v22 =	vld [tilespmem:s20+$0x4020];
	[tilespmem:s17+$0x16000] =	vst v24;
	v25 =	vadd.f32 v25, v19  }
0xba: {  	s30 =	simm.s32 $0x30;
	s29 =	simm.s32 $0xC00;
	s28 =	sadd.s32 s6, s15;
	v17 =	vadd.f32 v63, v17;
	v21 =	vld [tilespmem:s20+$0x4030];
	[tilespmem:s17+$0x16050] =	vst v27  }
0xbb: {  	s13 =	sadd.s32 s11, s15;
	s25 =	sadd.s32 s12, s15;
	s26 =	sadd.s32 s7, s15;
	v18 =	vadd.f32 v58, v2;
	v24 =	vadd.f32 v31, v9;
	v19 =	vld [tilespmem:s20+$0x4040];
	[tilespmem:s17+$0x16020] =	vst v25  }
.LBB2_3:
0xbc: {  	s4 =	sand.u32 $0x1C00, s29;
	s21 =	sand.u32 $0x380, s30;
	s22 =	smov.u32 s30  }
0xbd: {  	[tilespmem:s17+$0x16010] =	vst v17;
	s2 =	sadd.s32 $0x10, s30;
	s17 =	smov.u32 s18;
	s18 =	smov.u32 s20  }
0xbe: {  	p0 =	sne.s32 s30, $0x3F0;
	s20 =	sor.u32 s21, s4;
	s4 =	sor.u32 s4, s22;
	[tilespmem:s18+$0x12000] =	vst v24;
	v17 =	vadd.f32 v22, v11;
	v22 =	vld [tilespmem:s16+$0xC000]  }
0xbf: {  	v21 =	vadd.f32 v21, v10;
	v24 =	vld [tilespmem:s18+$0x4010];
	[tilespmem:s17+$0x14000] =	vst v18  }
0xc0: {  	v18 =	vld [tilespmem:s20+$0x0];
	[tilespmem:s18+$0x12020] =	vst v17;
	v19 =	vadd.f32 v19, v13  }
0xc1: {  	v20 =	vadd.f32 v20, v12;
	v25 =	vld [tilespmem:s20+$0x20]  }
0xc2: {  	v17 =	vld [tilespmem:s20+$0x18000];
	[tilespmem:s18+$0x12030] =	vst v21;
	v21 =	vadd.f32 v23, v15  }
0xc3: {  	v23 =	vld [tilespmem:s20+$0x30];
	[tilespmem:s18+$0x12040] =	vst v19;
	v19 =	vadd.f32 v22, v0;
	v0 =	vmov v1;
	v1 =	vmov v16  }
0xc4: {  	v22 =	vld [tilespmem:s20+$0x18030];
	[tilespmem:s18+$0x12050] =	vst v20  }
0xc5: {  	v16 =	vadd.f32 v24, v14;
	v20 =	vld [tilespmem:s20+$0x18050];
	[tilespmem:s16+$0x16000] =	vst v19;
	s16 =	smov.u32 s19;
	s19 =	smov.u32 s9  }
0xc6: {  	v19 =	vld [tilespmem:s20+$0x18020];
	[tilespmem:s18+$0x12060] =	vst v21  }
0xc7: {  	v21 =	vld [tilespmem:s20+$0x18040];
	[tilespmem:s18+$0x12010] =	vst v16  }
0xc8: {  	s9 =	sor.u32 $0x70, s4;
	v16 =	vld [tilespmem:s19+$0x4000]  }
0xc9: {  	v24 =	vld [tilespmem:s20+$0x50]  }
0xca: {  	v26 =	vld [tilespmem:s20+$0x40]  }
0xcb: {  	v27 =	vld [tilespmem:s20+$0x10];
	v25 =	vadd.f32 v25, v19  }
0xcc: {  	v28 =	vld [tilespmem:s20+$0x18010]  }
0xcd: {  	v29 =	vld [tilespmem:s20+$0x60];
	v16 =	vadd.f32 v16, v1  }
0xce: {  	v30 =	vld [tilespmem:s20+$0x18060];
	v24 =	vadd.f32 v24, v20  }
0xcf: {  	v18 =	vadd.f32 v18, v17;
	v26 =	vadd.f32 v26, v21;
	[tilespmem:s19+$0x12000] =	vst v16;
	v31 =	vld [tilespmem:s16+$0x8000]  }
0xd0: {  	v16 =	vld [tilespmem:s9+$0x18000]  }
0xd1: {  	[tilespmem:s20+$0x10000] =	vst v18;
	v18 =	vadd.f32 v27, v28;
	v27 =	vld [tilespmem:s18+$0x8000]  }
0xd2: {  	v23 =	vadd.f32 v23, v22;
	[tilespmem:s20+$0x10040] =	vst v26;
	v26 =	vld [tilespmem:s18+$0x8010]  }
0xd3: {  	[tilespmem:s20+$0x10010] =	vst v18;
	v32 =	vld [tilespmem:s18+$0x8020]  }
0xd4: {  	v18 =	vadd.f32 v29, v30;
	[tilespmem:s20+$0x10030] =	vst v23;
	v23 =	vld [tilespmem:s18+$0x8060];
	v29 =	vadd.f32 v31, v0  }
0xd5: {  	[tilespmem:s20+$0x10050] =	vst v24;
	v24 =	vld [tilespmem:s18+$0x8030]  }
0xd6: {  	[tilespmem:s20+$0x10060] =	vst v18;
	v18 =	vadd.f32 v27, v9;
	v27 =	vld [tilespmem:s18+$0x8040]  }
0xd7: {  	[tilespmem:s20+$0x10020] =	vst v25;
	v25 =	vadd.f32 v26, v14;
	v26 =	vld [tilespmem:s18+$0x8050]  }
0xd8: {  	v31 =	vld [tilespmem:s9+$0x0];
	v32 =	vadd.f32 v32, v11;
	[tilespmem:s16+$0x14000] =	vst v29  }
0xd9: {  	[tilespmem:s18+$0x14010] =	vst v25;
	v23 =	vadd.f32 v23, v15;
	v25 =	vld [tilespmem:s17+$0xC060]  }
0xda: {  	[tilespmem:s18+$0x14020] =	vst v32;
	v24 =	vadd.f32 v24, v10;
	v29 =	vld [tilespmem:s17+$0xC050]  }
0xdb: {  	v27 =	vadd.f32 v27, v13;
	[tilespmem:s18+$0x14060] =	vst v23;
	v23 =	vld [tilespmem:s17+$0xC040]  }
0xdc: {  	[tilespmem:s18+$0x14030] =	vst v24;
	v24 =	vadd.f32 v26, v12;
	v26 =	vld [tilespmem:s17+$0xC030]  }
0xdd: {  	v31 =	vadd.f32 v31, v16;
	[tilespmem:s18+$0x14040] =	vst v27;
	v27 =	vld [tilespmem:s17+$0xC000]  }
0xde: {  	[tilespmem:s18+$0x14050] =	vst v24;
	v24 =	vld [tilespmem:s17+$0xC020];
	v25 =	vadd.f32 v25, v8;
	v8 =	vmov v15;
	v15 =	vmov v30  }
0xdf: {  	[tilespmem:s9+$0x10000] =	vst v31;
	v30 =	vld [tilespmem:s17+$0xC010];
	v29 =	vadd.f32 v29, v6;
	v6 =	vmov v12;
	v12 =	vmov v20  }
0xe0: {  	v31 =	vld [tilespmem:s20+$0x4000];
	v20 =	vadd.f32 v23, v7;
	[tilespmem:s17+$0x16060] =	vst v25;
	v7 =	vmov v13;
	v13 =	vmov v21  }
.Ltmp2:
0xe1: {  	v21 =	vld [tilespmem:s20+$0x4030];
	v23 =	vadd.f32 v26, v4;
	[tilespmem:s17+$0x16050] =	vst v29;
	v4 =	vmov v10;
	v10 =	vmov v22;
	(pc) =	sbr.rel @p0 .LBB2_3-.Ltmp2, $4  }
0xe2: {  	v22 =	vld [tilespmem:s20+$0x4020];
	v25 =	vadd.f32 v27, v2;
	[tilespmem:s17+$0x16040] =	vst v20;
	v2 =	vmov v9;
	v9 =	vmov v17  }
0xe3: {  	v20 =	vld [tilespmem:s20+$0x4050];
	v26 =	vadd.f32 v24, v3;
	[tilespmem:s17+$0x16030] =	vst v23;
	v3 =	vmov v11;
	v11 =	vmov v19  }
0xe4: {  	v19 =	vld [tilespmem:s20+$0x4040];
	[tilespmem:s17+$0x16000] =	vst v25;
	v17 =	vadd.f32 v30, v5;
	v5 =	vmov v14;
	v14 =	vmov v28  }
0xe5: {  	s29 =	sadd.s32 $0x400, s29;
	s30 =	smov.u32 s2;
	v24 =	vadd.f32 v31, v9;
	v23 =	vld [tilespmem:s20+$0x4060];
	[tilespmem:s17+$0x16020] =	vst v26  }
0xe6: {  	_ = 	snop  }
0xe7: {  	v21 =	vadd.f32 v21, v10;
	[tilespmem:s20+$0x12000] =	vst v24;
	v24 =	vld [tilespmem:s20+$0x4010]  }
0xe8: {  	v22 =	vadd.f32 v22, v11  }
0xe9: {  	v20 =	vadd.f32 v20, v12;
	[tilespmem:s20+$0x12030] =	vst v21  }
0xea: {  	[tilespmem:s20+$0x12020] =	vst v22;
	v19 =	vadd.f32 v19, v13  }
0xeb: {  	v21 =	vadd.f32 v23, v15;
	[tilespmem:s20+$0x12050] =	vst v20  }
0xec: {  	[tilespmem:s20+$0x12040] =	vst v19;
	v19 =	vadd.f32 v24, v14  }
0xed: {  	[tilespmem:s20+$0x12060] =	vst v21  }
0xee: {  	[tilespmem:s20+$0x12010] =	vst v19  }
0xef: {  	v19 =	vld [tilespmem:s9+$0x4000];
	_ =	sdelay $0x4  }
0xf0: {  	v19 =	vadd.f32 v19, v16;
	_ =	sdelay $0x1  }
0xf1: {  	[tilespmem:s9+$0x12000] =	vst v19  }
0xf2: {  	v19 =	vld [tilespmem:s20+$0x8010]  }
0xf3: {  	v20 =	vld [tilespmem:s20+$0x8020]  }
0xf4: {  	[tilespmem:s18+$0x14000] =	vst v18;
	v18 =	vld [tilespmem:s20+$0x8000]  }
0xf5: {  	v21 =	vld [tilespmem:s20+$0x8060]  }
0xf6: {  	v22 =	vld [tilespmem:s20+$0x8030]  }
0xf7: {  	v23 =	vld [tilespmem:s20+$0x8040];
	v19 =	vadd.f32 v19, v14  }
0xf8: {  	v24 =	vld [tilespmem:s20+$0x8050];
	v20 =	vadd.f32 v20, v11  }
0xf9: {  	v25 =	vld [tilespmem:s19+$0x8000];
	v18 =	vadd.f32 v18, v9;
	[tilespmem:s20+$0x14010] =	vst v19  }
0xfa: {  	v19 =	vadd.f32 v21, v15;
	[tilespmem:s20+$0x14020] =	vst v20  }
0xfb: {  	v20 =	vadd.f32 v22, v10;
	[tilespmem:s20+$0x14000] =	vst v18  }
0xfc: {  	v21 =	vadd.f32 v23, v13;
	[tilespmem:s20+$0x14060] =	vst v19  }
0xfd: {  	[tilespmem:s20+$0x14030] =	vst v20;
	v19 =	vadd.f32 v24, v12  }
0xfe: {  	[tilespmem:s20+$0x14040] =	vst v21;
	v20 =	vadd.f32 v25, v1  }
0xff: {  	[tilespmem:s20+$0x14050] =	vst v19  }
0x100: {  	[tilespmem:s19+$0x14000] =	vst v20;
	v18 =	vld [tilespmem:s9+$0x8000]  }
0x101: {  	v19 =	vld [tilespmem:s18+$0xC060]  }
0x102: {  	v20 =	vld [tilespmem:s18+$0xC050]  }
0x103: {  	v21 =	vld [tilespmem:s18+$0xC040]  }
0x104: {  	v22 =	vld [tilespmem:s18+$0xC030]  }
0x105: {  	v23 =	vld [tilespmem:s18+$0xC000];
	v18 =	vadd.f32 v18, v16  }
0x106: {  	[tilespmem:s17+$0x16010] =	vst v17;
	v17 =	vld [tilespmem:s18+$0xC020];
	v8 =	vadd.f32 v19, v8  }
0x107: {  	v6 =	vadd.f32 v20, v6;
	[tilespmem:s9+$0x14000] =	vst v18  }
0x108: {  	v19 =	vld [tilespmem:s18+$0xC010];
	v7 =	vadd.f32 v21, v7;
	[tilespmem:s18+$0x16060] =	vst v8  }
0x109: {  	v4 =	vadd.f32 v22, v4;
	[tilespmem:s18+$0x16050] =	vst v6;
	v8 =	vld [tilespmem:s20+$0xC060]  }
0x10a: {  	v2 =	vadd.f32 v23, v2;
	[tilespmem:s18+$0x16040] =	vst v7;
	v6 =	vld [tilespmem:s20+$0xC050]  }
0x10b: {  	v3 =	vadd.f32 v17, v3;
	[tilespmem:s18+$0x16030] =	vst v4;
	v7 =	vld [tilespmem:s20+$0xC040]  }
0x10c: {  	[tilespmem:s18+$0x16000] =	vst v2;
	v4 =	vld [tilespmem:s20+$0xC030]  }
0x10d: {  	[tilespmem:s18+$0x16020] =	vst v3;
	v3 =	vld [tilespmem:s20+$0xC020];
	v2 =	vadd.f32 v19, v5  }
0x10e: {  	v5 =	vld [tilespmem:s20+$0xC000];
	v8 =	vadd.f32 v8, v15  }
0x10f: {  	[tilespmem:s18+$0x16010] =	vst v2;
	v2 =	vld [tilespmem:s20+$0xC010];
	v6 =	vadd.f32 v6, v12  }
0x110: {  	v7 =	vadd.f32 v7, v13;
	[tilespmem:s20+$0x16060] =	vst v8  }
0x111: {  	v4 =	vadd.f32 v4, v10;
	[tilespmem:s20+$0x16050] =	vst v6  }
0x112: {  	v3 =	vadd.f32 v3, v11;
	[tilespmem:s20+$0x16040] =	vst v7  }
0x113: {  	v5 =	vadd.f32 v5, v9;
	[tilespmem:s20+$0x16030] =	vst v4  }
0x114: {  	[tilespmem:s20+$0x16020] =	vst v3;
	v2 =	vadd.f32 v2, v14  }
0x115: {  	v4 =	vld [tilespmem:s16+$0xC000];
	[tilespmem:s20+$0x16000] =	vst v5  }
0x116: {  	v3 =	vld [tilespmem:s19+$0xC000];
	[tilespmem:s20+$0x16010] =	vst v2  }
0x117: {  	v2 =	vld [tilespmem:s9+$0xC000];
	_ =	sdelay $0x2  }
0x118: {  	v0 =	vadd.f32 v4, v0  }
0x119: {  	v1 =	vadd.f32 v3, v1  }
0x11a: {  	[tilespmem:s16+$0x16000] =	vst v0;
	v0 =	vadd.f32 v2, v16  }
0x11b: {  	s2 =	sshll.u32 s28, $0x7;
	[tilespmem:s19+$0x16000] =	vst v1  }
0x11c: {  	s28 =	simm.s32 $0x10000;
	s30 =	sshll.u32 s26, $0x7;
	s2 =	sadd.s32 s3, s2;
	[tilespmem:s9+$0x16000] =	vst v0  }
0x11d: {  	[hbm4b:s2+s5] =	stream.linear.scatter [tilespmem:s28], [sflag:$0x5], $0x2000, $0x38;
	[tilespmem:$0x1C000] =	vst v63  }
0x11e: {  	s26 =	simm.s32 $0x12000;
	s4 =	sshll.u32 s13, $0x7;
	s2 =	sadd.s32 s3, s30  }
0x11f: {  	[hbm4b:s2+s5] =	stream.linear.scatter [tilespmem:s26], [sflag:$0x5], $0x2000, $0x38;
	[tilespmem:$0x1C000] =	vst v63  }
0x120: {  	s29 =	simm.s32 $0x14000;
	s9 =	sshll.u32 s25, $0x7;
	s2 =	sadd.s32 s3, s4  }
0x121: {  	[hbm4b:s2+s5] =	stream.linear.scatter [tilespmem:s29], [sflag:$0x5], $0x2000, $0x38;
	[tilespmem:$0x1C000] =	vst v63  }
0x122: {  	p0 =	seq.s32 s14, $0xF;
	s2 =	sadd.s32 s3, s9  }
0x123: {  	[hbm4b:s2+s5] =	stream.linear.scatter [tilespmem:s23], [sflag:$0x5], $0x2000, $0x38;
	[tilespmem:$0x1C000] =	vst v63  }
0x124: {  	s2 =	sadd.s32 @!p0 $0x10, s15  }
0x125: {  	s4 =	sadd.s32 @!p0 s6, s2  }
0x126: {  	s9 =	rddreg [dreg:$0x1];
	s4 =	sshll.u32 @!p0 s4, $0x7  }
0x127: {  	s13 =	simm.s32 @!p0 $0x0;
	s16 =	simm.s32 @!p0 $0x18000;
	s9 =	sadd.s32 @!p0 s9, s4  }
0x128: {  	[tilespmem:s16], [sflag:$0x3] =	stream.linear.gather @!p0 [hbm4b:s9+s13], $0x2000, $0x38;
	[tilespmem:$0x1C000] =	vst v63  }
0x129: {  	s4 =	sadd.s32 @!p0 s1, s4  }
0x12a: {  	[tilespmem:s13], [sflag:$0x1] =	stream.linear.gather @!p0 [hbm4b:s4+s13], $0x2000, $0x38;
	[tilespmem:$0x1C000] =	vst v63  }
0x12b: {  	s4 =	sadd.s32 @!p0 s7, s2  }
0x12c: {  	s4 =	sshll.u32 @!p0 s4, $0x7  }
0x12d: {  	s9 =	simm.s32 @!p0 $0x4000;
	s4 =	sadd.s32 @!p0 s1, s4  }
0x12e: {  	[tilespmem:s9], [sflag:$0x1] =	stream.linear.gather @!p0 [hbm4b:s4+s13], $0x2000, $0x38;
	[tilespmem:$0x1C000] =	vst v63  }
0x12f: {  	s4 =	sadd.s32 @!p0 s11, s2  }
0x130: {  	s2 =	sadd.s32 @!p0 s12, s2;
	s4 =	sshll.u32 @!p0 s4, $0x7  }
0x131: {  	s9 =	simm.s32 @!p0 $0x8000;
	s2 =	sshll.u32 @!p0 s2, $0x7;
	s4 =	sadd.s32 @!p0 s1, s4  }
0x132: {  	[tilespmem:s9], [sflag:$0x1] =	stream.linear.gather @!p0 [hbm4b:s4+s13], $0x2000, $0x38;
	[tilespmem:$0x1C000] =	vst v63  }
0x133: {  	s2 =	sadd.s32 @!p0 s1, s2;
	s4 =	simm.s32 @!p0 $0xC000  }
0x134: {  	[tilespmem:s4], [sflag:$0x1] =	stream.linear.gather @!p0 [hbm4b:s2+s13], $0x2000, $0x38;
	[tilespmem:$0x1C000] =	vst v63  }
0x135: {  	_ =	swait.ge [sflag:s24], $0x2000  }
0x136: {  	[sflag:s24] =	ssyncset.done $0x0  }
0x137: {  	[sflag:s24] =	ssyncadd.s32 $0xFFFFE000  }
0x138: {  	_ =	swait.ge [sflag:s8], $0x2000  }
0x139: {  	[sflag:s8] =	ssyncset.done $0x0  }
0x13a: {  	[sflag:s8] =	ssyncadd.s32 $0xFFFFE000  }
0x13b: {  	_ =	swait.ge [sflag:s8], $0x2000  }
0x13c: {  	[sflag:s8] =	ssyncset.done $0x0  }
0x13d: {  	[sflag:s8] =	ssyncadd.s32 $0xFFFFE000  }
0x13e: {  	_ =	swait.ge [sflag:s8], $0x2000  }
0x13f: {  	[sflag:s8] =	ssyncset.done $0x0  }
0x140: {  	[sflag:s8] =	ssyncadd.s32 $0xFFFFE000  }
0x141: {  	_ =	swait.ge [sflag:s8], $0x2000  }
0x142: {  	[sflag:s8] =	ssyncset.done $0x0  }
0x143: {  	[sflag:s8] =	ssyncadd.s32 $0xFFFFE000  }
0x144: {  	_ =	swait.ge [sflag:s10], $0x2000  }
0x145: {  	[sflag:s10] =	ssyncset.done $0x0  }
0x146: {  	[sflag:s10] =	ssyncadd.s32 $0xFFFFE000  }
0x147: {  	_ =	swait.ge [sflag:s10], $0x2000  }
0x148: {  	[sflag:s10] =	ssyncset.done $0x0  }
0x149: {  	[sflag:s10] =	ssyncadd.s32 $0xFFFFE000  }
0x14a: {  	_ =	swait.ge [sflag:s10], $0x2000  }
0x14b: {  	[sflag:s10] =	ssyncset.done $0x0  }
0x14c: {  	[sflag:s10] =	ssyncadd.s32 $0xFFFFE000  }
0x14d: {  	s13 =	simm.s32 $0x0;
	_ =	swait.ge [sflag:s10], $0x2000  }
0x14e: {  	s16 =	sand.u32 $0x1C00, s13;
	s18 =	sand.u32 $0x380, s13;
	[sflag:s10] =	ssyncset.done $0x0  }
0x14f: {  	s17 =	sor.u32 s18, s16;
	[sflag:s10] =	ssyncadd.s32 $0xFFFFE000  }
0x150: {  	v0 =	vld [tilespmem:s17+$0x2000]  }
0x151: {  	v1 =	vld [tilespmem:s17+$0x2020]  }
0x152: {  	v18 =	vld [tilespmem:s17+$0x1A000]  }
0x153: {  	v2 =	vld [tilespmem:s17+$0x2030]  }
0x154: {  	v20 =	vld [tilespmem:s17+$0x1A030]  }
0x155: {  	v21 =	vld [tilespmem:s17+$0x1A050]  }
0x156: {  	v22 =	vld [tilespmem:s17+$0x1A040]  }
0x157: {  	v3 =	vld [tilespmem:s17+$0x2040]  }
0x158: {  	v4 =	vld [tilespmem:s17+$0x2010]  }
0x159: {  	v17 =	vld [tilespmem:s17+$0x1A010]  }
0x15a: {  	v19 =	vld [tilespmem:s17+$0x1A020]  }
0x15b: {  	v5 =	vld [tilespmem:s17+$0x2050]  }
0x15c: {  	s2 =	sor.u32 s16, s13;
	v6 =	vld [tilespmem:s17+$0x2060];
	v7 =	vadd.f32 v0, v18  }
0x15d: {  	s16 =	sor.u32 $0x70, s2;
	v23 =	vld [tilespmem:s17+$0x1A060];
	v3 =	vadd.f32 v3, v22  }
0x15e: {  	v0 =	vld [tilespmem:s16+$0x1A000];
	v4 =	vadd.f32 v4, v17;
	[tilespmem:s17+$0x10000] =	vst v7  }
0x15f: {  	v2 =	vadd.f32 v2, v20;
	[tilespmem:s17+$0x10040] =	vst v3  }
0x160: {  	v1 =	vadd.f32 v1, v19;
	[tilespmem:s17+$0x10010] =	vst v4  }
0x161: {  	v3 =	vadd.f32 v5, v21;
	[tilespmem:s17+$0x10030] =	vst v2  }
0x162: {  	v2 =	vadd.f32 v6, v23;
	[tilespmem:s17+$0x10020] =	vst v1  }
0x163: {  	[tilespmem:s17+$0x10050] =	vst v3  }
0x164: {  	s20 =	simm.s32 $0x400;
	s19 =	simm.s32 $0x10;
	[tilespmem:s17+$0x10060] =	vst v2  }
0x165: {  	s21 =	sand.u32 $0x380, s19;
	s4 =	sand.u32 $0x1C00, s20;
	v1 =	vld [tilespmem:s16+$0x2000]  }
0x166: {  	s18 =	sor.u32 s21, s4  }
0x167: {  	v11 =	vld [tilespmem:s18+$0x2000]  }
0x168: {  	v12 =	vld [tilespmem:s18+$0x2020]  }
0x169: {  	v13 =	vld [tilespmem:s18+$0x2030]  }
0x16a: {  	v15 =	vld [tilespmem:s18+$0x2040];
	v1 =	vadd.f32 v1, v0  }
0x16b: {  	v16 =	vld [tilespmem:s18+$0x2060]  }
0x16c: {  	v4 =	vld [tilespmem:s18+$0x1A030];
	[tilespmem:s16+$0x10000] =	vst v1  }
0x16d: {  	v1 =	vld [tilespmem:s17+$0x6000]  }
0x16e: {  	v6 =	vld [tilespmem:s18+$0x1A050]  }
0x16f: {  	v7 =	vld [tilespmem:s17+$0x6020]  }
0x170: {  	v5 =	vld [tilespmem:s17+$0x6030]  }
0x171: {  	v9 =	vld [tilespmem:s17+$0x6040]  }
0x172: {  	v8 =	vld [tilespmem:s17+$0x6050];
	v1 =	vadd.f32 v1, v18  }
0x173: {  	v10 =	vld [tilespmem:s17+$0x6060]  }
0x174: {  	v14 =	vadd.f32 v7, v19;
	[tilespmem:s17+$0x12000] =	vst v1;
	v1 =	vld [tilespmem:s17+$0x6010]  }
0x175: {  	v2 =	vld [tilespmem:s18+$0x1A000];
	v5 =	vadd.f32 v5, v20  }
0x176: {  	v7 =	vld [tilespmem:s18+$0x1A040];
	v9 =	vadd.f32 v9, v22;
	[tilespmem:s17+$0x12020] =	vst v14  }
0x177: {  	v8 =	vadd.f32 v8, v21;
	v14 =	vld [tilespmem:s18+$0x2010];
	[tilespmem:s17+$0x12030] =	vst v5  }
0x178: {  	v10 =	vadd.f32 v10, v23;
	[tilespmem:s17+$0x12040] =	vst v9;
	v9 =	vld [tilespmem:s18+$0x2050]  }
0x179: {  	v5 =	vld [tilespmem:s18+$0x1A010];
	[tilespmem:s17+$0x12050] =	vst v8;
	v1 =	vadd.f32 v1, v17  }
0x17a: {  	s2 =	sor.u32 s4, s19;
	v3 =	vld [tilespmem:s18+$0x1A020];
	[tilespmem:s17+$0x12060] =	vst v10;
	v10 =	vadd.f32 v11, v2  }
0x17b: {  	s19 =	sor.u32 $0x70, s2;
	v8 =	vld [tilespmem:s18+$0x1A060];
	v11 =	vadd.f32 v15, v7;
	[tilespmem:s17+$0x12010] =	vst v1  }
0x17c: {  	v13 =	vadd.f32 v13, v4;
	v1 =	vld [tilespmem:s19+$0x1A000];
	[tilespmem:s18+$0x10000] =	vst v10  }
0x17d: {  	v9 =	vadd.f32 v9, v6;
	[tilespmem:s18+$0x10040] =	vst v11  }
0x17e: {  	v10 =	vadd.f32 v14, v5;
	[tilespmem:s18+$0x10030] =	vst v13  }
0x17f: {  	s22 =	simm.s32 $0x20;
	s25 =	simm.s32 $0x800;
	v12 =	vadd.f32 v12, v3;
	[tilespmem:s18+$0x10050] =	vst v9;
	v11 =	vld [tilespmem:s16+$0x6000]  }
0x180: {  	s30 =	sand.u32 $0x380, s22;
	s4 =	sand.u32 $0x1C00, s25;
	[tilespmem:s18+$0x10010] =	vst v10;
	v10 =	vadd.f32 v16, v8  }
0x181: {  	s20 =	sor.u32 s30, s4;
	[tilespmem:s18+$0x10020] =	vst v12  }
0x182: {  	v30 =	vld [tilespmem:s20+$0x2000];
	[tilespmem:s18+$0x10060] =	vst v10  }
0x183: {  	v10 =	vld [tilespmem:s19+$0x2000]  }
0x184: {  	v31 =	vld [tilespmem:s20+$0x2020];
	v9 =	vadd.f32 v11, v0  }
0x185: {  	v55 =	vld [tilespmem:s20+$0x2040]  }
0x186: {  	v56 =	vld [tilespmem:s20+$0x2010];
	[tilespmem:s16+$0x12000] =	vst v9  }
0x187: {  	v14 =	vld [tilespmem:s17+$0xA000]  }
0x188: {  	v11 =	vld [tilespmem:s17+$0xA010];
	v9 =	vadd.f32 v10, v1  }
0x189: {  	v13 =	vld [tilespmem:s17+$0xA020]  }
0x18a: {  	v16 =	vld [tilespmem:s17+$0xA030];
	[tilespmem:s19+$0x10000] =	vst v9  }
0x18b: {  	v9 =	vld [tilespmem:s18+$0x6000]  }
0x18c: {  	v10 =	vld [tilespmem:s18+$0x6030]  }
0x18d: {  	v25 =	vld [tilespmem:s18+$0x6050]  }
0x18e: {  	v27 =	vld [tilespmem:s18+$0x6060]  }
0x18f: {  	v12 =	vld [tilespmem:s18+$0x6020];
	v16 =	vadd.f32 v16, v20  }
0x190: {  	v26 =	vld [tilespmem:s18+$0x6040];
	v9 =	vadd.f32 v9, v2  }
0x191: {  	v29 =	vld [tilespmem:s18+$0x6010];
	[tilespmem:s17+$0x14030] =	vst v16;
	v10 =	vadd.f32 v10, v4  }
0x192: {  	v15 =	vld [tilespmem:s17+$0xA060];
	v25 =	vadd.f32 v25, v6;
	[tilespmem:s18+$0x12000] =	vst v9  }
0x193: {  	v24 =	vld [tilespmem:s17+$0xA040];
	v27 =	vadd.f32 v27, v8;
	[tilespmem:s18+$0x12030] =	vst v10  }
0x194: {  	v28 =	vld [tilespmem:s17+$0xA050];
	v9 =	vadd.f32 v12, v3;
	[tilespmem:s18+$0x12050] =	vst v25  }
0x195: {  	v54 =	vadd.f32 v11, v17;
	v11 =	vld [tilespmem:s20+$0x1A020];
	v12 =	vadd.f32 v26, v7;
	[tilespmem:s18+$0x12060] =	vst v27  }
0x196: {  	v16 =	vadd.f32 v14, v18;
	v14 =	vld [tilespmem:s20+$0x1A010];
	v25 =	vadd.f32 v29, v5;
	[tilespmem:s18+$0x12020] =	vst v9  }
0x197: {  	v26 =	vld [tilespmem:s20+$0x2030];
	[tilespmem:s18+$0x12040] =	vst v12  }
0x198: {  	v15 =	vadd.f32 v15, v23;
	v10 =	vld [tilespmem:s20+$0x1A030];
	[tilespmem:s18+$0x12010] =	vst v25  }
0x199: {  	v24 =	vadd.f32 v24, v22;
	[tilespmem:s17+$0x14010] =	vst v54;
	v25 =	vld [tilespmem:s19+$0x6000]  }
0x19a: {  	[tilespmem:s17+$0x14060] =	vst v15;
	v27 =	vadd.f32 v13, v19;
	v9 =	vld [tilespmem:s20+$0x1A000]  }
0x19b: {  	v15 =	vadd.f32 v28, v21;
	[tilespmem:s17+$0x14040] =	vst v24;
	v12 =	vld [tilespmem:s20+$0x1A050]  }
0x19c: {  	[tilespmem:s17+$0x14020] =	vst v27;
	v27 =	vld [tilespmem:s20+$0x2050]  }
0x19d: {  	v24 =	vld [tilespmem:s20+$0x2060];
	[tilespmem:s17+$0x14050] =	vst v15  }
0x19e: {  	[tilespmem:s17+$0x14000] =	vst v16;
	v15 =	vld [tilespmem:s20+$0x1A060];
	v16 =	vadd.f32 v25, v1  }
0x19f: {  	s2 =	sor.u32 s4, s22;
	v57 =	vld [tilespmem:s16+$0xA000];
	v25 =	vadd.f32 v30, v9  }
0x1a0: {  	s9 =	sor.u32 $0x70, s2;
	v13 =	vld [tilespmem:s20+$0x1A040];
	v26 =	vadd.f32 v26, v10;
	[tilespmem:s19+$0x12000] =	vst v16  }
0x1a1: {  	v27 =	vadd.f32 v27, v12;
	v16 =	vld [tilespmem:s9+$0x1A000];
	[tilespmem:s20+$0x10000] =	vst v25  }
0x1a2: {  	v25 =	vadd.f32 v56, v14;
	[tilespmem:s20+$0x10030] =	vst v26;
	v58 =	vld [tilespmem:s18+$0xA000]  }
0x1a3: {  	v24 =	vadd.f32 v24, v15;
	[tilespmem:s20+$0x10050] =	vst v27;
	v26 =	vld [tilespmem:s18+$0xA060]  }
0x1a4: {  	v30 =	vadd.f32 v57, v0;
	[tilespmem:s20+$0x10010] =	vst v25;
	v25 =	vld [tilespmem:s18+$0xA020]  }
0x1a5: {  	v29 =	vadd.f32 v55, v13;
	[tilespmem:s20+$0x10060] =	vst v24;
	v24 =	vld [tilespmem:s18+$0xA040]  }
0x1a6: {  	v31 =	vadd.f32 v31, v11;
	[tilespmem:s16+$0x14000] =	vst v30;
	v27 =	vld [tilespmem:s18+$0xA030]  }
0x1a7: {  	[tilespmem:s20+$0x10040] =	vst v29;
	v61 =	vld [tilespmem:s17+$0xE060]  }
0x1a8: {  	[tilespmem:s20+$0x10020] =	vst v31;
	v60 =	vld [tilespmem:s18+$0xA050];
	v26 =	vadd.f32 v26, v8  }
0x1a9: {  	v32 =	vld [tilespmem:s9+$0x2000];
	v25 =	vadd.f32 v25, v3  }
0x1aa: {  	v59 =	vld [tilespmem:s18+$0xA010];
	v24 =	vadd.f32 v24, v7;
	[tilespmem:s18+$0x14060] =	vst v26  }
0x1ab: {  	v30 =	vld [tilespmem:s17+$0xE030];
	[tilespmem:s18+$0x14020] =	vst v25;
	v25 =	vadd.f32 v27, v4  }
0x1ac: {  	v23 =	vadd.f32 v61, v23;
	v26 =	vld [tilespmem:s17+$0xE040];
	[tilespmem:s18+$0x14040] =	vst v24  }
0x1ad: {  	v24 =	vld [tilespmem:s17+$0xE000];
	[tilespmem:s18+$0x14030] =	vst v25;
	v25 =	vadd.f32 v60, v6  }
0x1ae: {  	v62 =	vadd.f32 v32, v16;
	[tilespmem:s17+$0x16060] =	vst v23;
	v27 =	vld [tilespmem:s17+$0xE050]  }
0x1af: {  	v29 =	vadd.f32 v59, v5;
	[tilespmem:s18+$0x14050] =	vst v25;
	v25 =	vld [tilespmem:s17+$0xE020]  }
0x1b0: {  	v63 =	vld [tilespmem:s17+$0xE010];
	v23 =	vadd.f32 v30, v20;
	[tilespmem:s9+$0x10000] =	vst v62  }
0x1b1: {  	[tilespmem:s18+$0x14010] =	vst v29;
	v31 =	vld [tilespmem:s20+$0x6000];
	v26 =	vadd.f32 v26, v22  }
0x1b2: {  	[tilespmem:s17+$0x16030] =	vst v23;
	v20 =	vld [tilespmem:s20+$0x6050];
	v24 =	vadd.f32 v24, v18  }
0x1b3: {  	v23 =	vld [tilespmem:s20+$0x6060];
	v27 =	vadd.f32 v27, v21;
	[tilespmem:s17+$0x16040] =	vst v26  }
0x1b4: {  	v22 =	vld [tilespmem:s20+$0x6020];
	[tilespmem:s17+$0x16000] =	vst v24;
	v25 =	vadd.f32 v25, v19  }
0x1b5: {  	v17 =	vadd.f32 v63, v17;
	v21 =	vld [tilespmem:s20+$0x6030];
	[tilespmem:s17+$0x16050] =	vst v27  }
0x1b6: {  	s13 =	simm.s32 $0xC00;
	s2 =	simm.s32 $0x30;
	v18 =	vadd.f32 v58, v2;
	v24 =	vadd.f32 v31, v9;
	v19 =	vld [tilespmem:s20+$0x6040];
	[tilespmem:s17+$0x16020] =	vst v25  }
.LBB2_5:
0x1b7: {  	s4 =	sand.u32 $0x1C00, s13;
	s21 =	sand.u32 $0x380, s2;
	s22 =	smov.u32 s2  }
0x1b8: {  	[tilespmem:s17+$0x16010] =	vst v17;
	s25 =	sadd.s32 $0x10, s2;
	s17 =	smov.u32 s18;
	s18 =	smov.u32 s20  }
0x1b9: {  	p1 =	sne.s32 s2, $0x3F0;
	s20 =	sor.u32 s21, s4;
	s4 =	sor.u32 s4, s22;
	[tilespmem:s18+$0x12000] =	vst v24;
	v17 =	vadd.f32 v22, v11;
	v22 =	vld [tilespmem:s16+$0xE000]  }
0x1ba: {  	v21 =	vadd.f32 v21, v10;
	v24 =	vld [tilespmem:s18+$0x6010];
	[tilespmem:s17+$0x14000] =	vst v18  }
0x1bb: {  	v18 =	vld [tilespmem:s20+$0x2000];
	[tilespmem:s18+$0x12020] =	vst v17;
	v19 =	vadd.f32 v19, v13  }
0x1bc: {  	v20 =	vadd.f32 v20, v12;
	v25 =	vld [tilespmem:s20+$0x2020]  }
0x1bd: {  	v17 =	vld [tilespmem:s20+$0x1A000];
	[tilespmem:s18+$0x12030] =	vst v21;
	v21 =	vadd.f32 v23, v15  }
0x1be: {  	v23 =	vld [tilespmem:s20+$0x2030];
	[tilespmem:s18+$0x12040] =	vst v19;
	v19 =	vadd.f32 v22, v0;
	v0 =	vmov v1;
	v1 =	vmov v16  }
0x1bf: {  	v22 =	vld [tilespmem:s20+$0x1A030];
	[tilespmem:s18+$0x12050] =	vst v20  }
0x1c0: {  	v16 =	vadd.f32 v24, v14;
	v20 =	vld [tilespmem:s20+$0x1A050];
	[tilespmem:s16+$0x16000] =	vst v19;
	s16 =	smov.u32 s19;
	s19 =	smov.u32 s9  }
0x1c1: {  	v19 =	vld [tilespmem:s20+$0x1A020];
	[tilespmem:s18+$0x12060] =	vst v21  }
0x1c2: {  	v21 =	vld [tilespmem:s20+$0x1A040];
	[tilespmem:s18+$0x12010] =	vst v16  }
0x1c3: {  	s9 =	sor.u32 $0x70, s4;
	v16 =	vld [tilespmem:s19+$0x6000]  }
0x1c4: {  	v24 =	vld [tilespmem:s20+$0x2050]  }
0x1c5: {  	v26 =	vld [tilespmem:s20+$0x2040]  }
0x1c6: {  	v27 =	vld [tilespmem:s20+$0x2010];
	v25 =	vadd.f32 v25, v19  }
0x1c7: {  	v28 =	vld [tilespmem:s20+$0x1A010]  }
0x1c8: {  	v29 =	vld [tilespmem:s20+$0x2060];
	v16 =	vadd.f32 v16, v1  }
0x1c9: {  	v30 =	vld [tilespmem:s20+$0x1A060];
	v24 =	vadd.f32 v24, v20  }
0x1ca: {  	v18 =	vadd.f32 v18, v17;
	v26 =	vadd.f32 v26, v21;
	[tilespmem:s19+$0x12000] =	vst v16;
	v31 =	vld [tilespmem:s16+$0xA000]  }
0x1cb: {  	v16 =	vld [tilespmem:s9+$0x1A000]  }
0x1cc: {  	[tilespmem:s20+$0x10000] =	vst v18;
	v18 =	vadd.f32 v27, v28;
	v27 =	vld [tilespmem:s18+$0xA000]  }
0x1cd: {  	v23 =	vadd.f32 v23, v22;
	[tilespmem:s20+$0x10040] =	vst v26;
	v26 =	vld [tilespmem:s18+$0xA010]  }
0x1ce: {  	[tilespmem:s20+$0x10010] =	vst v18;
	v32 =	vld [tilespmem:s18+$0xA020]  }
0x1cf: {  	v18 =	vadd.f32 v29, v30;
	[tilespmem:s20+$0x10030] =	vst v23;
	v23 =	vld [tilespmem:s18+$0xA060];
	v29 =	vadd.f32 v31, v0  }
0x1d0: {  	[tilespmem:s20+$0x10050] =	vst v24;
	v24 =	vld [tilespmem:s18+$0xA030]  }
0x1d1: {  	[tilespmem:s20+$0x10060] =	vst v18;
	v18 =	vadd.f32 v27, v9;
	v27 =	vld [tilespmem:s18+$0xA040]  }
0x1d2: {  	[tilespmem:s20+$0x10020] =	vst v25;
	v25 =	vadd.f32 v26, v14;
	v26 =	vld [tilespmem:s18+$0xA050]  }
0x1d3: {  	v31 =	vld [tilespmem:s9+$0x2000];
	v32 =	vadd.f32 v32, v11;
	[tilespmem:s16+$0x14000] =	vst v29  }
0x1d4: {  	[tilespmem:s18+$0x14010] =	vst v25;
	v23 =	vadd.f32 v23, v15;
	v25 =	vld [tilespmem:s17+$0xE060]  }
0x1d5: {  	[tilespmem:s18+$0x14020] =	vst v32;
	v24 =	vadd.f32 v24, v10;
	v29 =	vld [tilespmem:s17+$0xE050]  }
0x1d6: {  	v27 =	vadd.f32 v27, v13;
	[tilespmem:s18+$0x14060] =	vst v23;
	v23 =	vld [tilespmem:s17+$0xE040]  }
0x1d7: {  	[tilespmem:s18+$0x14030] =	vst v24;
	v24 =	vadd.f32 v26, v12;
	v26 =	vld [tilespmem:s17+$0xE030]  }
0x1d8: {  	v31 =	vadd.f32 v31, v16;
	[tilespmem:s18+$0x14040] =	vst v27;
	v27 =	vld [tilespmem:s17+$0xE000]  }
0x1d9: {  	[tilespmem:s18+$0x14050] =	vst v24;
	v24 =	vld [tilespmem:s17+$0xE020];
	v25 =	vadd.f32 v25, v8;
	v8 =	vmov v15;
	v15 =	vmov v30  }
0x1da: {  	[tilespmem:s9+$0x10000] =	vst v31;
	v30 =	vld [tilespmem:s17+$0xE010];
	v29 =	vadd.f32 v29, v6;
	v6 =	vmov v12;
	v12 =	vmov v20  }
0x1db: {  	v31 =	vld [tilespmem:s20+$0x6000];
	v20 =	vadd.f32 v23, v7;
	[tilespmem:s17+$0x16060] =	vst v25;
	v7 =	vmov v13;
	v13 =	vmov v21  }
.Ltmp3:
0x1dc: {  	v21 =	vld [tilespmem:s20+$0x6030];
	v23 =	vadd.f32 v26, v4;
	[tilespmem:s17+$0x16050] =	vst v29;
	v4 =	vmov v10;
	v10 =	vmov v22;
	(pc) =	sbr.rel @p1 .LBB2_5-.Ltmp3, $4  }
0x1dd: {  	v22 =	vld [tilespmem:s20+$0x6020];
	v25 =	vadd.f32 v27, v2;
	[tilespmem:s17+$0x16040] =	vst v20;
	v2 =	vmov v9;
	v9 =	vmov v17  }
0x1de: {  	v20 =	vld [tilespmem:s20+$0x6050];
	v26 =	vadd.f32 v24, v3;
	[tilespmem:s17+$0x16030] =	vst v23;
	v3 =	vmov v11;
	v11 =	vmov v19  }
0x1df: {  	v19 =	vld [tilespmem:s20+$0x6040];
	[tilespmem:s17+$0x16000] =	vst v25;
	v17 =	vadd.f32 v30, v5;
	v5 =	vmov v14;
	v14 =	vmov v28  }
0x1e0: {  	s13 =	sadd.s32 $0x400, s13;
	s2 =	smov.u32 s25;
	v24 =	vadd.f32 v31, v9;
	v23 =	vld [tilespmem:s20+$0x6060];
	[tilespmem:s17+$0x16020] =	vst v26  }
0x1e1: {  	v33 =	vld [tilespmem:s20+$0x6010];
	v21 =	vadd.f32 v21, v10  }
0x1e2: {  	[tilespmem:s20+$0x12000] =	vst v24;
	v22 =	vadd.f32 v22, v11  }
0x1e3: {  	v20 =	vadd.f32 v20, v12;
	[tilespmem:s20+$0x12030] =	vst v21  }
0x1e4: {  	[tilespmem:s20+$0x12020] =	vst v22;
	v19 =	vadd.f32 v19, v13  }
0x1e5: {  	v34 =	vadd.f32 v23, v15;
	[tilespmem:s20+$0x12050] =	vst v20  }
0x1e6: {  	[tilespmem:s20+$0x12040] =	vst v19;
	v35 =	vadd.f32 v33, v14  }
0x1e7: {  	[tilespmem:s20+$0x12060] =	vst v34  }
0x1e8: {  	[tilespmem:s20+$0x12010] =	vst v35  }
0x1e9: {  	v19 =	vld [tilespmem:s9+$0x6000];
	_ =	sdelay $0x4  }
0x1ea: {  	v19 =	vadd.f32 v19, v16;
	_ =	sdelay $0x1  }
0x1eb: {  	[tilespmem:s9+$0x12000] =	vst v19  }
0x1ec: {  	v19 =	vld [tilespmem:s20+$0xA010]  }
0x1ed: {  	v36 =	vld [tilespmem:s20+$0xA020]  }
0x1ee: {  	v37 =	vld [tilespmem:s20+$0xA060]  }
0x1ef: {  	v38 =	vld [tilespmem:s20+$0xA030]  }
0x1f0: {  	v39 =	vld [tilespmem:s20+$0xA040]  }
0x1f1: {  	v40 =	vld [tilespmem:s20+$0xA050];
	v19 =	vadd.f32 v19, v14  }
0x1f2: {  	[tilespmem:s18+$0x14000] =	vst v18;
	v41 =	vld [tilespmem:s20+$0xA000];
	v20 =	vadd.f32 v36, v11  }
0x1f3: {  	v42 =	vld [tilespmem:s19+$0xA000];
	v21 =	vadd.f32 v37, v15;
	[tilespmem:s20+$0x14010] =	vst v19  }
0x1f4: {  	v43 =	vadd.f32 v38, v10;
	[tilespmem:s20+$0x14020] =	vst v20  }
0x1f5: {  	v44 =	vadd.f32 v39, v13;
	[tilespmem:s20+$0x14060] =	vst v21  }
0x1f6: {  	v45 =	vadd.f32 v40, v12;
	[tilespmem:s20+$0x14030] =	vst v43  }
0x1f7: {  	v18 =	vadd.f32 v41, v9;
	[tilespmem:s20+$0x14040] =	vst v44  }
0x1f8: {  	v19 =	vadd.f32 v42, v1;
	[tilespmem:s20+$0x14050] =	vst v45  }
0x1f9: {  	[tilespmem:s20+$0x14000] =	vst v18  }
0x1fa: {  	v18 =	vld [tilespmem:s9+$0xA000];
	[tilespmem:s19+$0x14000] =	vst v19  }
0x1fb: {  	v19 =	vld [tilespmem:s18+$0xE060]  }
0x1fc: {  	v46 =	vld [tilespmem:s18+$0xE050]  }
0x1fd: {  	v47 =	vld [tilespmem:s18+$0xE040]  }
0x1fe: {  	v48 =	vld [tilespmem:s18+$0xE030]  }
0x1ff: {  	v49 =	vld [tilespmem:s18+$0xE000];
	v18 =	vadd.f32 v18, v16  }
0x200: {  	[tilespmem:s17+$0x16010] =	vst v17;
	v50 =	vld [tilespmem:s18+$0xE020];
	v8 =	vadd.f32 v19, v8  }
0x201: {  	v51 =	vld [tilespmem:s18+$0xE010];
	v6 =	vadd.f32 v46, v6;
	[tilespmem:s9+$0x14000] =	vst v18  }
0x202: {  	v7 =	vadd.f32 v47, v7;
	v52 =	vld [tilespmem:s20+$0xE060];
	[tilespmem:s18+$0x16060] =	vst v8  }
0x203: {  	v4 =	vadd.f32 v48, v4;
	v53 =	vld [tilespmem:s20+$0xE050];
	[tilespmem:s18+$0x16050] =	vst v6  }
0x204: {  	v2 =	vadd.f32 v49, v2;
	v54 =	vld [tilespmem:s20+$0xE040];
	[tilespmem:s18+$0x16040] =	vst v7  }
0x205: {  	v3 =	vadd.f32 v50, v3;
	v55 =	vld [tilespmem:s20+$0xE030];
	[tilespmem:s18+$0x16030] =	vst v4  }
0x206: {  	v56 =	vadd.f32 v51, v5;
	v57 =	vld [tilespmem:s20+$0xE000];
	[tilespmem:s18+$0x16000] =	vst v2  }
0x207: {  	v58 =	vld [tilespmem:s20+$0xE020];
	[tilespmem:s18+$0x16020] =	vst v3;
	v8 =	vadd.f32 v52, v15  }
0x208: {  	v59 =	vld [tilespmem:s20+$0xE010];
	[tilespmem:s18+$0x16010] =	vst v56;
	v6 =	vadd.f32 v53, v12  }
0x209: {  	v7 =	vadd.f32 v54, v13;
	[tilespmem:s20+$0x16060] =	vst v8  }
0x20a: {  	v4 =	vadd.f32 v55, v10;
	[tilespmem:s20+$0x16050] =	vst v6  }
0x20b: {  	v5 =	vadd.f32 v57, v9;
	[tilespmem:s20+$0x16040] =	vst v7  }
0x20c: {  	v3 =	vadd.f32 v58, v11;
	[tilespmem:s20+$0x16030] =	vst v4  }
0x20d: {  	v2 =	vadd.f32 v59, v14;
	[tilespmem:s20+$0x16000] =	vst v5  }
0x20e: {  	v60 =	vld [tilespmem:s16+$0xE000];
	[tilespmem:s20+$0x16020] =	vst v3  }
0x20f: {  	v61 =	vld [tilespmem:s19+$0xE000];
	[tilespmem:s20+$0x16010] =	vst v2  }
0x210: {  	v2 =	vld [tilespmem:s9+$0xE000];
	_ =	sdelay $0x2  }
0x211: {  	v0 =	vadd.f32 v60, v0  }
0x212: {  	s2 =	sor.u32 $0x8, s15;
	v62 =	vadd.f32 v61, v1  }
0x213: {  	s4 =	sadd.s32 s6, s2;
	[tilespmem:s16+$0x16000] =	vst v0;
	v63 =	vadd.f32 v2, v16  }
0x214: {  	s22 =	sadd.s32 s7, s2;
	s4 =	sshll.u32 s4, $0x7;
	[tilespmem:s19+$0x16000] =	vst v62  }
0x215: {  	s25 =	sshll.u32 s22, $0x7;
	s4 =	sadd.s32 s3, s4;
	[tilespmem:s9+$0x16000] =	vst v63  }
0x216: {  	[hbm4b:s4+s5] =	stream.linear.scatter [tilespmem:s28], [sflag:$0x5], $0x2000, $0x38;
	[tilespmem:$0x1C000] =	vst v63  }
0x217: {  	s28 =	sadd.s32 s11, s2;
	s4 =	sadd.s32 s3, s25  }
0x218: {  	[hbm4b:s4+s5] =	stream.linear.scatter [tilespmem:s26], [sflag:$0x5], $0x2000, $0x38;
	[tilespmem:$0x1C000] =	vst v63  }
.Ltmp4:
0x219: {  	s2 =	sadd.s32 s12, s2;
	s30 =	sshll.u32 s28, $0x7;
	(pc) =	sbr.rel @p0 .LBB2_8-.Ltmp4, $4  }
0x21a: {  	s2 =	sshll.u32 s2, $0x7;
	s4 =	sadd.s32 s3, s30  }
0x21b: {  	[hbm4b:s4+s5] =	stream.linear.scatter [tilespmem:s29], [sflag:$0x5], $0x2000, $0x38;
	[tilespmem:$0x1C000] =	vst v63  }
0x21c: {  	s2 =	sadd.s32 s3, s2  }
0x21d: {  	[hbm4b:s2+s5] =	stream.linear.scatter [tilespmem:s23], [sflag:$0x5], $0x2000, $0x38;
	[tilespmem:$0x1C000] =	vst v63  }
0x21e: {  	s2 =	sadd.s32 $0x18, s15  }
0x21f: {  	s4 =	sadd.s32 s6, s2  }
0x220: {  	s9 =	rddreg [dreg:$0x1];
	s4 =	sshll.u32 s4, $0x7  }
0x221: {  	s13 =	simm.s32 $0x1A000;
	s9 =	sadd.s32 s9, s4  }
0x222: {  	[tilespmem:s13], [sflag:$0x4] =	stream.linear.gather [hbm4b:s9+s5], $0x2000, $0x38;
	[tilespmem:$0x1C000] =	vst v63  }
0x223: {  	s22 =	simm.s32 $0x2000;
	s25 =	sadd.s32 s7, s2;
	s4 =	sadd.s32 s1, s4  }
0x224: {  	[tilespmem:s22], [sflag:$0x2] =	stream.linear.gather [hbm4b:s4+s5], $0x2000, $0x38;
	[tilespmem:$0x1C000] =	vst v63  }
0x225: {  	s4 =	sshll.u32 s25, $0x7  }
0x226: {  	s26 =	simm.s32 $0x6000;
	s28 =	sadd.s32 s11, s2;
	s4 =	sadd.s32 s1, s4  }
0x227: {  	[tilespmem:s26], [sflag:$0x2] =	stream.linear.gather [hbm4b:s4+s5], $0x2000, $0x38;
	[tilespmem:$0x1C000] =	vst v63  }
.Ltmp5:
0x228: {  	s2 =	sadd.s32 s12, s2;
	s4 =	sshll.u32 s28, $0x7;
	(pc) =	sbr.rel .LBB2_2-.Ltmp5, $4  }
0x229: {  	s29 =	simm.s32 $0xA000;
	s2 =	sshll.u32 s2, $0x7;
	s4 =	sadd.s32 s1, s4  }
0x22a: {  	[tilespmem:s29], [sflag:$0x2] =	stream.linear.gather [hbm4b:s4+s5], $0x2000, $0x38;
	[tilespmem:$0x1C000] =	vst v63  }
0x22b: {  	s30 =	simm.s32 $0xE000;
	s14 =	sadd.s32 $0x1, s14;
	s2 =	sadd.s32 s1, s2  }
0x22c: {  	[tilespmem:s30], [sflag:$0x2] =	stream.linear.gather [hbm4b:s2+s5], $0x2000, $0x38;
	[tilespmem:$0x1C000] =	vst v63  }
.LBB2_9:
0x22d: {  	_ =	sfence.sel $0x180000  }
0x22e: {  	[bflag:$0x0] =	sbarrier.arrive $0xFFFF  }
0x22f: {  	_ =	strace $0x90000047  }
0x230: {  	s0 =	stileid.u32;
	[bflag:$0x2] =	sbarrier.arrive $0xFFFF  }
0x231: {  	p0 =	sne.s32 s0, $0x0;
	s0 =	rddreg [dreg:$0x3]  }
0x232: {  	s0 =	sadd.s32 @!p0 $0x100000, s0  }
0x233: {  	[sflag:s0] =	ssyncadd.tile.s32 @!p0 $0x1;
	_ =	shalt  }
.Lfunc_end2:
_tile_overlayer_lowered:
.L_overlay_start_2:
0x234: {  	(tag) =	ssettag $0x2  }
0x235: {  	s0 =	rddreg [dreg:$0x0];
	s2 =	stileid.u32  }
0x236: {  	s1 =	rddreg [dreg:$0x1];
	p0 =	sne.s32 s2, $0x0  }
0x237: {  	s3 =	rddreg [dreg:$0x2];
	[bflag:$0x3] =	sbarrier.arrive $0xFFFF;
	s2 =	simm.s32 @!p0 $0x1C06  }
0x238: {  	[timem:s3], [sflag:s2] =	dma.local @!p0 [hbm:s0], s1  }
0x239: {  	s0 =	simm.s32 @!p0 $0x6  }
0x23a: {  	_ =	swait.ge @!p0 [sflag:s0], s1  }
0x23b: {  	s1 =	ssub.s32 @!p0 $0x0, s1;
	[sflag:s0] =	ssyncset.done @!p0 $0x0  }
0x23c: {  	[sflag:s0] =	ssyncadd.s32 @!p0 s1  }
0x23d: {  	[bflag:$0x3] =	sbarrier.arrive $0xFFFF  }
0x23e: {  	_ =	shalt  }

</sc_bundles>
